<compile_context>
chip_gen: v7x
topology: tpu7x:2x2x1
jax: 0.10.2.dev20260603
libtpu: 0.0.44.dev20260713+nightly
codegen_flags: <defaults>
</compile_context>

<pallas_src>
import functools

import jax
import jax.numpy as jnp
from jax import lax
from jax.experimental import pallas as pl
from jax.experimental.pallas import tpu as pltpu
from jax.experimental.pallas import tpu_sc as plsc

B = 16384
D = 64
L = 16


def _worker_id(nc):
    return lax.axis_index("s") * nc + lax.axis_index("c")



def _sc_ce_body(nc, b_per_w, ce_t, cid, o_ce, idx_v, rows_v, sem):
    base = _worker_id(nc) * b_per_w
    pltpu.sync_copy(cid.at[pl.ds(base, b_per_w)], idx_v)

    def issue(j, _):
        vec = idx_v[pl.ds(j * L, L)]
        for k in range(L):
            pltpu.async_copy(ce_t.at[pl.ds(vec[k], 1)],
                             rows_v.at[pl.ds(j * L + k, 1)], sem)
        return _

    lax.fori_loop(0, b_per_w // L, issue, 0, unroll=False)
    pltpu.make_async_copy(ce_t.at[pl.ds(0, b_per_w)], rows_v, sem).wait()
    pltpu.sync_copy(rows_v, o_ce.at[pl.ds(base, b_per_w)])


@functools.lru_cache(maxsize=None)
def _make_sc_ce():
    info = plsc.get_sparse_core_info()
    b_per_w = B // (info.num_cores * info.num_subcores)
    mesh = plsc.VectorSubcoreMesh(core_axis_name="c", subcore_axis_name="s")
    return pl.kernel(
        functools.partial(_sc_ce_body, info.num_cores, b_per_w),
        mesh=mesh,
        out_type=jax.ShapeDtypeStruct((B, D), jnp.float32),
        scratch_types=[
            pltpu.VMEM((b_per_w,), jnp.int32),
            pltpu.VMEM((b_per_w, D), jnp.float32),
            pltpu.SemaphoreType.DMA,
        ],
    )



def _sc_rest_body(nc, b_per_w, pe_t, ty_t, ca_t, pid, tid, gid,
                  o_pe, o_ty, o_ca, idx_v, rows_v, sem):
    base = _worker_id(nc) * b_per_w
    for tab, idx, out in ((pe_t, pid, o_pe), (ty_t, tid, o_ty),
                          (ca_t, gid, o_ca)):
        pltpu.sync_copy(idx.at[pl.ds(base, b_per_w)], idx_v)

        def issue(j, _, tab=tab):
            vec = idx_v[pl.ds(j * L, L)]
            for k in range(L):
                pltpu.async_copy(tab.at[pl.ds(vec[k], 1)],
                                 rows_v.at[pl.ds(j * L + k, 1)], sem)
            return _

        lax.fori_loop(0, b_per_w // L, issue, 0, unroll=False)
        pltpu.make_async_copy(tab.at[pl.ds(0, b_per_w)], rows_v, sem).wait()
        pltpu.sync_copy(rows_v, out.at[pl.ds(base, b_per_w)])


@functools.lru_cache(maxsize=None)
def _make_sc_rest():
    info = plsc.get_sparse_core_info()
    b_per_w = B // (info.num_cores * info.num_subcores)
    mesh = plsc.VectorSubcoreMesh(core_axis_name="c", subcore_axis_name="s")
    return pl.kernel(
        functools.partial(_sc_rest_body, info.num_cores, b_per_w),
        mesh=mesh,
        out_type=[jax.ShapeDtypeStruct((B, D), jnp.float32)] * 3,
        scratch_types=[
            pltpu.VMEM((b_per_w,), jnp.int32),
            pltpu.VMEM((b_per_w, D), jnp.float32),
            pltpu.SemaphoreType.DMA,
        ],
    )



def _mlp_body(ce, pe, ty, ca, pw, pp,
              pw_w, pw_b, pp_w, pp_b,
              fc1_w, fc1_b, fc2_w, fc2_b, out_w, out_b, o_ref):
    f32 = jnp.float32
    dn = (((1,), (1,)), ((), ()))

    def bdot(a, b, d=dn):
        return lax.dot_general(a.astype(jnp.bfloat16), b.astype(jnp.bfloat16),
                               d, preferred_element_type=f32)

    power_emb = pw[...][:, None] * pw_w[...] + pw_b[...]
    price_emb = pp[...][:, None] * pp_w[...] + pp_b[...]
    x = jnp.concatenate(
        [ce[...], pe[...], ty[...], power_emb, ca[...], price_emb], axis=-1)
    h = jnp.maximum(bdot(x, fc1_w[...]) + fc1_b[...], 0.0)
    h = jnp.maximum(bdot(h, fc2_w[...]) + fc2_b[...], 0.0)
    o = jnp.sum(h * out_w[...], axis=1)
    o_ref[...] = o + out_b[0]


def _mlp(ce, pe, ty, ca, pw2, pp2, pw_w, pw_b, pp_w, pp_b,
         fc1_w, fc1_b, fc2_w, fc2_b, out_w, out_b):
    blk = 2048
    grid = (B // blk,)

    def row_spec(d):
        return pl.BlockSpec((blk, d), lambda i: (i, 0))

    def full_spec(shape):
        nd = len(shape)
        return pl.BlockSpec(shape, (lambda i: (0,) * nd))

    vec_spec = pl.BlockSpec((blk,), lambda i: (i,))
    in_specs = [
        row_spec(D), row_spec(D), row_spec(D), row_spec(D),
        vec_spec, vec_spec,
        full_spec(pw_w.shape), full_spec(pw_b.shape),
        full_spec(pp_w.shape), full_spec(pp_b.shape),
        full_spec(fc1_w.shape), full_spec(fc1_b.shape),
        full_spec(fc2_w.shape), full_spec(fc2_b.shape),
        full_spec(out_w.shape), full_spec(out_b.shape),
    ]
    return pl.pallas_call(
        _mlp_body,
        grid=grid,
        in_specs=in_specs,
        out_specs=pl.BlockSpec((blk,), lambda i: (i,)),
        out_shape=jax.ShapeDtypeStruct((B,), jnp.float32),
    )(ce, pe, ty, ca, pw2, pp2, pw_w, pw_b, pp_w, pp_b,
      fc1_w, fc1_b, fc2_w, fc2_b, out_w, out_b)


def kernel(customer_id, product_id, customer_type, purchasing_power,
           product_category, product_price,
           ce_table, pe_table, type_table, cat_table,
           pw_w, pw_b, pp_w, pp_b,
           fc1_w, fc1_b, fc2_w, fc2_b, out_w, out_b):
    pe, ty, ca = _make_sc_rest()(
        pe_table, type_table, cat_table,
        product_id, customer_type, product_category)
    ce = _make_sc_ce()(ce_table, customer_id)
    return _mlp(ce, pe, ty, ca,
                purchasing_power, product_price,
                pw_w.T, pw_b, pp_w.T, pp_b,
                fc1_w, fc1_b, fc2_w, fc2_b, out_w, out_b)

# --- scband reference (transcript-rebuilt; emitter-appended) ---
"""Pipeline reference for scband-ncfmodel-11081015624026 (READ-ONLY COPY).

The authoritative reference and input builder live on the scoring server;
editing this copy changes nothing except your own understanding.
"""

import jax, jax.numpy as jnp
import numpy as np

B = 16384
N_CUST = 1000000
N_PROD = 100000
TYPE_DIM = 1000
CAT_DIM = 1000
D = 64


def setup_inputs(seed: int = 0) -> dict:
    key = jax.random.key(seed)
    ks = jax.random.split(key, 20)
    inp = {}
    inp["customer_id"] = jax.random.randint(ks[0], (B,), 0, N_CUST, dtype=jnp.int32)
    inp["product_id"] = jax.random.randint(ks[1], (B,), 0, N_PROD, dtype=jnp.int32)
    inp["customer_type"] = jax.random.randint(ks[2], (B,), 0, TYPE_DIM, dtype=jnp.int32)
    inp["purchasing_power"] = jax.random.uniform(ks[3], (B,), dtype=jnp.float32)
    inp["product_category"] = jax.random.randint(ks[4], (B,), 0, CAT_DIM, dtype=jnp.int32)
    inp["product_price"] = jax.random.uniform(ks[5], (B,), dtype=jnp.float32)
    # learned parameters
    inp["ce_table"] = jax.random.normal(ks[6], (N_CUST, D), dtype=jnp.float32) * 0.02
    inp["pe_table"] = jax.random.normal(ks[7], (N_PROD, D), dtype=jnp.float32) * 0.02
    inp["type_table"] = jax.random.normal(ks[8], (TYPE_DIM, D), dtype=jnp.float32) * 0.02
    inp["cat_table"] = jax.random.normal(ks[9], (CAT_DIM, D), dtype=jnp.float32) * 0.02
    inp["pw_w"] = jax.random.normal(ks[10], (D, 1), dtype=jnp.float32) * 0.1
    inp["pw_b"] = jnp.zeros((D,), dtype=jnp.float32)
    inp["pp_w"] = jax.random.normal(ks[11], (D, 1), dtype=jnp.float32) * 0.1
    inp["pp_b"] = jnp.zeros((D,), dtype=jnp.float32)
    inp["fc1_w"] = jax.random.normal(ks[12], (64, D * 6), dtype=jnp.float32) * (1.0 / np.sqrt(D * 6))
    inp["fc1_b"] = jnp.zeros((64,), dtype=jnp.float32)
    inp["fc2_w"] = jax.random.normal(ks[13], (32, 64), dtype=jnp.float32) * (1.0 / 8.0)
    inp["fc2_b"] = jnp.zeros((32,), dtype=jnp.float32)
    inp["out_w"] = jax.random.normal(ks[14], (1, 32), dtype=jnp.float32) * (1.0 / np.sqrt(32.0))
    inp["out_b"] = jnp.zeros((1,), dtype=jnp.float32)
    return inp


def reference(customer_id, product_id, customer_type, purchasing_power,
              product_category, product_price,
              ce_table, pe_table, type_table, cat_table,
              pw_w, pw_b, pp_w, pp_b,
              fc1_w, fc1_b, fc2_w, fc2_b, out_w, out_b):
    customer_emb = jnp.take(ce_table, customer_id, axis=0)
    product_emb = jnp.take(pe_table, product_id, axis=0)
    type_emb = jnp.take(type_table, customer_type, axis=0)
    power_emb = purchasing_power[:, None] @ pw_w.T + pw_b
    category_emb = jnp.take(cat_table, product_category, axis=0)
    price_emb = product_price[:, None] @ pp_w.T + pp_b
    x = jnp.concatenate([customer_emb, product_emb, type_emb, power_emb, category_emb, price_emb], axis=-1)
    x = jax.nn.relu(x @ fc1_w.T + fc1_b)
    x = jax.nn.relu(x @ fc2_w.T + fc2_b)
    out = x @ out_w.T + out_b
    return jnp.squeeze(out, axis=-1)

if __name__ == "__main__":
    import jax
    _d = setup_inputs()
    print(jax.jit(kernel)(*tuple(_d.values())))

</pallas_src>

<mosaic_0001>
#map = affine_map<(d0, d1) -> (0, 0)>
#map1 = affine_map<(d0, d1) -> (0)>
module attributes {stable_mosaic.version = 14 : i64} {
  func.func @_sc_rest_body(%arg0: i32, %arg1: i32, %arg2: memref<100000x64xf32, #tpu.memory_space<hbm>>, %arg3: memref<1000x64xf32, #tpu.memory_space<hbm>>, %arg4: memref<1000x64xf32, #tpu.memory_space<hbm>>, %arg5: memref<16384xi32, #tpu.memory_space<hbm>>, %arg6: memref<16384xi32, #tpu.memory_space<hbm>>, %arg7: memref<16384xi32, #tpu.memory_space<hbm>>, %arg8: memref<16384x64xf32, #tpu.memory_space<hbm>>, %arg9: memref<16384x64xf32, #tpu.memory_space<hbm>>, %arg10: memref<16384x64xf32, #tpu.memory_space<hbm>>, %arg11: memref<512xi32, #tpu.memory_space<vmem>>, %arg12: memref<512x64xf32, #tpu.memory_space<vmem>>, %arg13: memref<!tpu.dma_semaphore, #tpu.memory_space<semaphore_mem>>) attributes {dimension_semantics = [#tpu.dimension_semantics<core_parallel>, #tpu.dimension_semantics<subcore_parallel>], iteration_bounds = array<i64: 2, 16>, scalar_prefetch = 0 : i64, scratch_operands = 3 : i64, tpu.core_type = #tpu.core_type<sc_vector_subcore>, window_params = [{transform_indices = #map}, {transform_indices = #map}, {transform_indices = #map}, {transform_indices = #map1}, {transform_indices = #map1}, {transform_indices = #map1}, {transform_indices = #map}, {transform_indices = #map}, {transform_indices = #map}]} {
    %mul3A = arith.constant 2 : i32
    %mul3A_0 = arith.muli %arg1, %mul3A : i32
    %add3A = arith.addi %mul3A_0, %arg0 : i32
    %mul3A_1 = arith.constant 512 : i32
    %mul3A_2 = arith.muli %add3A, %mul3A_1 : i32
    "tpu.region"() ({
      %run_scoped3A = tpu.sem_alloc : memref<!tpu.dma_semaphore, #tpu.memory_space<semaphore_mem>>
      %dma_start3A = tpu.memref_slice %arg5[%mul3A_2] : memref<16384xi32, #tpu.memory_space<hbm>> -> memref<512xi32, #tpu.memory_space<hbm>>
      %dma_start3A_37 = tpu.memref_slice %arg5[%mul3A_2] : memref<16384xi32, #tpu.memory_space<hbm>> -> memref<512xi32, #tpu.memory_space<hbm>>
      tpu.enqueue_dma source(%dma_start3A_37 : memref<512xi32, #tpu.memory_space<hbm>>) target(%arg11 : memref<512xi32, #tpu.memory_space<vmem>>) target_semaphore(%run_scoped3A : memref<!tpu.dma_semaphore, #tpu.memory_space<semaphore_mem>>)
      %dma_wait3A_38 = tpu.memref_slice %arg5[%mul3A_2] : memref<16384xi32, #tpu.memory_space<hbm>> -> memref<512xi32, #tpu.memory_space<hbm>>
      %dma_wait3A_39 = tpu.memref_slice %arg5[%mul3A_2] : memref<16384xi32, #tpu.memory_space<hbm>> -> memref<512xi32, #tpu.memory_space<hbm>>
      tpu.wait_dma2 semaphore(%run_scoped3A : memref<!tpu.dma_semaphore, #tpu.memory_space<semaphore_mem>>) src(%dma_wait3A_39 : memref<512xi32, #tpu.memory_space<hbm>>) dst(%arg11 : memref<512xi32, #tpu.memory_space<vmem>>)
      tpu.yield
    }) : () -> ()
    %scan3A = arith.constant 0 : i32
    %scan3A_3 = arith.constant 0 : i32
    %scan3A_4 = arith.constant 32 : i32
    %scan3A_5 = arith.addi %scan3A_3, %scan3A_4 : i32
    %scan3A_6 = arith.constant 1 : i32
    scf.for %scan3A_37 = %scan3A_3 to %scan3A_5 step %scan3A_6  : i32 {
      %mul3A_38 = arith.constant 16 : i32
      %mul3A_39 = arith.muli %scan3A_37, %mul3A_38 : i32
      %get3A = arith.index_cast %mul3A_39 : i32 to index
      %get3A_40 = tpu.vector_load %arg11[%get3A] {strides = array<i32>} : memref<512xi32, #tpu.memory_space<vmem>>, vector<16xi32>,
      %get3A_41 = vector.shape_cast %get3A_40 : vector<16xi32> to vector<16xi32>
      %slice3A = vector.extract_strided_slice %get3A_41 {offsets = [0], sizes = [1], strides = [1]} : vector<16xi32> to vector<1xi32>
      %squeeze3A = vector.extract %slice3A[0] : i32 from vector<1xi32>
      %mul3A_42 = arith.constant 16 : i32
      %mul3A_43 = arith.muli %scan3A_37, %mul3A_42 : i32
      %add3A_44 = arith.constant 0 : i32
      %add3A_45 = arith.addi %mul3A_43, %add3A_44 : i32
      %dma_start3A = arith.constant 0 : i32
      %dma_start3A_46 = tpu.memref_slice %arg12[%add3A_45, %dma_start3A] : memref<512x64xf32, #tpu.memory_space<vmem>> -> memref<1x64xf32, #tpu.memory_space<vmem>>
      %dma_start3A_47 = arith.constant 0 : i32
      %dma_start3A_48 = tpu.memref_slice %arg2[%squeeze3A, %dma_start3A_47] : memref<100000x64xf32, #tpu.memory_space<hbm>> -> memref<1x64xf32, #tpu.memory_space<hbm>>
      %dma_start3A_49 = arith.constant 0 : i32
      %dma_start3A_50 = tpu.memref_slice %arg12[%add3A_45, %dma_start3A_49] : memref<512x64xf32, #tpu.memory_space<vmem>> -> memref<1x64xf32, #tpu.memory_space<vmem>>
      %dma_start3A_51 = arith.constant 0 : i32
      %dma_start3A_52 = tpu.memref_slice %arg2[%squeeze3A, %dma_start3A_51] : memref<100000x64xf32, #tpu.memory_space<hbm>> -> memref<1x64xf32, #tpu.memory_space<hbm>>
      tpu.enqueue_dma source(%dma_start3A_52 : memref<1x64xf32, #tpu.memory_space<hbm>>) target(%dma_start3A_50 : memref<1x64xf32, #tpu.memory_space<vmem>>) target_semaphore(%arg13 : memref<!tpu.dma_semaphore, #tpu.memory_space<semaphore_mem>>)
      %slice3A_53 = vector.extract_strided_slice %get3A_41 {offsets = [1], sizes = [1], strides = [1]} : vector<16xi32> to vector<1xi32>
      %squeeze3A_54 = vector.extract %slice3A_53[0] : i32 from vector<1xi32>
      %mul3A_55 = arith.constant 16 : i32
      %mul3A_56 = arith.muli %scan3A_37, %mul3A_55 : i32
      %add3A_57 = arith.constant 1 : i32
      %add3A_58 = arith.addi %mul3A_56, %add3A_57 : i32
      %dma_start3A_59 = arith.constant 0 : i32
      %dma_start3A_60 = tpu.memref_slice %arg12[%add3A_58, %dma_start3A_59] : memref<512x64xf32, #tpu.memory_space<vmem>> -> memref<1x64xf32, #tpu.memory_space<vmem>>
      %dma_start3A_61 = arith.constant 0 : i32
      %dma_start3A_62 = tpu.memref_slice %arg2[%squeeze3A_54, %dma_start3A_61] : memref<100000x64xf32, #tpu.memory_space<hbm>> -> memref<1x64xf32, #tpu.memory_space<hbm>>
      %dma_start3A_63 = arith.constant 0 : i32
      %dma_start3A_64 = tpu.memref_slice %arg12[%add3A_58, %dma_start3A_63] : memref<512x64xf32, #tpu.memory_space<vmem>> -> memref<1x64xf32, #tpu.memory_space<vmem>>
      %dma_start3A_65 = arith.constant 0 : i32
      %dma_start3A_66 = tpu.memref_slice %arg2[%squeeze3A_54, %dma_start3A_65] : memref<100000x64xf32, #tpu.memory_space<hbm>> -> memref<1x64xf32, #tpu.memory_space<hbm>>
      tpu.enqueue_dma source(%dma_start3A_66 : memref<1x64xf32, #tpu.memory_space<hbm>>) target(%dma_start3A_64 : memref<1x64xf32, #tpu.memory_space<vmem>>) target_semaphore(%arg13 : memref<!tpu.dma_semaphore, #tpu.memory_space<semaphore_mem>>)
      %slice3A_67 = vector.extract_strided_slice %get3A_41 {offsets = [2], sizes = [1], strides = [1]} : vector<16xi32> to vector<1xi32>
      %squeeze3A_68 = vector.extract %slice3A_67[0] : i32 from vector<1xi32>
      %mul3A_69 = arith.constant 16 : i32
      %mul3A_70 = arith.muli %scan3A_37, %mul3A_69 : i32
      %add3A_71 = arith.constant 2 : i32
      %add3A_72 = arith.addi %mul3A_70, %add3A_71 : i32
      %dma_start3A_73 = arith.constant 0 : i32
      %dma_start3A_74 = tpu.memref_slice %arg12[%add3A_72, %dma_start3A_73] : memref<512x64xf32, #tpu.memory_space<vmem>> -> memref<1x64xf32, #tpu.memory_space<vmem>>
      %dma_start3A_75 = arith.constant 0 : i32
      %dma_start3A_76 = tpu.memref_slice %arg2[%squeeze3A_68, %dma_start3A_75] : memref<100000x64xf32, #tpu.memory_space<hbm>> -> memref<1x64xf32, #tpu.memory_space<hbm>>
      %dma_start3A_77 = arith.constant 0 : i32
      %dma_start3A_78 = tpu.memref_slice %arg12[%add3A_72, %dma_start3A_77] : memref<512x64xf32, #tpu.memory_space<vmem>> -> memref<1x64xf32, #tpu.memory_space<vmem>>
      %dma_start3A_79 = arith.constant 0 : i32
      %dma_start3A_80 = tpu.memref_slice %arg2[%squeeze3A_68, %dma_start3A_79] : memref<100000x64xf32, #tpu.memory_space<hbm>> -> memref<1x64xf32, #tpu.memory_space<hbm>>
      tpu.enqueue_dma source(%dma_start3A_80 : memref<1x64xf32, #tpu.memory_space<hbm>>) target(%dma_start3A_78 : memref<1x64xf32, #tpu.memory_space<vmem>>) target_semaphore(%arg13 : memref<!tpu.dma_semaphore, #tpu.memory_space<semaphore_mem>>)
      %slice3A_81 = vector.extract_strided_slice %get3A_41 {offsets = [3], sizes = [1], strides = [1]} : vector<16xi32> to vector<1xi32>
      %squeeze3A_82 = vector.extract %slice3A_81[0] : i32 from vector<1xi32>
      %mul3A_83 = arith.constant 16 : i32
      %mul3A_84 = arith.muli %scan3A_37, %mul3A_83 : i32
      %add3A_85 = arith.constant 3 : i32
      %add3A_86 = arith.addi %mul3A_84, %add3A_85 : i32
      %dma_start3A_87 = arith.constant 0 : i32
      %dma_start3A_88 = tpu.memref_slice %arg12[%add3A_86, %dma_start3A_87] : memref<512x64xf32, #tpu.memory_space<vmem>> -> memref<1x64xf32, #tpu.memory_space<vmem>>
      %dma_start3A_89 = arith.constant 0 : i32
      %dma_start3A_90 = tpu.memref_slice %arg2[%squeeze3A_82, %dma_start3A_89] : memref<100000x64xf32, #tpu.memory_space<hbm>> -> memref<1x64xf32, #tpu.memory_space<hbm>>
      %dma_start3A_91 = arith.constant 0 : i32
      %dma_start3A_92 = tpu.memref_slice %arg12[%add3A_86, %dma_start3A_91] : memref<512x64xf32, #tpu.memory_space<vmem>> -> memref<1x64xf32, #tpu.memory_space<vmem>>
      %dma_start3A_93 = arith.constant 0 : i32
      %dma_start3A_94 = tpu.memref_slice %arg2[%squeeze3A_82, %dma_start3A_93] : memref<100000x64xf32, #tpu.memory_space<hbm>> -> memref<1x64xf32, #tpu.memory_space<hbm>>
      tpu.enqueue_dma source(%dma_start3A_94 : memref<1x64xf32, #tpu.memory_space<hbm>>) target(%dma_start3A_92 : memref<1x64xf32, #tpu.memory_space<vmem>>) target_semaphore(%arg13 : memref<!tpu.dma_semaphore, #tpu.memory_space<semaphore_mem>>)
      %slice3A_95 = vector.extract_strided_slice %get3A_41 {offsets = [4], sizes = [1], strides = [1]} : vector<16xi32> to vector<1xi32>
      %squeeze3A_96 = vector.extract %slice3A_95[0] : i32 from vector<1xi32>
      %mul3A_97 = arith.constant 16 : i32
      %mul3A_98 = arith.muli %scan3A_37, %mul3A_97 : i32
      %add3A_99 = arith.constant 4 : i32
      %add3A_100 = arith.addi %mul3A_98, %add3A_99 : i32
      %dma_start3A_101 = arith.constant 0 : i32
      %dma_start3A_102 = tpu.memref_slice %arg12[%add3A_100, %dma_start3A_101] : memref<512x64xf32, #tpu.memory_space<vmem>> -> memref<1x64xf32, #tpu.memory_space<vmem>>
      %dma_start3A_103 = arith.constant 0 : i32
      %dma_start3A_104 = tpu.memref_slice %arg2[%squeeze3A_96, %dma_start3A_103] : memref<100000x64xf32, #tpu.memory_space<hbm>> -> memref<1x64xf32, #tpu.memory_space<hbm>>
      %dma_start3A_105 = arith.constant 0 : i32
      %dma_start3A_106 = tpu.memref_slice %arg12[%add3A_100, %dma_start3A_105] : memref<512x64xf32, #tpu.memory_space<vmem>> -> memref<1x64xf32, #tpu.memory_space<vmem>>
      %dma_start3A_107 = arith.constant 0 : i32
      %dma_start3A_108 = tpu.memref_slice %arg2[%squeeze3A_96, %dma_start3A_107] : memref<100000x64xf32, #tpu.memory_space<hbm>> -> memref<1x64xf32, #tpu.memory_space<hbm>>
      tpu.enqueue_dma source(%dma_start3A_108 : memref<1x64xf32, #tpu.memory_space<hbm>>) target(%dma_start3A_106 : memref<1x64xf32, #tpu.memory_space<vmem>>) target_semaphore(%arg13 : memref<!tpu.dma_semaphore, #tpu.memory_space<semaphore_mem>>)
      %slice3A_109 = vector.extract_strided_slice %get3A_41 {offsets = [5], sizes = [1], strides = [1]} : vector<16xi32> to vector<1xi32>
      %squeeze3A_110 = vector.extract %slice3A_109[0] : i32 from vector<1xi32>
      %mul3A_111 = arith.constant 16 : i32
      %mul3A_112 = arith.muli %scan3A_37, %mul3A_111 : i32
      %add3A_113 = arith.constant 5 : i32
      %add3A_114 = arith.addi %mul3A_112, %add3A_113 : i32
      %dma_start3A_115 = arith.constant 0 : i32
      %dma_start3A_116 = tpu.memref_slice %arg12[%add3A_114, %dma_start3A_115] : memref<512x64xf32, #tpu.memory_space<vmem>> -> memref<1x64xf32, #tpu.memory_space<vmem>>
      %dma_start3A_117 = arith.constant 0 : i32
      %dma_start3A_118 = tpu.memref_slice %arg2[%squeeze3A_110, %dma_start3A_117] : memref<100000x64xf32, #tpu.memory_space<hbm>> -> memref<1x64xf32, #tpu.memory_space<hbm>>
      %dma_start3A_119 = arith.constant 0 : i32
      %dma_start3A_120 = tpu.memref_slice %arg12[%add3A_114, %dma_start3A_119] : memref<512x64xf32, #tpu.memory_space<vmem>> -> memref<1x64xf32, #tpu.memory_space<vmem>>
      %dma_start3A_121 = arith.constant 0 : i32
      %dma_start3A_122 = tpu.memref_slice %arg2[%squeeze3A_110, %dma_start3A_121] : memref<100000x64xf32, #tpu.memory_space<hbm>> -> memref<1x64xf32, #tpu.memory_space<hbm>>
      tpu.enqueue_dma source(%dma_start3A_122 : memref<1x64xf32, #tpu.memory_space<hbm>>) target(%dma_start3A_120 : memref<1x64xf32, #tpu.memory_space<vmem>>) target_semaphore(%arg13 : memref<!tpu.dma_semaphore, #tpu.memory_space<semaphore_mem>>)
      %slice3A_123 = vector.extract_strided_slice %get3A_41 {offsets = [6], sizes = [1], strides = [1]} : vector<16xi32> to vector<1xi32>
      %squeeze3A_124 = vector.extract %slice3A_123[0] : i32 from vector<1xi32>
      %mul3A_125 = arith.constant 16 : i32
      %mul3A_126 = arith.muli %scan3A_37, %mul3A_125 : i32
      %add3A_127 = arith.constant 6 : i32
      %add3A_128 = arith.addi %mul3A_126, %add3A_127 : i32
      %dma_start3A_129 = arith.constant 0 : i32
      %dma_start3A_130 = tpu.memref_slice %arg12[%add3A_128, %dma_start3A_129] : memref<512x64xf32, #tpu.memory_space<vmem>> -> memref<1x64xf32, #tpu.memory_space<vmem>>
      %dma_start3A_131 = arith.constant 0 : i32
      %dma_start3A_132 = tpu.memref_slice %arg2[%squeeze3A_124, %dma_start3A_131] : memref<100000x64xf32, #tpu.memory_space<hbm>> -> memref<1x64xf32, #tpu.memory_space<hbm>>
      %dma_start3A_133 = arith.constant 0 : i32
      %dma_start3A_134 = tpu.memref_slice %arg12[%add3A_128, %dma_start3A_133] : memref<512x64xf32, #tpu.memory_space<vmem>> -> memref<1x64xf32, #tpu.memory_space<vmem>>
      %dma_start3A_135 = arith.constant 0 : i32
      %dma_start3A_136 = tpu.memref_slice %arg2[%squeeze3A_124, %dma_start3A_135] : memref<100000x64xf32, #tpu.memory_space<hbm>> -> memref<1x64xf32, #tpu.memory_space<hbm>>
      tpu.enqueue_dma source(%dma_start3A_136 : memref<1x64xf32, #tpu.memory_space<hbm>>) target(%dma_start3A_134 : memref<1x64xf32, #tpu.memory_space<vmem>>) target_semaphore(%arg13 : memref<!tpu.dma_semaphore, #tpu.memory_space<semaphore_mem>>)
      %slice3A_137 = vector.extract_strided_slice %get3A_41 {offsets = [7], sizes = [1], strides = [1]} : vector<16xi32> to vector<1xi32>
      %squeeze3A_138 = vector.extract %slice3A_137[0] : i32 from vector<1xi32>
      %mul3A_139 = arith.constant 16 : i32
      %mul3A_140 = arith.muli %scan3A_37, %mul3A_139 : i32
      %add3A_141 = arith.constant 7 : i32
      %add3A_142 = arith.addi %mul3A_140, %add3A_141 : i32
      %dma_start3A_143 = arith.constant 0 : i32
      %dma_start3A_144 = tpu.memref_slice %arg12[%add3A_142, %dma_start3A_143] : memref<512x64xf32, #tpu.memory_space<vmem>> -> memref<1x64xf32, #tpu.memory_space<vmem>>
      %dma_start3A_145 = arith.constant 0 : i32
      %dma_start3A_146 = tpu.memref_slice %arg2[%squeeze3A_138, %dma_start3A_145] : memref<100000x64xf32, #tpu.memory_space<hbm>> -> memref<1x64xf32, #tpu.memory_space<hbm>>
      %dma_start3A_147 = arith.constant 0 : i32
      %dma_start3A_148 = tpu.memref_slice %arg12[%add3A_142, %dma_start3A_147] : memref<512x64xf32, #tpu.memory_space<vmem>> -> memref<1x64xf32, #tpu.memory_space<vmem>>
      %dma_start3A_149 = arith.constant 0 : i32
      %dma_start3A_150 = tpu.memref_slice %arg2[%squeeze3A_138, %dma_start3A_149] : memref<100000x64xf32, #tpu.memory_space<hbm>> -> memref<1x64xf32, #tpu.memory_space<hbm>>
      tpu.enqueue_dma source(%dma_start3A_150 : memref<1x64xf32, #tpu.memory_space<hbm>>) target(%dma_start3A_148 : memref<1x64xf32, #tpu.memory_space<vmem>>) target_semaphore(%arg13 : memref<!tpu.dma_semaphore, #tpu.memory_space<semaphore_mem>>)
      %slice3A_151 = vector.extract_strided_slice %get3A_41 {offsets = [8], sizes = [1], strides = [1]} : vector<16xi32> to vector<1xi32>
      %squeeze3A_152 = vector.extract %slice3A_151[0] : i32 from vector<1xi32>
      %mul3A_153 = arith.constant 16 : i32
      %mul3A_154 = arith.muli %scan3A_37, %mul3A_153 : i32
      %add3A_155 = arith.constant 8 : i32
      %add3A_156 = arith.addi %mul3A_154, %add3A_155 : i32
      %dma_start3A_157 = arith.constant 0 : i32
      %dma_start3A_158 = tpu.memref_slice %arg12[%add3A_156, %dma_start3A_157] : memref<512x64xf32, #tpu.memory_space<vmem>> -> memref<1x64xf32, #tpu.memory_space<vmem>>
      %dma_start3A_159 = arith.constant 0 : i32
      %dma_start3A_160 = tpu.memref_slice %arg2[%squeeze3A_152, %dma_start3A_159] : memref<100000x64xf32, #tpu.memory_space<hbm>> -> memref<1x64xf32, #tpu.memory_space<hbm>>
      %dma_start3A_161 = arith.constant 0 : i32
      %dma_start3A_162 = tpu.memref_slice %arg12[%add3A_156, %dma_start3A_161] : memref<512x64xf32, #tpu.memory_space<vmem>> -> memref<1x64xf32, #tpu.memory_space<vmem>>
      %dma_start3A_163 = arith.constant 0 : i32
      %dma_start3A_164 = tpu.memref_slice %arg2[%squeeze3A_152, %dma_start3A_163] : memref<100000x64xf32, #tpu.memory_space<hbm>> -> memref<1x64xf32, #tpu.memory_space<hbm>>
      tpu.enqueue_dma source(%dma_start3A_164 : memref<1x64xf32, #tpu.memory_space<hbm>>) target(%dma_start3A_162 : memref<1x64xf32, #tpu.memory_space<vmem>>) target_semaphore(%arg13 : memref<!tpu.dma_semaphore, #tpu.memory_space<semaphore_mem>>)
      %slice3A_165 = vector.extract_strided_slice %get3A_41 {offsets = [9], sizes = [1], strides = [1]} : vector<16xi32> to vector<1xi32>
      %squeeze3A_166 = vector.extract %slice3A_165[0] : i32 from vector<1xi32>
      %mul3A_167 = arith.constant 16 : i32
      %mul3A_168 = arith.muli %scan3A_37, %mul3A_167 : i32
      %add3A_169 = arith.constant 9 : i32
      %add3A_170 = arith.addi %mul3A_168, %add3A_169 : i32
      %dma_start3A_171 = arith.constant 0 : i32
      %dma_start3A_172 = tpu.memref_slice %arg12[%add3A_170, %dma_start3A_171] : memref<512x64xf32, #tpu.memory_space<vmem>> -> memref<1x64xf32, #tpu.memory_space<vmem>>
      %dma_start3A_173 = arith.constant 0 : i32
      %dma_start3A_174 = tpu.memref_slice %arg2[%squeeze3A_166, %dma_start3A_173] : memref<100000x64xf32, #tpu.memory_space<hbm>> -> memref<1x64xf32, #tpu.memory_space<hbm>>
      %dma_start3A_175 = arith.constant 0 : i32
      %dma_start3A_176 = tpu.memref_slice %arg12[%add3A_170, %dma_start3A_175] : memref<512x64xf32, #tpu.memory_space<vmem>> -> memref<1x64xf32, #tpu.memory_space<vmem>>
      %dma_start3A_177 = arith.constant 0 : i32
      %dma_start3A_178 = tpu.memref_slice %arg2[%squeeze3A_166, %dma_start3A_177] : memref<100000x64xf32, #tpu.memory_space<hbm>> -> memref<1x64xf32, #tpu.memory_space<hbm>>
      tpu.enqueue_dma source(%dma_start3A_178 : memref<1x64xf32, #tpu.memory_space<hbm>>) target(%dma_start3A_176 : memref<1x64xf32, #tpu.memory_space<vmem>>) target_semaphore(%arg13 : memref<!tpu.dma_semaphore, #tpu.memory_space<semaphore_mem>>)
      %slice3A_179 = vector.extract_strided_slice %get3A_41 {offsets = [10], sizes = [1], strides = [1]} : vector<16xi32> to vector<1xi32>
      %squeeze3A_180 = vector.extract %slice3A_179[0] : i32 from vector<1xi32>
      %mul3A_181 = arith.constant 16 : i32
      %mul3A_182 = arith.muli %scan3A_37, %mul3A_181 : i32
      %add3A_183 = arith.constant 10 : i32
      %add3A_184 = arith.addi %mul3A_182, %add3A_183 : i32
      %dma_start3A_185 = arith.constant 0 : i32
      %dma_start3A_186 = tpu.memref_slice %arg12[%add3A_184, %dma_start3A_185] : memref<512x64xf32, #tpu.memory_space<vmem>> -> memref<1x64xf32, #tpu.memory_space<vmem>>
      %dma_start3A_187 = arith.constant 0 : i32
      %dma_start3A_188 = tpu.memref_slice %arg2[%squeeze3A_180, %dma_start3A_187] : memref<100000x64xf32, #tpu.memory_space<hbm>> -> memref<1x64xf32, #tpu.memory_space<hbm>>
      %dma_start3A_189 = arith.constant 0 : i32
      %dma_start3A_190 = tpu.memref_slice %arg12[%add3A_184, %dma_start3A_189] : memref<512x64xf32, #tpu.memory_space<vmem>> -> memref<1x64xf32, #tpu.memory_space<vmem>>
      %dma_start3A_191 = arith.constant 0 : i32
      %dma_start3A_192 = tpu.memref_slice %arg2[%squeeze3A_180, %dma_start3A_191] : memref<100000x64xf32, #tpu.memory_space<hbm>> -> memref<1x64xf32, #tpu.memory_space<hbm>>
      tpu.enqueue_dma source(%dma_start3A_192 : memref<1x64xf32, #tpu.memory_space<hbm>>) target(%dma_start3A_190 : memref<1x64xf32, #tpu.memory_space<vmem>>) target_semaphore(%arg13 : memref<!tpu.dma_semaphore, #tpu.memory_space<semaphore_mem>>)
      %slice3A_193 = vector.extract_strided_slice %get3A_41 {offsets = [11], sizes = [1], strides = [1]} : vector<16xi32> to vector<1xi32>
      %squeeze3A_194 = vector.extract %slice3A_193[0] : i32 from vector<1xi32>
      %mul3A_195 = arith.constant 16 : i32
      %mul3A_196 = arith.muli %scan3A_37, %mul3A_195 : i32
      %add3A_197 = arith.constant 11 : i32
      %add3A_198 = arith.addi %mul3A_196, %add3A_197 : i32
      %dma_start3A_199 = arith.constant 0 : i32
      %dma_start3A_200 = tpu.memref_slice %arg12[%add3A_198, %dma_start3A_199] : memref<512x64xf32, #tpu.memory_space<vmem>> -> memref<1x64xf32, #tpu.memory_space<vmem>>
      %dma_start3A_201 = arith.constant 0 : i32
      %dma_start3A_202 = tpu.memref_slice %arg2[%squeeze3A_194, %dma_start3A_201] : memref<100000x64xf32, #tpu.memory_space<hbm>> -> memref<1x64xf32, #tpu.memory_space<hbm>>
      %dma_start3A_203 = arith.constant 0 : i32
      %dma_start3A_204 = tpu.memref_slice %arg12[%add3A_198, %dma_start3A_203] : memref<512x64xf32, #tpu.memory_space<vmem>> -> memref<1x64xf32, #tpu.memory_space<vmem>>
      %dma_start3A_205 = arith.constant 0 : i32
      %dma_start3A_206 = tpu.memref_slice %arg2[%squeeze3A_194, %dma_start3A_205] : memref<100000x64xf32, #tpu.memory_space<hbm>> -> memref<1x64xf32, #tpu.memory_space<hbm>>
      tpu.enqueue_dma source(%dma_start3A_206 : memref<1x64xf32, #tpu.memory_space<hbm>>) target(%dma_start3A_204 : memref<1x64xf32, #tpu.memory_space<vmem>>) target_semaphore(%arg13 : memref<!tpu.dma_semaphore, #tpu.memory_space<semaphore_mem>>)
      %slice3A_207 = vector.extract_strided_slice %get3A_41 {offsets = [12], sizes = [1], strides = [1]} : vector<16xi32> to vector<1xi32>
      %squeeze3A_208 = vector.extract %slice3A_207[0] : i32 from vector<1xi32>
      %mul3A_209 = arith.constant 16 : i32
      %mul3A_210 = arith.muli %scan3A_37, %mul3A_209 : i32
      %add3A_211 = arith.constant 12 : i32
      %add3A_212 = arith.addi %mul3A_210, %add3A_211 : i32
      %dma_start3A_213 = arith.constant 0 : i32
      %dma_start3A_214 = tpu.memref_slice %arg12[%add3A_212, %dma_start3A_213] : memref<512x64xf32, #tpu.memory_space<vmem>> -> memref<1x64xf32, #tpu.memory_space<vmem>>
      %dma_start3A_215 = arith.constant 0 : i32
      %dma_start3A_216 = tpu.memref_slice %arg2[%squeeze3A_208, %dma_start3A_215] : memref<100000x64xf32, #tpu.memory_space<hbm>> -> memref<1x64xf32, #tpu.memory_space<hbm>>
      %dma_start3A_217 = arith.constant 0 : i32
      %dma_start3A_218 = tpu.memref_slice %arg12[%add3A_212, %dma_start3A_217] : memref<512x64xf32, #tpu.memory_space<vmem>> -> memref<1x64xf32, #tpu.memory_space<vmem>>
      %dma_start3A_219 = arith.constant 0 : i32
      %dma_start3A_220 = tpu.memref_slice %arg2[%squeeze3A_208, %dma_start3A_219] : memref<100000x64xf32, #tpu.memory_space<hbm>> -> memref<1x64xf32, #tpu.memory_space<hbm>>
      tpu.enqueue_dma source(%dma_start3A_220 : memref<1x64xf32, #tpu.memory_space<hbm>>) target(%dma_start3A_218 : memref<1x64xf32, #tpu.memory_space<vmem>>) target_semaphore(%arg13 : memref<!tpu.dma_semaphore, #tpu.memory_space<semaphore_mem>>)
      %slice3A_221 = vector.extract_strided_slice %get3A_41 {offsets = [13], sizes = [1], strides = [1]} : vector<16xi32> to vector<1xi32>
      %squeeze3A_222 = vector.extract %slice3A_221[0] : i32 from vector<1xi32>
      %mul3A_223 = arith.constant 16 : i32
      %mul3A_224 = arith.muli %scan3A_37, %mul3A_223 : i32
      %add3A_225 = arith.constant 13 : i32
      %add3A_226 = arith.addi %mul3A_224, %add3A_225 : i32
      %dma_start3A_227 = arith.constant 0 : i32
      %dma_start3A_228 = tpu.memref_slice %arg12[%add3A_226, %dma_start3A_227] : memref<512x64xf32, #tpu.memory_space<vmem>> -> memref<1x64xf32, #tpu.memory_space<vmem>>
      %dma_start3A_229 = arith.constant 0 : i32
      %dma_start3A_230 = tpu.memref_slice %arg2[%squeeze3A_222, %dma_start3A_229] : memref<100000x64xf32, #tpu.memory_space<hbm>> -> memref<1x64xf32, #tpu.memory_space<hbm>>
      %dma_start3A_231 = arith.constant 0 : i32
      %dma_start3A_232 = tpu.memref_slice %arg12[%add3A_226, %dma_start3A_231] : memref<512x64xf32, #tpu.memory_space<vmem>> -> memref<1x64xf32, #tpu.memory_space<vmem>>
      %dma_start3A_233 = arith.constant 0 : i32
      %dma_start3A_234 = tpu.memref_slice %arg2[%squeeze3A_222, %dma_start3A_233] : memref<100000x64xf32, #tpu.memory_space<hbm>> -> memref<1x64xf32, #tpu.memory_space<hbm>>
      tpu.enqueue_dma source(%dma_start3A_234 : memref<1x64xf32, #tpu.memory_space<hbm>>) target(%dma_start3A_232 : memref<1x64xf32, #tpu.memory_space<vmem>>) target_semaphore(%arg13 : memref<!tpu.dma_semaphore, #tpu.memory_space<semaphore_mem>>)
      %slice3A_235 = vector.extract_strided_slice %get3A_41 {offsets = [14], sizes = [1], strides = [1]} : vector<16xi32> to vector<1xi32>
      %squeeze3A_236 = vector.extract %slice3A_235[0] : i32 from vector<1xi32>
      %mul3A_237 = arith.constant 16 : i32
      %mul3A_238 = arith.muli %scan3A_37, %mul3A_237 : i32
      %add3A_239 = arith.constant 14 : i32
      %add3A_240 = arith.addi %mul3A_238, %add3A_239 : i32
      %dma_start3A_241 = arith.constant 0 : i32
      %dma_start3A_242 = tpu.memref_slice %arg12[%add3A_240, %dma_start3A_241] : memref<512x64xf32, #tpu.memory_space<vmem>> -> memref<1x64xf32, #tpu.memory_space<vmem>>
      %dma_start3A_243 = arith.constant 0 : i32
      %dma_start3A_244 = tpu.memref_slice %arg2[%squeeze3A_236, %dma_start3A_243] : memref<100000x64xf32, #tpu.memory_space<hbm>> -> memref<1x64xf32, #tpu.memory_space<hbm>>
      %dma_start3A_245 = arith.constant 0 : i32
      %dma_start3A_246 = tpu.memref_slice %arg12[%add3A_240, %dma_start3A_245] : memref<512x64xf32, #tpu.memory_space<vmem>> -> memref<1x64xf32, #tpu.memory_space<vmem>>
      %dma_start3A_247 = arith.constant 0 : i32
      %dma_start3A_248 = tpu.memref_slice %arg2[%squeeze3A_236, %dma_start3A_247] : memref<100000x64xf32, #tpu.memory_space<hbm>> -> memref<1x64xf32, #tpu.memory_space<hbm>>
      tpu.enqueue_dma source(%dma_start3A_248 : memref<1x64xf32, #tpu.memory_space<hbm>>) target(%dma_start3A_246 : memref<1x64xf32, #tpu.memory_space<vmem>>) target_semaphore(%arg13 : memref<!tpu.dma_semaphore, #tpu.memory_space<semaphore_mem>>)
      %slice3A_249 = vector.extract_strided_slice %get3A_41 {offsets = [15], sizes = [1], strides = [1]} : vector<16xi32> to vector<1xi32>
      %squeeze3A_250 = vector.extract %slice3A_249[0] : i32 from vector<1xi32>
      %mul3A_251 = arith.constant 16 : i32
      %mul3A_252 = arith.muli %scan3A_37, %mul3A_251 : i32
      %add3A_253 = arith.constant 15 : i32
      %add3A_254 = arith.addi %mul3A_252, %add3A_253 : i32
      %dma_start3A_255 = arith.constant 0 : i32
      %dma_start3A_256 = tpu.memref_slice %arg12[%add3A_254, %dma_start3A_255] : memref<512x64xf32, #tpu.memory_space<vmem>> -> memref<1x64xf32, #tpu.memory_space<vmem>>
      %dma_start3A_257 = arith.constant 0 : i32
      %dma_start3A_258 = tpu.memref_slice %arg2[%squeeze3A_250, %dma_start3A_257] : memref<100000x64xf32, #tpu.memory_space<hbm>> -> memref<1x64xf32, #tpu.memory_space<hbm>>
      %dma_start3A_259 = arith.constant 0 : i32
      %dma_start3A_260 = tpu.memref_slice %arg12[%add3A_254, %dma_start3A_259] : memref<512x64xf32, #tpu.memory_space<vmem>> -> memref<1x64xf32, #tpu.memory_space<vmem>>
      %dma_start3A_261 = arith.constant 0 : i32
      %dma_start3A_262 = tpu.memref_slice %arg2[%squeeze3A_250, %dma_start3A_261] : memref<100000x64xf32, #tpu.memory_space<hbm>> -> memref<1x64xf32, #tpu.memory_space<hbm>>
      tpu.enqueue_dma source(%dma_start3A_262 : memref<1x64xf32, #tpu.memory_space<hbm>>) target(%dma_start3A_260 : memref<1x64xf32, #tpu.memory_space<vmem>>) target_semaphore(%arg13 : memref<!tpu.dma_semaphore, #tpu.memory_space<semaphore_mem>>)
    }
    %scan3A_7 = arith.constant 32 : i32
    %dma_wait3A = arith.constant 0 : i32
    %dma_wait3A_8 = arith.constant 0 : i32
    %dma_wait3A_9 = tpu.memref_slice %arg2[%dma_wait3A, %dma_wait3A_8] : memref<100000x64xf32, #tpu.memory_space<hbm>> -> memref<512x64xf32, #tpu.memory_space<hbm>>
    %dma_wait3A_10 = arith.constant 0 : i32
    %dma_wait3A_11 = arith.constant 0 : i32
    %dma_wait3A_12 = tpu.memref_slice %arg2[%dma_wait3A_10, %dma_wait3A_11] : memref<100000x64xf32, #tpu.memory_space<hbm>> -> memref<512x64xf32, #tpu.memory_space<hbm>>
    tpu.wait_dma2 semaphore(%arg13 : memref<!tpu.dma_semaphore, #tpu.memory_space<semaphore_mem>>) src(%dma_wait3A_12 : memref<512x64xf32, #tpu.memory_space<hbm>>) dst(%arg12 : memref<512x64xf32, #tpu.memory_space<vmem>>)
    "tpu.region"() ({
      %run_scoped3A = tpu.sem_alloc : memref<!tpu.dma_semaphore, #tpu.memory_space<semaphore_mem>>
      %dma_start3A = arith.constant 0 : i32
      %dma_start3A_37 = tpu.memref_slice %arg8[%mul3A_2, %dma_start3A] : memref<16384x64xf32, #tpu.memory_space<hbm>> -> memref<512x64xf32, #tpu.memory_space<hbm>>
      %dma_start3A_38 = arith.constant 0 : i32
      %dma_start3A_39 = tpu.memref_slice %arg8[%mul3A_2, %dma_start3A_38] : memref<16384x64xf32, #tpu.memory_space<hbm>> -> memref<512x64xf32, #tpu.memory_space<hbm>>
      tpu.enqueue_dma source(%arg12 : memref<512x64xf32, #tpu.memory_space<vmem>>) target(%dma_start3A_39 : memref<512x64xf32, #tpu.memory_space<hbm>>) target_semaphore(%run_scoped3A : memref<!tpu.dma_semaphore, #tpu.memory_space<semaphore_mem>>)
      %dma_wait3A_40 = arith.constant 0 : i32
      %dma_wait3A_41 = tpu.memref_slice %arg8[%mul3A_2, %dma_wait3A_40] : memref<16384x64xf32, #tpu.memory_space<hbm>> -> memref<512x64xf32, #tpu.memory_space<hbm>>
      %dma_wait3A_42 = arith.constant 0 : i32
      %dma_wait3A_43 = tpu.memref_slice %arg8[%mul3A_2, %dma_wait3A_42] : memref<16384x64xf32, #tpu.memory_space<hbm>> -> memref<512x64xf32, #tpu.memory_space<hbm>>
      tpu.wait_dma2 semaphore(%run_scoped3A : memref<!tpu.dma_semaphore, #tpu.memory_space<semaphore_mem>>) src(%arg12 : memref<512x64xf32, #tpu.memory_space<vmem>>) dst(%dma_wait3A_43 : memref<512x64xf32, #tpu.memory_space<hbm>>)
      tpu.yield
    }) : () -> ()
    "tpu.region"() ({
      %run_scoped3A = tpu.sem_alloc : memref<!tpu.dma_semaphore, #tpu.memory_space<semaphore_mem>>
      %dma_start3A = tpu.memref_slice %arg6[%mul3A_2] : memref<16384xi32, #tpu.memory_space<hbm>> -> memref<512xi32, #tpu.memory_space<hbm>>
      %dma_start3A_37 = tpu.memref_slice %arg6[%mul3A_2] : memref<16384xi32, #tpu.memory_space<hbm>> -> memref<512xi32, #tpu.memory_space<hbm>>
      tpu.enqueue_dma source(%dma_start3A_37 : memref<512xi32, #tpu.memory_space<hbm>>) target(%arg11 : memref<512xi32, #tpu.memory_space<vmem>>) target_semaphore(%run_scoped3A : memref<!tpu.dma_semaphore, #tpu.memory_space<semaphore_mem>>)
      %dma_wait3A_38 = tpu.memref_slice %arg6[%mul3A_2] : memref<16384xi32, #tpu.memory_space<hbm>> -> memref<512xi32, #tpu.memory_space<hbm>>
      %dma_wait3A_39 = tpu.memref_slice %arg6[%mul3A_2] : memref<16384xi32, #tpu.memory_space<hbm>> -> memref<512xi32, #tpu.memory_space<hbm>>
      tpu.wait_dma2 semaphore(%run_scoped3A : memref<!tpu.dma_semaphore, #tpu.memory_space<semaphore_mem>>) src(%dma_wait3A_39 : memref<512xi32, #tpu.memory_space<hbm>>) dst(%arg11 : memref<512xi32, #tpu.memory_space<vmem>>)
      tpu.yield
    }) : () -> ()
    %scan3A_13 = arith.constant 0 : i32
    %scan3A_14 = arith.constant 0 : i32
    %scan3A_15 = arith.constant 32 : i32
    %scan3A_16 = arith.addi %scan3A_14, %scan3A_15 : i32
    %scan3A_17 = arith.constant 1 : i32
    scf.for %scan3A_37 = %scan3A_14 to %scan3A_16 step %scan3A_17  : i32 {
      %mul3A_38 = arith.constant 16 : i32
      %mul3A_39 = arith.muli %scan3A_37, %mul3A_38 : i32
      %get3A = arith.index_cast %mul3A_39 : i32 to index
      %get3A_40 = tpu.vector_load %arg11[%get3A] {strides = array<i32>} : memref<512xi32, #tpu.memory_space<vmem>>, vector<16xi32>,
      %get3A_41 = vector.shape_cast %get3A_40 : vector<16xi32> to vector<16xi32>
      %slice3A = vector.extract_strided_slice %get3A_41 {offsets = [0], sizes = [1], strides = [1]} : vector<16xi32> to vector<1xi32>
      %squeeze3A = vector.extract %slice3A[0] : i32 from vector<1xi32>
      %mul3A_42 = arith.constant 16 : i32
      %mul3A_43 = arith.muli %scan3A_37, %mul3A_42 : i32
      %add3A_44 = arith.constant 0 : i32
      %add3A_45 = arith.addi %mul3A_43, %add3A_44 : i32
      %dma_start3A = arith.constant 0 : i32
      %dma_start3A_46 = tpu.memref_slice %arg12[%add3A_45, %dma_start3A] : memref<512x64xf32, #tpu.memory_space<vmem>> -> memref<1x64xf32, #tpu.memory_space<vmem>>
      %dma_start3A_47 = arith.constant 0 : i32
      %dma_start3A_48 = tpu.memref_slice %arg3[%squeeze3A, %dma_start3A_47] : memref<1000x64xf32, #tpu.memory_space<hbm>> -> memref<1x64xf32, #tpu.memory_space<hbm>>
      %dma_start3A_49 = arith.constant 0 : i32
      %dma_start3A_50 = tpu.memref_slice %arg12[%add3A_45, %dma_start3A_49] : memref<512x64xf32, #tpu.memory_space<vmem>> -> memref<1x64xf32, #tpu.memory_space<vmem>>
      %dma_start3A_51 = arith.constant 0 : i32
      %dma_start3A_52 = tpu.memref_slice %arg3[%squeeze3A, %dma_start3A_51] : memref<1000x64xf32, #tpu.memory_space<hbm>> -> memref<1x64xf32, #tpu.memory_space<hbm>>
      tpu.enqueue_dma source(%dma_start3A_52 : memref<1x64xf32, #tpu.memory_space<hbm>>) target(%dma_start3A_50 : memref<1x64xf32, #tpu.memory_space<vmem>>) target_semaphore(%arg13 : memref<!tpu.dma_semaphore, #tpu.memory_space<semaphore_mem>>)
      %slice3A_53 = vector.extract_strided_slice %get3A_41 {offsets = [1], sizes = [1], strides = [1]} : vector<16xi32> to vector<1xi32>
      %squeeze3A_54 = vector.extract %slice3A_53[0] : i32 from vector<1xi32>
      %mul3A_55 = arith.constant 16 : i32
      %mul3A_56 = arith.muli %scan3A_37, %mul3A_55 : i32
      %add3A_57 = arith.constant 1 : i32
      %add3A_58 = arith.addi %mul3A_56, %add3A_57 : i32
      %dma_start3A_59 = arith.constant 0 : i32
      %dma_start3A_60 = tpu.memref_slice %arg12[%add3A_58, %dma_start3A_59] : memref<512x64xf32, #tpu.memory_space<vmem>> -> memref<1x64xf32, #tpu.memory_space<vmem>>
      %dma_start3A_61 = arith.constant 0 : i32
      %dma_start3A_62 = tpu.memref_slice %arg3[%squeeze3A_54, %dma_start3A_61] : memref<1000x64xf32, #tpu.memory_space<hbm>> -> memref<1x64xf32, #tpu.memory_space<hbm>>
      %dma_start3A_63 = arith.constant 0 : i32
      %dma_start3A_64 = tpu.memref_slice %arg12[%add3A_58, %dma_start3A_63] : memref<512x64xf32, #tpu.memory_space<vmem>> -> memref<1x64xf32, #tpu.memory_space<vmem>>
      %dma_start3A_65 = arith.constant 0 : i32
      %dma_start3A_66 = tpu.memref_slice %arg3[%squeeze3A_54, %dma_start3A_65] : memref<1000x64xf32, #tpu.memory_space<hbm>> -> memref<1x64xf32, #tpu.memory_space<hbm>>
      tpu.enqueue_dma source(%dma_start3A_66 : memref<1x64xf32, #tpu.memory_space<hbm>>) target(%dma_start3A_64 : memref<1x64xf32, #tpu.memory_space<vmem>>) target_semaphore(%arg13 : memref<!tpu.dma_semaphore, #tpu.memory_space<semaphore_mem>>)
      %slice3A_67 = vector.extract_strided_slice %get3A_41 {offsets = [2], sizes = [1], strides = [1]} : vector<16xi32> to vector<1xi32>
      %squeeze3A_68 = vector.extract %slice3A_67[0] : i32 from vector<1xi32>
      %mul3A_69 = arith.constant 16 : i32
      %mul3A_70 = arith.muli %scan3A_37, %mul3A_69 : i32
      %add3A_71 = arith.constant 2 : i32
      %add3A_72 = arith.addi %mul3A_70, %add3A_71 : i32
      %dma_start3A_73 = arith.constant 0 : i32
      %dma_start3A_74 = tpu.memref_slice %arg12[%add3A_72, %dma_start3A_73] : memref<512x64xf32, #tpu.memory_space<vmem>> -> memref<1x64xf32, #tpu.memory_space<vmem>>
      %dma_start3A_75 = arith.constant 0 : i32
      %dma_start3A_76 = tpu.memref_slice %arg3[%squeeze3A_68, %dma_start3A_75] : memref<1000x64xf32, #tpu.memory_space<hbm>> -> memref<1x64xf32, #tpu.memory_space<hbm>>
      %dma_start3A_77 = arith.constant 0 : i32
      %dma_start3A_78 = tpu.memref_slice %arg12[%add3A_72, %dma_start3A_77] : memref<512x64xf32, #tpu.memory_space<vmem>> -> memref<1x64xf32, #tpu.memory_space<vmem>>
      %dma_start3A_79 = arith.constant 0 : i32
      %dma_start3A_80 = tpu.memref_slice %arg3[%squeeze3A_68, %dma_start3A_79] : memref<1000x64xf32, #tpu.memory_space<hbm>> -> memref<1x64xf32, #tpu.memory_space<hbm>>
      tpu.enqueue_dma source(%dma_start3A_80 : memref<1x64xf32, #tpu.memory_space<hbm>>) target(%dma_start3A_78 : memref<1x64xf32, #tpu.memory_space<vmem>>) target_semaphore(%arg13 : memref<!tpu.dma_semaphore, #tpu.memory_space<semaphore_mem>>)
      %slice3A_81 = vector.extract_strided_slice %get3A_41 {offsets = [3], sizes = [1], strides = [1]} : vector<16xi32> to vector<1xi32>
      %squeeze3A_82 = vector.extract %slice3A_81[0] : i32 from vector<1xi32>
      %mul3A_83 = arith.constant 16 : i32
      %mul3A_84 = arith.muli %scan3A_37, %mul3A_83 : i32
      %add3A_85 = arith.constant 3 : i32
      %add3A_86 = arith.addi %mul3A_84, %add3A_85 : i32
      %dma_start3A_87 = arith.constant 0 : i32
      %dma_start3A_88 = tpu.memref_slice %arg12[%add3A_86, %dma_start3A_87] : memref<512x64xf32, #tpu.memory_space<vmem>> -> memref<1x64xf32, #tpu.memory_space<vmem>>
      %dma_start3A_89 = arith.constant 0 : i32
      %dma_start3A_90 = tpu.memref_slice %arg3[%squeeze3A_82, %dma_start3A_89] : memref<1000x64xf32, #tpu.memory_space<hbm>> -> memref<1x64xf32, #tpu.memory_space<hbm>>
      %dma_start3A_91 = arith.constant 0 : i32
      %dma_start3A_92 = tpu.memref_slice %arg12[%add3A_86, %dma_start3A_91] : memref<512x64xf32, #tpu.memory_space<vmem>> -> memref<1x64xf32, #tpu.memory_space<vmem>>
      %dma_start3A_93 = arith.constant 0 : i32
      %dma_start3A_94 = tpu.memref_slice %arg3[%squeeze3A_82, %dma_start3A_93] : memref<1000x64xf32, #tpu.memory_space<hbm>> -> memref<1x64xf32, #tpu.memory_space<hbm>>
      tpu.enqueue_dma source(%dma_start3A_94 : memref<1x64xf32, #tpu.memory_space<hbm>>) target(%dma_start3A_92 : memref<1x64xf32, #tpu.memory_space<vmem>>) target_semaphore(%arg13 : memref<!tpu.dma_semaphore, #tpu.memory_space<semaphore_mem>>)
      %slice3A_95 = vector.extract_strided_slice %get3A_41 {offsets = [4], sizes = [1], strides = [1]} : vector<16xi32> to vector<1xi32>
      %squeeze3A_96 = vector.extract %slice3A_95[0] : i32 from vector<1xi32>
      %mul3A_97 = arith.constant 16 : i32
      %mul3A_98 = arith.muli %scan3A_37, %mul3A_97 : i32
      %add3A_99 = arith.constant 4 : i32
      %add3A_100 = arith.addi %mul3A_98, %add3A_99 : i32
      %dma_start3A_101 = arith.constant 0 : i32
      %dma_start3A_102 = tpu.memref_slice %arg12[%add3A_100, %dma_start3A_101] : memref<512x64xf32, #tpu.memory_space<vmem>> -> memref<1x64xf32, #tpu.memory_space<vmem>>
      %dma_start3A_103 = arith.constant 0 : i32
      %dma_start3A_104 = tpu.memref_slice %arg3[%squeeze3A_96, %dma_start3A_103] : memref<1000x64xf32, #tpu.memory_space<hbm>> -> memref<1x64xf32, #tpu.memory_space<hbm>>
      %dma_start3A_105 = arith.constant 0 : i32
      %dma_start3A_106 = tpu.memref_slice %arg12[%add3A_100, %dma_start3A_105] : memref<512x64xf32, #tpu.memory_space<vmem>> -> memref<1x64xf32, #tpu.memory_space<vmem>>
      %dma_start3A_107 = arith.constant 0 : i32
      %dma_start3A_108 = tpu.memref_slice %arg3[%squeeze3A_96, %dma_start3A_107] : memref<1000x64xf32, #tpu.memory_space<hbm>> -> memref<1x64xf32, #tpu.memory_space<hbm>>
      tpu.enqueue_dma source(%dma_start3A_108 : memref<1x64xf32, #tpu.memory_space<hbm>>) target(%dma_start3A_106 : memref<1x64xf32, #tpu.memory_space<vmem>>) target_semaphore(%arg13 : memref<!tpu.dma_semaphore, #tpu.memory_space<semaphore_mem>>)
      %slice3A_109 = vector.extract_strided_slice %get3A_41 {offsets = [5], sizes = [1], strides = [1]} : vector<16xi32> to vector<1xi32>
      %squeeze3A_110 = vector.extract %slice3A_109[0] : i32 from vector<1xi32>
      %mul3A_111 = arith.constant 16 : i32
      %mul3A_112 = arith.muli %scan3A_37, %mul3A_111 : i32
      %add3A_113 = arith.constant 5 : i32
      %add3A_114 = arith.addi %mul3A_112, %add3A_113 : i32
      %dma_start3A_115 = arith.constant 0 : i32
      %dma_start3A_116 = tpu.memref_slice %arg12[%add3A_114, %dma_start3A_115] : memref<512x64xf32, #tpu.memory_space<vmem>> -> memref<1x64xf32, #tpu.memory_space<vmem>>
      %dma_start3A_117 = arith.constant 0 : i32
      %dma_start3A_118 = tpu.memref_slice %arg3[%squeeze3A_110, %dma_start3A_117] : memref<1000x64xf32, #tpu.memory_space<hbm>> -> memref<1x64xf32, #tpu.memory_space<hbm>>
      %dma_start3A_119 = arith.constant 0 : i32
      %dma_start3A_120 = tpu.memref_slice %arg12[%add3A_114, %dma_start3A_119] : memref<512x64xf32, #tpu.memory_space<vmem>> -> memref<1x64xf32, #tpu.memory_space<vmem>>
      %dma_start3A_121 = arith.constant 0 : i32
      %dma_start3A_122 = tpu.memref_slice %arg3[%squeeze3A_110, %dma_start3A_121] : memref<1000x64xf32, #tpu.memory_space<hbm>> -> memref<1x64xf32, #tpu.memory_space<hbm>>
      tpu.enqueue_dma source(%dma_start3A_122 : memref<1x64xf32, #tpu.memory_space<hbm>>) target(%dma_start3A_120 : memref<1x64xf32, #tpu.memory_space<vmem>>) target_semaphore(%arg13 : memref<!tpu.dma_semaphore, #tpu.memory_space<semaphore_mem>>)
      %slice3A_123 = vector.extract_strided_slice %get3A_41 {offsets = [6], sizes = [1], strides = [1]} : vector<16xi32> to vector<1xi32>
      %squeeze3A_124 = vector.extract %slice3A_123[0] : i32 from vector<1xi32>
      %mul3A_125 = arith.constant 16 : i32
      %mul3A_126 = arith.muli %scan3A_37, %mul3A_125 : i32
      %add3A_127 = arith.constant 6 : i32
      %add3A_128 = arith.addi %mul3A_126, %add3A_127 : i32
      %dma_start3A_129 = arith.constant 0 : i32
      %dma_start3A_130 = tpu.memref_slice %arg12[%add3A_128, %dma_start3A_129] : memref<512x64xf32, #tpu.memory_space<vmem>> -> memref<1x64xf32, #tpu.memory_space<vmem>>
      %dma_start3A_131 = arith.constant 0 : i32
      %dma_start3A_132 = tpu.memref_slice %arg3[%squeeze3A_124, %dma_start3A_131] : memref<1000x64xf32, #tpu.memory_space<hbm>> -> memref<1x64xf32, #tpu.memory_space<hbm>>
      %dma_start3A_133 = arith.constant 0 : i32
      %dma_start3A_134 = tpu.memref_slice %arg12[%add3A_128, %dma_start3A_133] : memref<512x64xf32, #tpu.memory_space<vmem>> -> memref<1x64xf32, #tpu.memory_space<vmem>>
      %dma_start3A_135 = arith.constant 0 : i32
      %dma_start3A_136 = tpu.memref_slice %arg3[%squeeze3A_124, %dma_start3A_135] : memref<1000x64xf32, #tpu.memory_space<hbm>> -> memref<1x64xf32, #tpu.memory_space<hbm>>
      tpu.enqueue_dma source(%dma_start3A_136 : memref<1x64xf32, #tpu.memory_space<hbm>>) target(%dma_start3A_134 : memref<1x64xf32, #tpu.memory_space<vmem>>) target_semaphore(%arg13 : memref<!tpu.dma_semaphore, #tpu.memory_space<semaphore_mem>>)
      %slice3A_137 = vector.extract_strided_slice %get3A_41 {offsets = [7], sizes = [1], strides = [1]} : vector<16xi32> to vector<1xi32>
      %squeeze3A_138 = vector.extract %slice3A_137[0] : i32 from vector<1xi32>
      %mul3A_139 = arith.constant 16 : i32
      %mul3A_140 = arith.muli %scan3A_37, %mul3A_139 : i32
      %add3A_141 = arith.constant 7 : i32
      %add3A_142 = arith.addi %mul3A_140, %add3A_141 : i32
      %dma_start3A_143 = arith.constant 0 : i32
      %dma_start3A_144 = tpu.memref_slice %arg12[%add3A_142, %dma_start3A_143] : memref<512x64xf32, #tpu.memory_space<vmem>> -> memref<1x64xf32, #tpu.memory_space<vmem>>
      %dma_start3A_145 = arith.constant 0 : i32
      %dma_start3A_146 = tpu.memref_slice %arg3[%squeeze3A_138, %dma_start3A_145] : memref<1000x64xf32, #tpu.memory_space<hbm>> -> memref<1x64xf32, #tpu.memory_space<hbm>>
      %dma_start3A_147 = arith.constant 0 : i32
      %dma_start3A_148 = tpu.memref_slice %arg12[%add3A_142, %dma_start3A_147] : memref<512x64xf32, #tpu.memory_space<vmem>> -> memref<1x64xf32, #tpu.memory_space<vmem>>
      %dma_start3A_149 = arith.constant 0 : i32
      %dma_start3A_150 = tpu.memref_slice %arg3[%squeeze3A_138, %dma_start3A_149] : memref<1000x64xf32, #tpu.memory_space<hbm>> -> memref<1x64xf32, #tpu.memory_space<hbm>>
      tpu.enqueue_dma source(%dma_start3A_150 : memref<1x64xf32, #tpu.memory_space<hbm>>) target(%dma_start3A_148 : memref<1x64xf32, #tpu.memory_space<vmem>>) target_semaphore(%arg13 : memref<!tpu.dma_semaphore, #tpu.memory_space<semaphore_mem>>)
      %slice3A_151 = vector.extract_strided_slice %get3A_41 {offsets = [8], sizes = [1], strides = [1]} : vector<16xi32> to vector<1xi32>
      %squeeze3A_152 = vector.extract %slice3A_151[0] : i32 from vector<1xi32>
      %mul3A_153 = arith.constant 16 : i32
      %mul3A_154 = arith.muli %scan3A_37, %mul3A_153 : i32
      %add3A_155 = arith.constant 8 : i32
      %add3A_156 = arith.addi %mul3A_154, %add3A_155 : i32
      %dma_start3A_157 = arith.constant 0 : i32
      %dma_start3A_158 = tpu.memref_slice %arg12[%add3A_156, %dma_start3A_157] : memref<512x64xf32, #tpu.memory_space<vmem>> -> memref<1x64xf32, #tpu.memory_space<vmem>>
      %dma_start3A_159 = arith.constant 0 : i32
      %dma_start3A_160 = tpu.memref_slice %arg3[%squeeze3A_152, %dma_start3A_159] : memref<1000x64xf32, #tpu.memory_space<hbm>> -> memref<1x64xf32, #tpu.memory_space<hbm>>
      %dma_start3A_161 = arith.constant 0 : i32
      %dma_start3A_162 = tpu.memref_slice %arg12[%add3A_156, %dma_start3A_161] : memref<512x64xf32, #tpu.memory_space<vmem>> -> memref<1x64xf32, #tpu.memory_space<vmem>>
      %dma_start3A_163 = arith.constant 0 : i32
      %dma_start3A_164 = tpu.memref_slice %arg3[%squeeze3A_152, %dma_start3A_163] : memref<1000x64xf32, #tpu.memory_space<hbm>> -> memref<1x64xf32, #tpu.memory_space<hbm>>
      tpu.enqueue_dma source(%dma_start3A_164 : memref<1x64xf32, #tpu.memory_space<hbm>>) target(%dma_start3A_162 : memref<1x64xf32, #tpu.memory_space<vmem>>) target_semaphore(%arg13 : memref<!tpu.dma_semaphore, #tpu.memory_space<semaphore_mem>>)
      %slice3A_165 = vector.extract_strided_slice %get3A_41 {offsets = [9], sizes = [1], strides = [1]} : vector<16xi32> to vector<1xi32>
      %squeeze3A_166 = vector.extract %slice3A_165[0] : i32 from vector<1xi32>
      %mul3A_167 = arith.constant 16 : i32
      %mul3A_168 = arith.muli %scan3A_37, %mul3A_167 : i32
      %add3A_169 = arith.constant 9 : i32
      %add3A_170 = arith.addi %mul3A_168, %add3A_169 : i32
      %dma_start3A_171 = arith.constant 0 : i32
      %dma_start3A_172 = tpu.memref_slice %arg12[%add3A_170, %dma_start3A_171] : memref<512x64xf32, #tpu.memory_space<vmem>> -> memref<1x64xf32, #tpu.memory_space<vmem>>
      %dma_start3A_173 = arith.constant 0 : i32
      %dma_start3A_174 = tpu.memref_slice %arg3[%squeeze3A_166, %dma_start3A_173] : memref<1000x64xf32, #tpu.memory_space<hbm>> -> memref<1x64xf32, #tpu.memory_space<hbm>>
      %dma_start3A_175 = arith.constant 0 : i32
      %dma_start3A_176 = tpu.memref_slice %arg12[%add3A_170, %dma_start3A_175] : memref<512x64xf32, #tpu.memory_space<vmem>> -> memref<1x64xf32, #tpu.memory_space<vmem>>
      %dma_start3A_177 = arith.constant 0 : i32
      %dma_start3A_178 = tpu.memref_slice %arg3[%squeeze3A_166, %dma_start3A_177] : memref<1000x64xf32, #tpu.memory_space<hbm>> -> memref<1x64xf32, #tpu.memory_space<hbm>>
      tpu.enqueue_dma source(%dma_start3A_178 : memref<1x64xf32, #tpu.memory_space<hbm>>) target(%dma_start3A_176 : memref<1x64xf32, #tpu.memory_space<vmem>>) target_semaphore(%arg13 : memref<!tpu.dma_semaphore, #tpu.memory_space<semaphore_mem>>)
      %slice3A_179 = vector.extract_strided_slice %get3A_41 {offsets = [10], sizes = [1], strides = [1]} : vector<16xi32> to vector<1xi32>
      %squeeze3A_180 = vector.extract %slice3A_179[0] : i32 from vector<1xi32>
      %mul3A_181 = arith.constant 16 : i32
      %mul3A_182 = arith.muli %scan3A_37, %mul3A_181 : i32
      %add3A_183 = arith.constant 10 : i32
      %add3A_184 = arith.addi %mul3A_182, %add3A_183 : i32
      %dma_start3A_185 = arith.constant 0 : i32
      %dma_start3A_186 = tpu.memref_slice %arg12[%add3A_184, %dma_start3A_185] : memref<512x64xf32, #tpu.memory_space<vmem>> -> memref<1x64xf32, #tpu.memory_space<vmem>>
      %dma_start3A_187 = arith.constant 0 : i32
      %dma_start3A_188 = tpu.memref_slice %arg3[%squeeze3A_180, %dma_start3A_187] : memref<1000x64xf32, #tpu.memory_space<hbm>> -> memref<1x64xf32, #tpu.memory_space<hbm>>
      %dma_start3A_189 = arith.constant 0 : i32
      %dma_start3A_190 = tpu.memref_slice %arg12[%add3A_184, %dma_start3A_189] : memref<512x64xf32, #tpu.memory_space<vmem>> -> memref<1x64xf32, #tpu.memory_space<vmem>>
      %dma_start3A_191 = arith.constant 0 : i32
      %dma_start3A_192 = tpu.memref_slice %arg3[%squeeze3A_180, %dma_start3A_191] : memref<1000x64xf32, #tpu.memory_space<hbm>> -> memref<1x64xf32, #tpu.memory_space<hbm>>
      tpu.enqueue_dma source(%dma_start3A_192 : memref<1x64xf32, #tpu.memory_space<hbm>>) target(%dma_start3A_190 : memref<1x64xf32, #tpu.memory_space<vmem>>) target_semaphore(%arg13 : memref<!tpu.dma_semaphore, #tpu.memory_space<semaphore_mem>>)
      %slice3A_193 = vector.extract_strided_slice %get3A_41 {offsets = [11], sizes = [1], strides = [1]} : vector<16xi32> to vector<1xi32>
      %squeeze3A_194 = vector.extract %slice3A_193[0] : i32 from vector<1xi32>
      %mul3A_195 = arith.constant 16 : i32
      %mul3A_196 = arith.muli %scan3A_37, %mul3A_195 : i32
      %add3A_197 = arith.constant 11 : i32
      %add3A_198 = arith.addi %mul3A_196, %add3A_197 : i32
      %dma_start3A_199 = arith.constant 0 : i32
      %dma_start3A_200 = tpu.memref_slice %arg12[%add3A_198, %dma_start3A_199] : memref<512x64xf32, #tpu.memory_space<vmem>> -> memref<1x64xf32, #tpu.memory_space<vmem>>
      %dma_start3A_201 = arith.constant 0 : i32
      %dma_start3A_202 = tpu.memref_slice %arg3[%squeeze3A_194, %dma_start3A_201] : memref<1000x64xf32, #tpu.memory_space<hbm>> -> memref<1x64xf32, #tpu.memory_space<hbm>>
      %dma_start3A_203 = arith.constant 0 : i32
      %dma_start3A_204 = tpu.memref_slice %arg12[%add3A_198, %dma_start3A_203] : memref<512x64xf32, #tpu.memory_space<vmem>> -> memref<1x64xf32, #tpu.memory_space<vmem>>
      %dma_start3A_205 = arith.constant 0 : i32
      %dma_start3A_206 = tpu.memref_slice %arg3[%squeeze3A_194, %dma_start3A_205] : memref<1000x64xf32, #tpu.memory_space<hbm>> -> memref<1x64xf32, #tpu.memory_space<hbm>>
      tpu.enqueue_dma source(%dma_start3A_206 : memref<1x64xf32, #tpu.memory_space<hbm>>) target(%dma_start3A_204 : memref<1x64xf32, #tpu.memory_space<vmem>>) target_semaphore(%arg13 : memref<!tpu.dma_semaphore, #tpu.memory_space<semaphore_mem>>)
      %slice3A_207 = vector.extract_strided_slice %get3A_41 {offsets = [12], sizes = [1], strides = [1]} : vector<16xi32> to vector<1xi32>
      %squeeze3A_208 = vector.extract %slice3A_207[0] : i32 from vector<1xi32>
      %mul3A_209 = arith.constant 16 : i32
      %mul3A_210 = arith.muli %scan3A_37, %mul3A_209 : i32
      %add3A_211 = arith.constant 12 : i32
      %add3A_212 = arith.addi %mul3A_210, %add3A_211 : i32
      %dma_start3A_213 = arith.constant 0 : i32
      %dma_start3A_214 = tpu.memref_slice %arg12[%add3A_212, %dma_start3A_213] : memref<512x64xf32, #tpu.memory_space<vmem>> -> memref<1x64xf32, #tpu.memory_space<vmem>>
      %dma_start3A_215 = arith.constant 0 : i32
      %dma_start3A_216 = tpu.memref_slice %arg3[%squeeze3A_208, %dma_start3A_215] : memref<1000x64xf32, #tpu.memory_space<hbm>> -> memref<1x64xf32, #tpu.memory_space<hbm>>
      %dma_start3A_217 = arith.constant 0 : i32
      %dma_start3A_218 = tpu.memref_slice %arg12[%add3A_212, %dma_start3A_217] : memref<512x64xf32, #tpu.memory_space<vmem>> -> memref<1x64xf32, #tpu.memory_space<vmem>>
      %dma_start3A_219 = arith.constant 0 : i32
      %dma_start3A_220 = tpu.memref_slice %arg3[%squeeze3A_208, %dma_start3A_219] : memref<1000x64xf32, #tpu.memory_space<hbm>> -> memref<1x64xf32, #tpu.memory_space<hbm>>
      tpu.enqueue_dma source(%dma_start3A_220 : memref<1x64xf32, #tpu.memory_space<hbm>>) target(%dma_start3A_218 : memref<1x64xf32, #tpu.memory_space<vmem>>) target_semaphore(%arg13 : memref<!tpu.dma_semaphore, #tpu.memory_space<semaphore_mem>>)
      %slice3A_221 = vector.extract_strided_slice %get3A_41 {offsets = [13], sizes = [1], strides = [1]} : vector<16xi32> to vector<1xi32>
      %squeeze3A_222 = vector.extract %slice3A_221[0] : i32 from vector<1xi32>
      %mul3A_223 = arith.constant 16 : i32
      %mul3A_224 = arith.muli %scan3A_37, %mul3A_223 : i32
      %add3A_225 = arith.constant 13 : i32
      %add3A_226 = arith.addi %mul3A_224, %add3A_225 : i32
      %dma_start3A_227 = arith.constant 0 : i32
      %dma_start3A_228 = tpu.memref_slice %arg12[%add3A_226, %dma_start3A_227] : memref<512x64xf32, #tpu.memory_space<vmem>> -> memref<1x64xf32, #tpu.memory_space<vmem>>
      %dma_start3A_229 = arith.constant 0 : i32
      %dma_start3A_230 = tpu.memref_slice %arg3[%squeeze3A_222, %dma_start3A_229] : memref<1000x64xf32, #tpu.memory_space<hbm>> -> memref<1x64xf32, #tpu.memory_space<hbm>>
      %dma_start3A_231 = arith.constant 0 : i32
      %dma_start3A_232 = tpu.memref_slice %arg12[%add3A_226, %dma_start3A_231] : memref<512x64xf32, #tpu.memory_space<vmem>> -> memref<1x64xf32, #tpu.memory_space<vmem>>
      %dma_start3A_233 = arith.constant 0 : i32
      %dma_start3A_234 = tpu.memref_slice %arg3[%squeeze3A_222, %dma_start3A_233] : memref<1000x64xf32, #tpu.memory_space<hbm>> -> memref<1x64xf32, #tpu.memory_space<hbm>>
      tpu.enqueue_dma source(%dma_start3A_234 : memref<1x64xf32, #tpu.memory_space<hbm>>) target(%dma_start3A_232 : memref<1x64xf32, #tpu.memory_space<vmem>>) target_semaphore(%arg13 : memref<!tpu.dma_semaphore, #tpu.memory_space<semaphore_mem>>)
      %slice3A_235 = vector.extract_strided_slice %get3A_41 {offsets = [14], sizes = [1], strides = [1]} : vector<16xi32> to vector<1xi32>
      %squeeze3A_236 = vector.extract %slice3A_235[0] : i32 from vector<1xi32>
      %mul3A_237 = arith.constant 16 : i32
      %mul3A_238 = arith.muli %scan3A_37, %mul3A_237 : i32
      %add3A_239 = arith.constant 14 : i32
      %add3A_240 = arith.addi %mul3A_238, %add3A_239 : i32
      %dma_start3A_241 = arith.constant 0 : i32
      %dma_start3A_242 = tpu.memref_slice %arg12[%add3A_240, %dma_start3A_241] : memref<512x64xf32, #tpu.memory_space<vmem>> -> memref<1x64xf32, #tpu.memory_space<vmem>>
      %dma_start3A_243 = arith.constant 0 : i32
      %dma_start3A_244 = tpu.memref_slice %arg3[%squeeze3A_236, %dma_start3A_243] : memref<1000x64xf32, #tpu.memory_space<hbm>> -> memref<1x64xf32, #tpu.memory_space<hbm>>
      %dma_start3A_245 = arith.constant 0 : i32
      %dma_start3A_246 = tpu.memref_slice %arg12[%add3A_240, %dma_start3A_245] : memref<512x64xf32, #tpu.memory_space<vmem>> -> memref<1x64xf32, #tpu.memory_space<vmem>>
      %dma_start3A_247 = arith.constant 0 : i32
      %dma_start3A_248 = tpu.memref_slice %arg3[%squeeze3A_236, %dma_start3A_247] : memref<1000x64xf32, #tpu.memory_space<hbm>> -> memref<1x64xf32, #tpu.memory_space<hbm>>
      tpu.enqueue_dma source(%dma_start3A_248 : memref<1x64xf32, #tpu.memory_space<hbm>>) target(%dma_start3A_246 : memref<1x64xf32, #tpu.memory_space<vmem>>) target_semaphore(%arg13 : memref<!tpu.dma_semaphore, #tpu.memory_space<semaphore_mem>>)
      %slice3A_249 = vector.extract_strided_slice %get3A_41 {offsets = [15], sizes = [1], strides = [1]} : vector<16xi32> to vector<1xi32>
      %squeeze3A_250 = vector.extract %slice3A_249[0] : i32 from vector<1xi32>
      %mul3A_251 = arith.constant 16 : i32
      %mul3A_252 = arith.muli %scan3A_37, %mul3A_251 : i32
      %add3A_253 = arith.constant 15 : i32
      %add3A_254 = arith.addi %mul3A_252, %add3A_253 : i32
      %dma_start3A_255 = arith.constant 0 : i32
      %dma_start3A_256 = tpu.memref_slice %arg12[%add3A_254, %dma_start3A_255] : memref<512x64xf32, #tpu.memory_space<vmem>> -> memref<1x64xf32, #tpu.memory_space<vmem>>
      %dma_start3A_257 = arith.constant 0 : i32
      %dma_start3A_258 = tpu.memref_slice %arg3[%squeeze3A_250, %dma_start3A_257] : memref<1000x64xf32, #tpu.memory_space<hbm>> -> memref<1x64xf32, #tpu.memory_space<hbm>>
      %dma_start3A_259 = arith.constant 0 : i32
      %dma_start3A_260 = tpu.memref_slice %arg12[%add3A_254, %dma_start3A_259] : memref<512x64xf32, #tpu.memory_space<vmem>> -> memref<1x64xf32, #tpu.memory_space<vmem>>
      %dma_start3A_261 = arith.constant 0 : i32
      %dma_start3A_262 = tpu.memref_slice %arg3[%squeeze3A_250, %dma_start3A_261] : memref<1000x64xf32, #tpu.memory_space<hbm>> -> memref<1x64xf32, #tpu.memory_space<hbm>>
      tpu.enqueue_dma source(%dma_start3A_262 : memref<1x64xf32, #tpu.memory_space<hbm>>) target(%dma_start3A_260 : memref<1x64xf32, #tpu.memory_space<vmem>>) target_semaphore(%arg13 : memref<!tpu.dma_semaphore, #tpu.memory_space<semaphore_mem>>)
    }
    %scan3A_18 = arith.constant 32 : i32
    %dma_wait3A_19 = arith.constant 0 : i32
    %dma_wait3A_20 = arith.constant 0 : i32
    %dma_wait3A_21 = tpu.memref_slice %arg3[%dma_wait3A_19, %dma_wait3A_20] : memref<1000x64xf32, #tpu.memory_space<hbm>> -> memref<512x64xf32, #tpu.memory_space<hbm>>
    %dma_wait3A_22 = arith.constant 0 : i32
    %dma_wait3A_23 = arith.constant 0 : i32
    %dma_wait3A_24 = tpu.memref_slice %arg3[%dma_wait3A_22, %dma_wait3A_23] : memref<1000x64xf32, #tpu.memory_space<hbm>> -> memref<512x64xf32, #tpu.memory_space<hbm>>
    tpu.wait_dma2 semaphore(%arg13 : memref<!tpu.dma_semaphore, #tpu.memory_space<semaphore_mem>>) src(%dma_wait3A_24 : memref<512x64xf32, #tpu.memory_space<hbm>>) dst(%arg12 : memref<512x64xf32, #tpu.memory_space<vmem>>)
    "tpu.region"() ({
      %run_scoped3A = tpu.sem_alloc : memref<!tpu.dma_semaphore, #tpu.memory_space<semaphore_mem>>
      %dma_start3A = arith.constant 0 : i32
      %dma_start3A_37 = tpu.memref_slice %arg9[%mul3A_2, %dma_start3A] : memref<16384x64xf32, #tpu.memory_space<hbm>> -> memref<512x64xf32, #tpu.memory_space<hbm>>
      %dma_start3A_38 = arith.constant 0 : i32
      %dma_start3A_39 = tpu.memref_slice %arg9[%mul3A_2, %dma_start3A_38] : memref<16384x64xf32, #tpu.memory_space<hbm>> -> memref<512x64xf32, #tpu.memory_space<hbm>>
      tpu.enqueue_dma source(%arg12 : memref<512x64xf32, #tpu.memory_space<vmem>>) target(%dma_start3A_39 : memref<512x64xf32, #tpu.memory_space<hbm>>) target_semaphore(%run_scoped3A : memref<!tpu.dma_semaphore, #tpu.memory_space<semaphore_mem>>)
      %dma_wait3A_40 = arith.constant 0 : i32
      %dma_wait3A_41 = tpu.memref_slice %arg9[%mul3A_2, %dma_wait3A_40] : memref<16384x64xf32, #tpu.memory_space<hbm>> -> memref<512x64xf32, #tpu.memory_space<hbm>>
      %dma_wait3A_42 = arith.constant 0 : i32
      %dma_wait3A_43 = tpu.memref_slice %arg9[%mul3A_2, %dma_wait3A_42] : memref<16384x64xf32, #tpu.memory_space<hbm>> -> memref<512x64xf32, #tpu.memory_space<hbm>>
      tpu.wait_dma2 semaphore(%run_scoped3A : memref<!tpu.dma_semaphore, #tpu.memory_space<semaphore_mem>>) src(%arg12 : memref<512x64xf32, #tpu.memory_space<vmem>>) dst(%dma_wait3A_43 : memref<512x64xf32, #tpu.memory_space<hbm>>)
      tpu.yield
    }) : () -> ()
    "tpu.region"() ({
      %run_scoped3A = tpu.sem_alloc : memref<!tpu.dma_semaphore, #tpu.memory_space<semaphore_mem>>
      %dma_start3A = tpu.memref_slice %arg7[%mul3A_2] : memref<16384xi32, #tpu.memory_space<hbm>> -> memref<512xi32, #tpu.memory_space<hbm>>
      %dma_start3A_37 = tpu.memref_slice %arg7[%mul3A_2] : memref<16384xi32, #tpu.memory_space<hbm>> -> memref<512xi32, #tpu.memory_space<hbm>>
      tpu.enqueue_dma source(%dma_start3A_37 : memref<512xi32, #tpu.memory_space<hbm>>) target(%arg11 : memref<512xi32, #tpu.memory_space<vmem>>) target_semaphore(%run_scoped3A : memref<!tpu.dma_semaphore, #tpu.memory_space<semaphore_mem>>)
      %dma_wait3A_38 = tpu.memref_slice %arg7[%mul3A_2] : memref<16384xi32, #tpu.memory_space<hbm>> -> memref<512xi32, #tpu.memory_space<hbm>>
      %dma_wait3A_39 = tpu.memref_slice %arg7[%mul3A_2] : memref<16384xi32, #tpu.memory_space<hbm>> -> memref<512xi32, #tpu.memory_space<hbm>>
      tpu.wait_dma2 semaphore(%run_scoped3A : memref<!tpu.dma_semaphore, #tpu.memory_space<semaphore_mem>>) src(%dma_wait3A_39 : memref<512xi32, #tpu.memory_space<hbm>>) dst(%arg11 : memref<512xi32, #tpu.memory_space<vmem>>)
      tpu.yield
    }) : () -> ()
    %scan3A_25 = arith.constant 0 : i32
    %scan3A_26 = arith.constant 0 : i32
    %scan3A_27 = arith.constant 32 : i32
    %scan3A_28 = arith.addi %scan3A_26, %scan3A_27 : i32
    %scan3A_29 = arith.constant 1 : i32
    scf.for %scan3A_37 = %scan3A_26 to %scan3A_28 step %scan3A_29  : i32 {
      %mul3A_38 = arith.constant 16 : i32
      %mul3A_39 = arith.muli %scan3A_37, %mul3A_38 : i32
      %get3A = arith.index_cast %mul3A_39 : i32 to index
      %get3A_40 = tpu.vector_load %arg11[%get3A] {strides = array<i32>} : memref<512xi32, #tpu.memory_space<vmem>>, vector<16xi32>,
      %get3A_41 = vector.shape_cast %get3A_40 : vector<16xi32> to vector<16xi32>
      %slice3A = vector.extract_strided_slice %get3A_41 {offsets = [0], sizes = [1], strides = [1]} : vector<16xi32> to vector<1xi32>
      %squeeze3A = vector.extract %slice3A[0] : i32 from vector<1xi32>
      %mul3A_42 = arith.constant 16 : i32
      %mul3A_43 = arith.muli %scan3A_37, %mul3A_42 : i32
      %add3A_44 = arith.constant 0 : i32
      %add3A_45 = arith.addi %mul3A_43, %add3A_44 : i32
      %dma_start3A = arith.constant 0 : i32
      %dma_start3A_46 = tpu.memref_slice %arg12[%add3A_45, %dma_start3A] : memref<512x64xf32, #tpu.memory_space<vmem>> -> memref<1x64xf32, #tpu.memory_space<vmem>>
      %dma_start3A_47 = arith.constant 0 : i32
      %dma_start3A_48 = tpu.memref_slice %arg4[%squeeze3A, %dma_start3A_47] : memref<1000x64xf32, #tpu.memory_space<hbm>> -> memref<1x64xf32, #tpu.memory_space<hbm>>
      %dma_start3A_49 = arith.constant 0 : i32
      %dma_start3A_50 = tpu.memref_slice %arg12[%add3A_45, %dma_start3A_49] : memref<512x64xf32, #tpu.memory_space<vmem>> -> memref<1x64xf32, #tpu.memory_space<vmem>>
      %dma_start3A_51 = arith.constant 0 : i32
      %dma_start3A_52 = tpu.memref_slice %arg4[%squeeze3A, %dma_start3A_51] : memref<1000x64xf32, #tpu.memory_space<hbm>> -> memref<1x64xf32, #tpu.memory_space<hbm>>
      tpu.enqueue_dma source(%dma_start3A_52 : memref<1x64xf32, #tpu.memory_space<hbm>>) target(%dma_start3A_50 : memref<1x64xf32, #tpu.memory_space<vmem>>) target_semaphore(%arg13 : memref<!tpu.dma_semaphore, #tpu.memory_space<semaphore_mem>>)
      %slice3A_53 = vector.extract_strided_slice %get3A_41 {offsets = [1], sizes = [1], strides = [1]} : vector<16xi32> to vector<1xi32>
      %squeeze3A_54 = vector.extract %slice3A_53[0] : i32 from vector<1xi32>
      %mul3A_55 = arith.constant 16 : i32
      %mul3A_56 = arith.muli %scan3A_37, %mul3A_55 : i32
      %add3A_57 = arith.constant 1 : i32
      %add3A_58 = arith.addi %mul3A_56, %add3A_57 : i32
      %dma_start3A_59 = arith.constant 0 : i32
      %dma_start3A_60 = tpu.memref_slice %arg12[%add3A_58, %dma_start3A_59] : memref<512x64xf32, #tpu.memory_space<vmem>> -> memref<1x64xf32, #tpu.memory_space<vmem>>
      %dma_start3A_61 = arith.constant 0 : i32
      %dma_start3A_62 = tpu.memref_slice %arg4[%squeeze3A_54, %dma_start3A_61] : memref<1000x64xf32, #tpu.memory_space<hbm>> -> memref<1x64xf32, #tpu.memory_space<hbm>>
      %dma_start3A_63 = arith.constant 0 : i32
      %dma_start3A_64 = tpu.memref_slice %arg12[%add3A_58, %dma_start3A_63] : memref<512x64xf32, #tpu.memory_space<vmem>> -> memref<1x64xf32, #tpu.memory_space<vmem>>
      %dma_start3A_65 = arith.constant 0 : i32
      %dma_start3A_66 = tpu.memref_slice %arg4[%squeeze3A_54, %dma_start3A_65] : memref<1000x64xf32, #tpu.memory_space<hbm>> -> memref<1x64xf32, #tpu.memory_space<hbm>>
      tpu.enqueue_dma source(%dma_start3A_66 : memref<1x64xf32, #tpu.memory_space<hbm>>) target(%dma_start3A_64 : memref<1x64xf32, #tpu.memory_space<vmem>>) target_semaphore(%arg13 : memref<!tpu.dma_semaphore, #tpu.memory_space<semaphore_mem>>)
      %slice3A_67 = vector.extract_strided_slice %get3A_41 {offsets = [2], sizes = [1], strides = [1]} : vector<16xi32> to vector<1xi32>
      %squeeze3A_68 = vector.extract %slice3A_67[0] : i32 from vector<1xi32>
      %mul3A_69 = arith.constant 16 : i32
      %mul3A_70 = arith.muli %scan3A_37, %mul3A_69 : i32
      %add3A_71 = arith.constant 2 : i32
      %add3A_72 = arith.addi %mul3A_70, %add3A_71 : i32
      %dma_start3A_73 = arith.constant 0 : i32
      %dma_start3A_74 = tpu.memref_slice %arg12[%add3A_72, %dma_start3A_73] : memref<512x64xf32, #tpu.memory_space<vmem>> -> memref<1x64xf32, #tpu.memory_space<vmem>>
      %dma_start3A_75 = arith.constant 0 : i32
      %dma_start3A_76 = tpu.memref_slice %arg4[%squeeze3A_68, %dma_start3A_75] : memref<1000x64xf32, #tpu.memory_space<hbm>> -> memref<1x64xf32, #tpu.memory_space<hbm>>
      %dma_start3A_77 = arith.constant 0 : i32
      %dma_start3A_78 = tpu.memref_slice %arg12[%add3A_72, %dma_start3A_77] : memref<512x64xf32, #tpu.memory_space<vmem>> -> memref<1x64xf32, #tpu.memory_space<vmem>>
      %dma_start3A_79 = arith.constant 0 : i32
      %dma_start3A_80 = tpu.memref_slice %arg4[%squeeze3A_68, %dma_start3A_79] : memref<1000x64xf32, #tpu.memory_space<hbm>> -> memref<1x64xf32, #tpu.memory_space<hbm>>
      tpu.enqueue_dma source(%dma_start3A_80 : memref<1x64xf32, #tpu.memory_space<hbm>>) target(%dma_start3A_78 : memref<1x64xf32, #tpu.memory_space<vmem>>) target_semaphore(%arg13 : memref<!tpu.dma_semaphore, #tpu.memory_space<semaphore_mem>>)
      %slice3A_81 = vector.extract_strided_slice %get3A_41 {offsets = [3], sizes = [1], strides = [1]} : vector<16xi32> to vector<1xi32>
      %squeeze3A_82 = vector.extract %slice3A_81[0] : i32 from vector<1xi32>
      %mul3A_83 = arith.constant 16 : i32
      %mul3A_84 = arith.muli %scan3A_37, %mul3A_83 : i32
      %add3A_85 = arith.constant 3 : i32
      %add3A_86 = arith.addi %mul3A_84, %add3A_85 : i32
      %dma_start3A_87 = arith.constant 0 : i32
      %dma_start3A_88 = tpu.memref_slice %arg12[%add3A_86, %dma_start3A_87] : memref<512x64xf32, #tpu.memory_space<vmem>> -> memref<1x64xf32, #tpu.memory_space<vmem>>
      %dma_start3A_89 = arith.constant 0 : i32
      %dma_start3A_90 = tpu.memref_slice %arg4[%squeeze3A_82, %dma_start3A_89] : memref<1000x64xf32, #tpu.memory_space<hbm>> -> memref<1x64xf32, #tpu.memory_space<hbm>>
      %dma_start3A_91 = arith.constant 0 : i32
      %dma_start3A_92 = tpu.memref_slice %arg12[%add3A_86, %dma_start3A_91] : memref<512x64xf32, #tpu.memory_space<vmem>> -> memref<1x64xf32, #tpu.memory_space<vmem>>
      %dma_start3A_93 = arith.constant 0 : i32
      %dma_start3A_94 = tpu.memref_slice %arg4[%squeeze3A_82, %dma_start3A_93] : memref<1000x64xf32, #tpu.memory_space<hbm>> -> memref<1x64xf32, #tpu.memory_space<hbm>>
      tpu.enqueue_dma source(%dma_start3A_94 : memref<1x64xf32, #tpu.memory_space<hbm>>) target(%dma_start3A_92 : memref<1x64xf32, #tpu.memory_space<vmem>>) target_semaphore(%arg13 : memref<!tpu.dma_semaphore, #tpu.memory_space<semaphore_mem>>)
      %slice3A_95 = vector.extract_strided_slice %get3A_41 {offsets = [4], sizes = [1], strides = [1]} : vector<16xi32> to vector<1xi32>
      %squeeze3A_96 = vector.extract %slice3A_95[0] : i32 from vector<1xi32>
      %mul3A_97 = arith.constant 16 : i32
      %mul3A_98 = arith.muli %scan3A_37, %mul3A_97 : i32
      %add3A_99 = arith.constant 4 : i32
      %add3A_100 = arith.addi %mul3A_98, %add3A_99 : i32
      %dma_start3A_101 = arith.constant 0 : i32
      %dma_start3A_102 = tpu.memref_slice %arg12[%add3A_100, %dma_start3A_101] : memref<512x64xf32, #tpu.memory_space<vmem>> -> memref<1x64xf32, #tpu.memory_space<vmem>>
      %dma_start3A_103 = arith.constant 0 : i32
      %dma_start3A_104 = tpu.memref_slice %arg4[%squeeze3A_96, %dma_start3A_103] : memref<1000x64xf32, #tpu.memory_space<hbm>> -> memref<1x64xf32, #tpu.memory_space<hbm>>
      %dma_start3A_105 = arith.constant 0 : i32
      %dma_start3A_106 = tpu.memref_slice %arg12[%add3A_100, %dma_start3A_105] : memref<512x64xf32, #tpu.memory_space<vmem>> -> memref<1x64xf32, #tpu.memory_space<vmem>>
      %dma_start3A_107 = arith.constant 0 : i32
      %dma_start3A_108 = tpu.memref_slice %arg4[%squeeze3A_96, %dma_start3A_107] : memref<1000x64xf32, #tpu.memory_space<hbm>> -> memref<1x64xf32, #tpu.memory_space<hbm>>
      tpu.enqueue_dma source(%dma_start3A_108 : memref<1x64xf32, #tpu.memory_space<hbm>>) target(%dma_start3A_106 : memref<1x64xf32, #tpu.memory_space<vmem>>) target_semaphore(%arg13 : memref<!tpu.dma_semaphore, #tpu.memory_space<semaphore_mem>>)
      %slice3A_109 = vector.extract_strided_slice %get3A_41 {offsets = [5], sizes = [1], strides = [1]} : vector<16xi32> to vector<1xi32>
      %squeeze3A_110 = vector.extract %slice3A_109[0] : i32 from vector<1xi32>
      %mul3A_111 = arith.constant 16 : i32
      %mul3A_112 = arith.muli %scan3A_37, %mul3A_111 : i32
      %add3A_113 = arith.constant 5 : i32
      %add3A_114 = arith.addi %mul3A_112, %add3A_113 : i32
      %dma_start3A_115 = arith.constant 0 : i32
      %dma_start3A_116 = tpu.memref_slice %arg12[%add3A_114, %dma_start3A_115] : memref<512x64xf32, #tpu.memory_space<vmem>> -> memref<1x64xf32, #tpu.memory_space<vmem>>
      %dma_start3A_117 = arith.constant 0 : i32
      %dma_start3A_118 = tpu.memref_slice %arg4[%squeeze3A_110, %dma_start3A_117] : memref<1000x64xf32, #tpu.memory_space<hbm>> -> memref<1x64xf32, #tpu.memory_space<hbm>>
      %dma_start3A_119 = arith.constant 0 : i32
      %dma_start3A_120 = tpu.memref_slice %arg12[%add3A_114, %dma_start3A_119] : memref<512x64xf32, #tpu.memory_space<vmem>> -> memref<1x64xf32, #tpu.memory_space<vmem>>
      %dma_start3A_121 = arith.constant 0 : i32
      %dma_start3A_122 = tpu.memref_slice %arg4[%squeeze3A_110, %dma_start3A_121] : memref<1000x64xf32, #tpu.memory_space<hbm>> -> memref<1x64xf32, #tpu.memory_space<hbm>>
      tpu.enqueue_dma source(%dma_start3A_122 : memref<1x64xf32, #tpu.memory_space<hbm>>) target(%dma_start3A_120 : memref<1x64xf32, #tpu.memory_space<vmem>>) target_semaphore(%arg13 : memref<!tpu.dma_semaphore, #tpu.memory_space<semaphore_mem>>)
      %slice3A_123 = vector.extract_strided_slice %get3A_41 {offsets = [6], sizes = [1], strides = [1]} : vector<16xi32> to vector<1xi32>
      %squeeze3A_124 = vector.extract %slice3A_123[0] : i32 from vector<1xi32>
      %mul3A_125 = arith.constant 16 : i32
      %mul3A_126 = arith.muli %scan3A_37, %mul3A_125 : i32
      %add3A_127 = arith.constant 6 : i32
      %add3A_128 = arith.addi %mul3A_126, %add3A_127 : i32
      %dma_start3A_129 = arith.constant 0 : i32
      %dma_start3A_130 = tpu.memref_slice %arg12[%add3A_128, %dma_start3A_129] : memref<512x64xf32, #tpu.memory_space<vmem>> -> memref<1x64xf32, #tpu.memory_space<vmem>>
      %dma_start3A_131 = arith.constant 0 : i32
      %dma_start3A_132 = tpu.memref_slice %arg4[%squeeze3A_124, %dma_start3A_131] : memref<1000x64xf32, #tpu.memory_space<hbm>> -> memref<1x64xf32, #tpu.memory_space<hbm>>
      %dma_start3A_133 = arith.constant 0 : i32
      %dma_start3A_134 = tpu.memref_slice %arg12[%add3A_128, %dma_start3A_133] : memref<512x64xf32, #tpu.memory_space<vmem>> -> memref<1x64xf32, #tpu.memory_space<vmem>>
      %dma_start3A_135 = arith.constant 0 : i32
      %dma_start3A_136 = tpu.memref_slice %arg4[%squeeze3A_124, %dma_start3A_135] : memref<1000x64xf32, #tpu.memory_space<hbm>> -> memref<1x64xf32, #tpu.memory_space<hbm>>
      tpu.enqueue_dma source(%dma_start3A_136 : memref<1x64xf32, #tpu.memory_space<hbm>>) target(%dma_start3A_134 : memref<1x64xf32, #tpu.memory_space<vmem>>) target_semaphore(%arg13 : memref<!tpu.dma_semaphore, #tpu.memory_space<semaphore_mem>>)
      %slice3A_137 = vector.extract_strided_slice %get3A_41 {offsets = [7], sizes = [1], strides = [1]} : vector<16xi32> to vector<1xi32>
      %squeeze3A_138 = vector.extract %slice3A_137[0] : i32 from vector<1xi32>
      %mul3A_139 = arith.constant 16 : i32
      %mul3A_140 = arith.muli %scan3A_37, %mul3A_139 : i32
      %add3A_141 = arith.constant 7 : i32
      %add3A_142 = arith.addi %mul3A_140, %add3A_141 : i32
      %dma_start3A_143 = arith.constant 0 : i32
      %dma_start3A_144 = tpu.memref_slice %arg12[%add3A_142, %dma_start3A_143] : memref<512x64xf32, #tpu.memory_space<vmem>> -> memref<1x64xf32, #tpu.memory_space<vmem>>
      %dma_start3A_145 = arith.constant 0 : i32
      %dma_start3A_146 = tpu.memref_slice %arg4[%squeeze3A_138, %dma_start3A_145] : memref<1000x64xf32, #tpu.memory_space<hbm>> -> memref<1x64xf32, #tpu.memory_space<hbm>>
      %dma_start3A_147 = arith.constant 0 : i32
      %dma_start3A_148 = tpu.memref_slice %arg12[%add3A_142, %dma_start3A_147] : memref<512x64xf32, #tpu.memory_space<vmem>> -> memref<1x64xf32, #tpu.memory_space<vmem>>
      %dma_start3A_149 = arith.constant 0 : i32
      %dma_start3A_150 = tpu.memref_slice %arg4[%squeeze3A_138, %dma_start3A_149] : memref<1000x64xf32, #tpu.memory_space<hbm>> -> memref<1x64xf32, #tpu.memory_space<hbm>>
      tpu.enqueue_dma source(%dma_start3A_150 : memref<1x64xf32, #tpu.memory_space<hbm>>) target(%dma_start3A_148 : memref<1x64xf32, #tpu.memory_space<vmem>>) target_semaphore(%arg13 : memref<!tpu.dma_semaphore, #tpu.memory_space<semaphore_mem>>)
      %slice3A_151 = vector.extract_strided_slice %get3A_41 {offsets = [8], sizes = [1], strides = [1]} : vector<16xi32> to vector<1xi32>
      %squeeze3A_152 = vector.extract %slice3A_151[0] : i32 from vector<1xi32>
      %mul3A_153 = arith.constant 16 : i32
      %mul3A_154 = arith.muli %scan3A_37, %mul3A_153 : i32
      %add3A_155 = arith.constant 8 : i32
      %add3A_156 = arith.addi %mul3A_154, %add3A_155 : i32
      %dma_start3A_157 = arith.constant 0 : i32
      %dma_start3A_158 = tpu.memref_slice %arg12[%add3A_156, %dma_start3A_157] : memref<512x64xf32, #tpu.memory_space<vmem>> -> memref<1x64xf32, #tpu.memory_space<vmem>>
      %dma_start3A_159 = arith.constant 0 : i32
      %dma_start3A_160 = tpu.memref_slice %arg4[%squeeze3A_152, %dma_start3A_159] : memref<1000x64xf32, #tpu.memory_space<hbm>> -> memref<1x64xf32, #tpu.memory_space<hbm>>
      %dma_start3A_161 = arith.constant 0 : i32
      %dma_start3A_162 = tpu.memref_slice %arg12[%add3A_156, %dma_start3A_161] : memref<512x64xf32, #tpu.memory_space<vmem>> -> memref<1x64xf32, #tpu.memory_space<vmem>>
      %dma_start3A_163 = arith.constant 0 : i32
      %dma_start3A_164 = tpu.memref_slice %arg4[%squeeze3A_152, %dma_start3A_163] : memref<1000x64xf32, #tpu.memory_space<hbm>> -> memref<1x64xf32, #tpu.memory_space<hbm>>
      tpu.enqueue_dma source(%dma_start3A_164 : memref<1x64xf32, #tpu.memory_space<hbm>>) target(%dma_start3A_162 : memref<1x64xf32, #tpu.memory_space<vmem>>) target_semaphore(%arg13 : memref<!tpu.dma_semaphore, #tpu.memory_space<semaphore_mem>>)
      %slice3A_165 = vector.extract_strided_slice %get3A_41 {offsets = [9], sizes = [1], strides = [1]} : vector<16xi32> to vector<1xi32>
      %squeeze3A_166 = vector.extract %slice3A_165[0] : i32 from vector<1xi32>
      %mul3A_167 = arith.constant 16 : i32
      %mul3A_168 = arith.muli %scan3A_37, %mul3A_167 : i32
      %add3A_169 = arith.constant 9 : i32
      %add3A_170 = arith.addi %mul3A_168, %add3A_169 : i32
      %dma_start3A_171 = arith.constant 0 : i32
      %dma_start3A_172 = tpu.memref_slice %arg12[%add3A_170, %dma_start3A_171] : memref<512x64xf32, #tpu.memory_space<vmem>> -> memref<1x64xf32, #tpu.memory_space<vmem>>
      %dma_start3A_173 = arith.constant 0 : i32
      %dma_start3A_174 = tpu.memref_slice %arg4[%squeeze3A_166, %dma_start3A_173] : memref<1000x64xf32, #tpu.memory_space<hbm>> -> memref<1x64xf32, #tpu.memory_space<hbm>>
      %dma_start3A_175 = arith.constant 0 : i32
      %dma_start3A_176 = tpu.memref_slice %arg12[%add3A_170, %dma_start3A_175] : memref<512x64xf32, #tpu.memory_space<vmem>> -> memref<1x64xf32, #tpu.memory_space<vmem>>
      %dma_start3A_177 = arith.constant 0 : i32
      %dma_start3A_178 = tpu.memref_slice %arg4[%squeeze3A_166, %dma_start3A_177] : memref<1000x64xf32, #tpu.memory_space<hbm>> -> memref<1x64xf32, #tpu.memory_space<hbm>>
      tpu.enqueue_dma source(%dma_start3A_178 : memref<1x64xf32, #tpu.memory_space<hbm>>) target(%dma_start3A_176 : memref<1x64xf32, #tpu.memory_space<vmem>>) target_semaphore(%arg13 : memref<!tpu.dma_semaphore, #tpu.memory_space<semaphore_mem>>)
      %slice3A_179 = vector.extract_strided_slice %get3A_41 {offsets = [10], sizes = [1], strides = [1]} : vector<16xi32> to vector<1xi32>
      %squeeze3A_180 = vector.extract %slice3A_179[0] : i32 from vector<1xi32>
      %mul3A_181 = arith.constant 16 : i32
      %mul3A_182 = arith.muli %scan3A_37, %mul3A_181 : i32
      %add3A_183 = arith.constant 10 : i32
      %add3A_184 = arith.addi %mul3A_182, %add3A_183 : i32
      %dma_start3A_185 = arith.constant 0 : i32
      %dma_start3A_186 = tpu.memref_slice %arg12[%add3A_184, %dma_start3A_185] : memref<512x64xf32, #tpu.memory_space<vmem>> -> memref<1x64xf32, #tpu.memory_space<vmem>>
      %dma_start3A_187 = arith.constant 0 : i32
      %dma_start3A_188 = tpu.memref_slice %arg4[%squeeze3A_180, %dma_start3A_187] : memref<1000x64xf32, #tpu.memory_space<hbm>> -> memref<1x64xf32, #tpu.memory_space<hbm>>
      %dma_start3A_189 = arith.constant 0 : i32
      %dma_start3A_190 = tpu.memref_slice %arg12[%add3A_184, %dma_start3A_189] : memref<512x64xf32, #tpu.memory_space<vmem>> -> memref<1x64xf32, #tpu.memory_space<vmem>>
      %dma_start3A_191 = arith.constant 0 : i32
      %dma_start3A_192 = tpu.memref_slice %arg4[%squeeze3A_180, %dma_start3A_191] : memref<1000x64xf32, #tpu.memory_space<hbm>> -> memref<1x64xf32, #tpu.memory_space<hbm>>
      tpu.enqueue_dma source(%dma_start3A_192 : memref<1x64xf32, #tpu.memory_space<hbm>>) target(%dma_start3A_190 : memref<1x64xf32, #tpu.memory_space<vmem>>) target_semaphore(%arg13 : memref<!tpu.dma_semaphore, #tpu.memory_space<semaphore_mem>>)
      %slice3A_193 = vector.extract_strided_slice %get3A_41 {offsets = [11], sizes = [1], strides = [1]} : vector<16xi32> to vector<1xi32>
      %squeeze3A_194 = vector.extract %slice3A_193[0] : i32 from vector<1xi32>
      %mul3A_195 = arith.constant 16 : i32
      %mul3A_196 = arith.muli %scan3A_37, %mul3A_195 : i32
      %add3A_197 = arith.constant 11 : i32
      %add3A_198 = arith.addi %mul3A_196, %add3A_197 : i32
      %dma_start3A_199 = arith.constant 0 : i32
      %dma_start3A_200 = tpu.memref_slice %arg12[%add3A_198, %dma_start3A_199] : memref<512x64xf32, #tpu.memory_space<vmem>> -> memref<1x64xf32, #tpu.memory_space<vmem>>
      %dma_start3A_201 = arith.constant 0 : i32
      %dma_start3A_202 = tpu.memref_slice %arg4[%squeeze3A_194, %dma_start3A_201] : memref<1000x64xf32, #tpu.memory_space<hbm>> -> memref<1x64xf32, #tpu.memory_space<hbm>>
      %dma_start3A_203 = arith.constant 0 : i32
      %dma_start3A_204 = tpu.memref_slice %arg12[%add3A_198, %dma_start3A_203] : memref<512x64xf32, #tpu.memory_space<vmem>> -> memref<1x64xf32, #tpu.memory_space<vmem>>
      %dma_start3A_205 = arith.constant 0 : i32
      %dma_start3A_206 = tpu.memref_slice %arg4[%squeeze3A_194, %dma_start3A_205] : memref<1000x64xf32, #tpu.memory_space<hbm>> -> memref<1x64xf32, #tpu.memory_space<hbm>>
      tpu.enqueue_dma source(%dma_start3A_206 : memref<1x64xf32, #tpu.memory_space<hbm>>) target(%dma_start3A_204 : memref<1x64xf32, #tpu.memory_space<vmem>>) target_semaphore(%arg13 : memref<!tpu.dma_semaphore, #tpu.memory_space<semaphore_mem>>)
      %slice3A_207 = vector.extract_strided_slice %get3A_41 {offsets = [12], sizes = [1], strides = [1]} : vector<16xi32> to vector<1xi32>
      %squeeze3A_208 = vector.extract %slice3A_207[0] : i32 from vector<1xi32>
      %mul3A_209 = arith.constant 16 : i32
      %mul3A_210 = arith.muli %scan3A_37, %mul3A_209 : i32
      %add3A_211 = arith.constant 12 : i32
      %add3A_212 = arith.addi %mul3A_210, %add3A_211 : i32
      %dma_start3A_213 = arith.constant 0 : i32
      %dma_start3A_214 = tpu.memref_slice %arg12[%add3A_212, %dma_start3A_213] : memref<512x64xf32, #tpu.memory_space<vmem>> -> memref<1x64xf32, #tpu.memory_space<vmem>>
      %dma_start3A_215 = arith.constant 0 : i32
      %dma_start3A_216 = tpu.memref_slice %arg4[%squeeze3A_208, %dma_start3A_215] : memref<1000x64xf32, #tpu.memory_space<hbm>> -> memref<1x64xf32, #tpu.memory_space<hbm>>
      %dma_start3A_217 = arith.constant 0 : i32
      %dma_start3A_218 = tpu.memref_slice %arg12[%add3A_212, %dma_start3A_217] : memref<512x64xf32, #tpu.memory_space<vmem>> -> memref<1x64xf32, #tpu.memory_space<vmem>>
      %dma_start3A_219 = arith.constant 0 : i32
      %dma_start3A_220 = tpu.memref_slice %arg4[%squeeze3A_208, %dma_start3A_219] : memref<1000x64xf32, #tpu.memory_space<hbm>> -> memref<1x64xf32, #tpu.memory_space<hbm>>
      tpu.enqueue_dma source(%dma_start3A_220 : memref<1x64xf32, #tpu.memory_space<hbm>>) target(%dma_start3A_218 : memref<1x64xf32, #tpu.memory_space<vmem>>) target_semaphore(%arg13 : memref<!tpu.dma_semaphore, #tpu.memory_space<semaphore_mem>>)
      %slice3A_221 = vector.extract_strided_slice %get3A_41 {offsets = [13], sizes = [1], strides = [1]} : vector<16xi32> to vector<1xi32>
      %squeeze3A_222 = vector.extract %slice3A_221[0] : i32 from vector<1xi32>
      %mul3A_223 = arith.constant 16 : i32
      %mul3A_224 = arith.muli %scan3A_37, %mul3A_223 : i32
      %add3A_225 = arith.constant 13 : i32
      %add3A_226 = arith.addi %mul3A_224, %add3A_225 : i32
      %dma_start3A_227 = arith.constant 0 : i32
      %dma_start3A_228 = tpu.memref_slice %arg12[%add3A_226, %dma_start3A_227] : memref<512x64xf32, #tpu.memory_space<vmem>> -> memref<1x64xf32, #tpu.memory_space<vmem>>
      %dma_start3A_229 = arith.constant 0 : i32
      %dma_start3A_230 = tpu.memref_slice %arg4[%squeeze3A_222, %dma_start3A_229] : memref<1000x64xf32, #tpu.memory_space<hbm>> -> memref<1x64xf32, #tpu.memory_space<hbm>>
      %dma_start3A_231 = arith.constant 0 : i32
      %dma_start3A_232 = tpu.memref_slice %arg12[%add3A_226, %dma_start3A_231] : memref<512x64xf32, #tpu.memory_space<vmem>> -> memref<1x64xf32, #tpu.memory_space<vmem>>
      %dma_start3A_233 = arith.constant 0 : i32
      %dma_start3A_234 = tpu.memref_slice %arg4[%squeeze3A_222, %dma_start3A_233] : memref<1000x64xf32, #tpu.memory_space<hbm>> -> memref<1x64xf32, #tpu.memory_space<hbm>>
      tpu.enqueue_dma source(%dma_start3A_234 : memref<1x64xf32, #tpu.memory_space<hbm>>) target(%dma_start3A_232 : memref<1x64xf32, #tpu.memory_space<vmem>>) target_semaphore(%arg13 : memref<!tpu.dma_semaphore, #tpu.memory_space<semaphore_mem>>)
      %slice3A_235 = vector.extract_strided_slice %get3A_41 {offsets = [14], sizes = [1], strides = [1]} : vector<16xi32> to vector<1xi32>
      %squeeze3A_236 = vector.extract %slice3A_235[0] : i32 from vector<1xi32>
      %mul3A_237 = arith.constant 16 : i32
      %mul3A_238 = arith.muli %scan3A_37, %mul3A_237 : i32
      %add3A_239 = arith.constant 14 : i32
      %add3A_240 = arith.addi %mul3A_238, %add3A_239 : i32
      %dma_start3A_241 = arith.constant 0 : i32
      %dma_start3A_242 = tpu.memref_slice %arg12[%add3A_240, %dma_start3A_241] : memref<512x64xf32, #tpu.memory_space<vmem>> -> memref<1x64xf32, #tpu.memory_space<vmem>>
      %dma_start3A_243 = arith.constant 0 : i32
      %dma_start3A_244 = tpu.memref_slice %arg4[%squeeze3A_236, %dma_start3A_243] : memref<1000x64xf32, #tpu.memory_space<hbm>> -> memref<1x64xf32, #tpu.memory_space<hbm>>
      %dma_start3A_245 = arith.constant 0 : i32
      %dma_start3A_246 = tpu.memref_slice %arg12[%add3A_240, %dma_start3A_245] : memref<512x64xf32, #tpu.memory_space<vmem>> -> memref<1x64xf32, #tpu.memory_space<vmem>>
      %dma_start3A_247 = arith.constant 0 : i32
      %dma_start3A_248 = tpu.memref_slice %arg4[%squeeze3A_236, %dma_start3A_247] : memref<1000x64xf32, #tpu.memory_space<hbm>> -> memref<1x64xf32, #tpu.memory_space<hbm>>
      tpu.enqueue_dma source(%dma_start3A_248 : memref<1x64xf32, #tpu.memory_space<hbm>>) target(%dma_start3A_246 : memref<1x64xf32, #tpu.memory_space<vmem>>) target_semaphore(%arg13 : memref<!tpu.dma_semaphore, #tpu.memory_space<semaphore_mem>>)
      %slice3A_249 = vector.extract_strided_slice %get3A_41 {offsets = [15], sizes = [1], strides = [1]} : vector<16xi32> to vector<1xi32>
      %squeeze3A_250 = vector.extract %slice3A_249[0] : i32 from vector<1xi32>
      %mul3A_251 = arith.constant 16 : i32
      %mul3A_252 = arith.muli %scan3A_37, %mul3A_251 : i32
      %add3A_253 = arith.constant 15 : i32
      %add3A_254 = arith.addi %mul3A_252, %add3A_253 : i32
      %dma_start3A_255 = arith.constant 0 : i32
      %dma_start3A_256 = tpu.memref_slice %arg12[%add3A_254, %dma_start3A_255] : memref<512x64xf32, #tpu.memory_space<vmem>> -> memref<1x64xf32, #tpu.memory_space<vmem>>
      %dma_start3A_257 = arith.constant 0 : i32
      %dma_start3A_258 = tpu.memref_slice %arg4[%squeeze3A_250, %dma_start3A_257] : memref<1000x64xf32, #tpu.memory_space<hbm>> -> memref<1x64xf32, #tpu.memory_space<hbm>>
      %dma_start3A_259 = arith.constant 0 : i32
      %dma_start3A_260 = tpu.memref_slice %arg12[%add3A_254, %dma_start3A_259] : memref<512x64xf32, #tpu.memory_space<vmem>> -> memref<1x64xf32, #tpu.memory_space<vmem>>
      %dma_start3A_261 = arith.constant 0 : i32
      %dma_start3A_262 = tpu.memref_slice %arg4[%squeeze3A_250, %dma_start3A_261] : memref<1000x64xf32, #tpu.memory_space<hbm>> -> memref<1x64xf32, #tpu.memory_space<hbm>>
      tpu.enqueue_dma source(%dma_start3A_262 : memref<1x64xf32, #tpu.memory_space<hbm>>) target(%dma_start3A_260 : memref<1x64xf32, #tpu.memory_space<vmem>>) target_semaphore(%arg13 : memref<!tpu.dma_semaphore, #tpu.memory_space<semaphore_mem>>)
    }
    %scan3A_30 = arith.constant 32 : i32
    %dma_wait3A_31 = arith.constant 0 : i32
    %dma_wait3A_32 = arith.constant 0 : i32
    %dma_wait3A_33 = tpu.memref_slice %arg4[%dma_wait3A_31, %dma_wait3A_32] : memref<1000x64xf32, #tpu.memory_space<hbm>> -> memref<512x64xf32, #tpu.memory_space<hbm>>
    %dma_wait3A_34 = arith.constant 0 : i32
    %dma_wait3A_35 = arith.constant 0 : i32
    %dma_wait3A_36 = tpu.memref_slice %arg4[%dma_wait3A_34, %dma_wait3A_35] : memref<1000x64xf32, #tpu.memory_space<hbm>> -> memref<512x64xf32, #tpu.memory_space<hbm>>
    tpu.wait_dma2 semaphore(%arg13 : memref<!tpu.dma_semaphore, #tpu.memory_space<semaphore_mem>>) src(%dma_wait3A_36 : memref<512x64xf32, #tpu.memory_space<hbm>>) dst(%arg12 : memref<512x64xf32, #tpu.memory_space<vmem>>)
    "tpu.region"() ({
      %run_scoped3A = tpu.sem_alloc : memref<!tpu.dma_semaphore, #tpu.memory_space<semaphore_mem>>
      %dma_start3A = arith.constant 0 : i32
      %dma_start3A_37 = tpu.memref_slice %arg10[%mul3A_2, %dma_start3A] : memref<16384x64xf32, #tpu.memory_space<hbm>> -> memref<512x64xf32, #tpu.memory_space<hbm>>
      %dma_start3A_38 = arith.constant 0 : i32
      %dma_start3A_39 = tpu.memref_slice %arg10[%mul3A_2, %dma_start3A_38] : memref<16384x64xf32, #tpu.memory_space<hbm>> -> memref<512x64xf32, #tpu.memory_space<hbm>>
      tpu.enqueue_dma source(%arg12 : memref<512x64xf32, #tpu.memory_space<vmem>>) target(%dma_start3A_39 : memref<512x64xf32, #tpu.memory_space<hbm>>) target_semaphore(%run_scoped3A : memref<!tpu.dma_semaphore, #tpu.memory_space<semaphore_mem>>)
      %dma_wait3A_40 = arith.constant 0 : i32
      %dma_wait3A_41 = tpu.memref_slice %arg10[%mul3A_2, %dma_wait3A_40] : memref<16384x64xf32, #tpu.memory_space<hbm>> -> memref<512x64xf32, #tpu.memory_space<hbm>>
      %dma_wait3A_42 = arith.constant 0 : i32
      %dma_wait3A_43 = tpu.memref_slice %arg10[%mul3A_2, %dma_wait3A_42] : memref<16384x64xf32, #tpu.memory_space<hbm>> -> memref<512x64xf32, #tpu.memory_space<hbm>>
      tpu.wait_dma2 semaphore(%run_scoped3A : memref<!tpu.dma_semaphore, #tpu.memory_space<semaphore_mem>>) src(%arg12 : memref<512x64xf32, #tpu.memory_space<vmem>>) dst(%dma_wait3A_43 : memref<512x64xf32, #tpu.memory_space<hbm>>)
      tpu.yield
    }) : () -> ()
    return
  }
}

#map = affine_map<(d0, d1) -> (0, 0)>
#map1 = affine_map<(d0, d1) -> (0)>
module attributes {stable_mosaic.version = 14 : i64} {
  func.func @_sc_ce_body(%arg0: i32, %arg1: i32, %arg2: memref<1000000x64xf32, #tpu.memory_space<hbm>>, %arg3: memref<16384xi32, #tpu.memory_space<hbm>>, %arg4: memref<16384x64xf32, #tpu.memory_space<hbm>>, %arg5: memref<512xi32, #tpu.memory_space<vmem>>, %arg6: memref<512x64xf32, #tpu.memory_space<vmem>>, %arg7: memref<!tpu.dma_semaphore, #tpu.memory_space<semaphore_mem>>) attributes {dimension_semantics = [#tpu.dimension_semantics<core_parallel>, #tpu.dimension_semantics<subcore_parallel>], iteration_bounds = array<i64: 2, 16>, scalar_prefetch = 0 : i64, scratch_operands = 3 : i64, tpu.core_type = #tpu.core_type<sc_vector_subcore>, window_params = [{transform_indices = #map}, {transform_indices = #map1}, {transform_indices = #map}]} {
    %mul3A = arith.constant 2 : i32
    %mul3A_0 = arith.muli %arg1, %mul3A : i32
    %add3A = arith.addi %mul3A_0, %arg0 : i32
    %mul3A_1 = arith.constant 512 : i32
    %mul3A_2 = arith.muli %add3A, %mul3A_1 : i32
    "tpu.region"() ({
      %run_scoped3A = tpu.sem_alloc : memref<!tpu.dma_semaphore, #tpu.memory_space<semaphore_mem>>
      %dma_start3A = tpu.memref_slice %arg3[%mul3A_2] : memref<16384xi32, #tpu.memory_space<hbm>> -> memref<512xi32, #tpu.memory_space<hbm>>
      %dma_start3A_13 = tpu.memref_slice %arg3[%mul3A_2] : memref<16384xi32, #tpu.memory_space<hbm>> -> memref<512xi32, #tpu.memory_space<hbm>>
      tpu.enqueue_dma source(%dma_start3A_13 : memref<512xi32, #tpu.memory_space<hbm>>) target(%arg5 : memref<512xi32, #tpu.memory_space<vmem>>) target_semaphore(%run_scoped3A : memref<!tpu.dma_semaphore, #tpu.memory_space<semaphore_mem>>)
      %dma_wait3A_14 = tpu.memref_slice %arg3[%mul3A_2] : memref<16384xi32, #tpu.memory_space<hbm>> -> memref<512xi32, #tpu.memory_space<hbm>>
      %dma_wait3A_15 = tpu.memref_slice %arg3[%mul3A_2] : memref<16384xi32, #tpu.memory_space<hbm>> -> memref<512xi32, #tpu.memory_space<hbm>>
      tpu.wait_dma2 semaphore(%run_scoped3A : memref<!tpu.dma_semaphore, #tpu.memory_space<semaphore_mem>>) src(%dma_wait3A_15 : memref<512xi32, #tpu.memory_space<hbm>>) dst(%arg5 : memref<512xi32, #tpu.memory_space<vmem>>)
      tpu.yield
    }) : () -> ()
    %scan3A = arith.constant 0 : i32
    %scan3A_3 = arith.constant 0 : i32
    %scan3A_4 = arith.constant 32 : i32
    %scan3A_5 = arith.addi %scan3A_3, %scan3A_4 : i32
    %scan3A_6 = arith.constant 1 : i32
    scf.for %scan3A_13 = %scan3A_3 to %scan3A_5 step %scan3A_6  : i32 {
      %mul3A_14 = arith.constant 16 : i32
      %mul3A_15 = arith.muli %scan3A_13, %mul3A_14 : i32
      %get3A = arith.index_cast %mul3A_15 : i32 to index
      %get3A_16 = tpu.vector_load %arg5[%get3A] {strides = array<i32>} : memref<512xi32, #tpu.memory_space<vmem>>, vector<16xi32>,
      %get3A_17 = vector.shape_cast %get3A_16 : vector<16xi32> to vector<16xi32>
      %slice3A = vector.extract_strided_slice %get3A_17 {offsets = [0], sizes = [1], strides = [1]} : vector<16xi32> to vector<1xi32>
      %squeeze3A = vector.extract %slice3A[0] : i32 from vector<1xi32>
      %mul3A_18 = arith.constant 16 : i32
      %mul3A_19 = arith.muli %scan3A_13, %mul3A_18 : i32
      %add3A_20 = arith.constant 0 : i32
      %add3A_21 = arith.addi %mul3A_19, %add3A_20 : i32
      %dma_start3A = arith.constant 0 : i32
      %dma_start3A_22 = tpu.memref_slice %arg6[%add3A_21, %dma_start3A] : memref<512x64xf32, #tpu.memory_space<vmem>> -> memref<1x64xf32, #tpu.memory_space<vmem>>
      %dma_start3A_23 = arith.constant 0 : i32
      %dma_start3A_24 = tpu.memref_slice %arg2[%squeeze3A, %dma_start3A_23] : memref<1000000x64xf32, #tpu.memory_space<hbm>> -> memref<1x64xf32, #tpu.memory_space<hbm>>
      %dma_start3A_25 = arith.constant 0 : i32
      %dma_start3A_26 = tpu.memref_slice %arg6[%add3A_21, %dma_start3A_25] : memref<512x64xf32, #tpu.memory_space<vmem>> -> memref<1x64xf32, #tpu.memory_space<vmem>>
      %dma_start3A_27 = arith.constant 0 : i32
      %dma_start3A_28 = tpu.memref_slice %arg2[%squeeze3A, %dma_start3A_27] : memref<1000000x64xf32, #tpu.memory_space<hbm>> -> memref<1x64xf32, #tpu.memory_space<hbm>>
      tpu.enqueue_dma source(%dma_start3A_28 : memref<1x64xf32, #tpu.memory_space<hbm>>) target(%dma_start3A_26 : memref<1x64xf32, #tpu.memory_space<vmem>>) target_semaphore(%arg7 : memref<!tpu.dma_semaphore, #tpu.memory_space<semaphore_mem>>)
      %slice3A_29 = vector.extract_strided_slice %get3A_17 {offsets = [1], sizes = [1], strides = [1]} : vector<16xi32> to vector<1xi32>
      %squeeze3A_30 = vector.extract %slice3A_29[0] : i32 from vector<1xi32>
      %mul3A_31 = arith.constant 16 : i32
      %mul3A_32 = arith.muli %scan3A_13, %mul3A_31 : i32
      %add3A_33 = arith.constant 1 : i32
      %add3A_34 = arith.addi %mul3A_32, %add3A_33 : i32
      %dma_start3A_35 = arith.constant 0 : i32
      %dma_start3A_36 = tpu.memref_slice %arg6[%add3A_34, %dma_start3A_35] : memref<512x64xf32, #tpu.memory_space<vmem>> -> memref<1x64xf32, #tpu.memory_space<vmem>>
      %dma_start3A_37 = arith.constant 0 : i32
      %dma_start3A_38 = tpu.memref_slice %arg2[%squeeze3A_30, %dma_start3A_37] : memref<1000000x64xf32, #tpu.memory_space<hbm>> -> memref<1x64xf32, #tpu.memory_space<hbm>>
      %dma_start3A_39 = arith.constant 0 : i32
      %dma_start3A_40 = tpu.memref_slice %arg6[%add3A_34, %dma_start3A_39] : memref<512x64xf32, #tpu.memory_space<vmem>> -> memref<1x64xf32, #tpu.memory_space<vmem>>
      %dma_start3A_41 = arith.constant 0 : i32
      %dma_start3A_42 = tpu.memref_slice %arg2[%squeeze3A_30, %dma_start3A_41] : memref<1000000x64xf32, #tpu.memory_space<hbm>> -> memref<1x64xf32, #tpu.memory_space<hbm>>
      tpu.enqueue_dma source(%dma_start3A_42 : memref<1x64xf32, #tpu.memory_space<hbm>>) target(%dma_start3A_40 : memref<1x64xf32, #tpu.memory_space<vmem>>) target_semaphore(%arg7 : memref<!tpu.dma_semaphore, #tpu.memory_space<semaphore_mem>>)
      %slice3A_43 = vector.extract_strided_slice %get3A_17 {offsets = [2], sizes = [1], strides = [1]} : vector<16xi32> to vector<1xi32>
      %squeeze3A_44 = vector.extract %slice3A_43[0] : i32 from vector<1xi32>
      %mul3A_45 = arith.constant 16 : i32
      %mul3A_46 = arith.muli %scan3A_13, %mul3A_45 : i32
      %add3A_47 = arith.constant 2 : i32
      %add3A_48 = arith.addi %mul3A_46, %add3A_47 : i32
      %dma_start3A_49 = arith.constant 0 : i32
      %dma_start3A_50 = tpu.memref_slice %arg6[%add3A_48, %dma_start3A_49] : memref<512x64xf32, #tpu.memory_space<vmem>> -> memref<1x64xf32, #tpu.memory_space<vmem>>
      %dma_start3A_51 = arith.constant 0 : i32
      %dma_start3A_52 = tpu.memref_slice %arg2[%squeeze3A_44, %dma_start3A_51] : memref<1000000x64xf32, #tpu.memory_space<hbm>> -> memref<1x64xf32, #tpu.memory_space<hbm>>
      %dma_start3A_53 = arith.constant 0 : i32
      %dma_start3A_54 = tpu.memref_slice %arg6[%add3A_48, %dma_start3A_53] : memref<512x64xf32, #tpu.memory_space<vmem>> -> memref<1x64xf32, #tpu.memory_space<vmem>>
      %dma_start3A_55 = arith.constant 0 : i32
      %dma_start3A_56 = tpu.memref_slice %arg2[%squeeze3A_44, %dma_start3A_55] : memref<1000000x64xf32, #tpu.memory_space<hbm>> -> memref<1x64xf32, #tpu.memory_space<hbm>>
      tpu.enqueue_dma source(%dma_start3A_56 : memref<1x64xf32, #tpu.memory_space<hbm>>) target(%dma_start3A_54 : memref<1x64xf32, #tpu.memory_space<vmem>>) target_semaphore(%arg7 : memref<!tpu.dma_semaphore, #tpu.memory_space<semaphore_mem>>)
      %slice3A_57 = vector.extract_strided_slice %get3A_17 {offsets = [3], sizes = [1], strides = [1]} : vector<16xi32> to vector<1xi32>
      %squeeze3A_58 = vector.extract %slice3A_57[0] : i32 from vector<1xi32>
      %mul3A_59 = arith.constant 16 : i32
      %mul3A_60 = arith.muli %scan3A_13, %mul3A_59 : i32
      %add3A_61 = arith.constant 3 : i32
      %add3A_62 = arith.addi %mul3A_60, %add3A_61 : i32
      %dma_start3A_63 = arith.constant 0 : i32
      %dma_start3A_64 = tpu.memref_slice %arg6[%add3A_62, %dma_start3A_63] : memref<512x64xf32, #tpu.memory_space<vmem>> -> memref<1x64xf32, #tpu.memory_space<vmem>>
      %dma_start3A_65 = arith.constant 0 : i32
      %dma_start3A_66 = tpu.memref_slice %arg2[%squeeze3A_58, %dma_start3A_65] : memref<1000000x64xf32, #tpu.memory_space<hbm>> -> memref<1x64xf32, #tpu.memory_space<hbm>>
      %dma_start3A_67 = arith.constant 0 : i32
      %dma_start3A_68 = tpu.memref_slice %arg6[%add3A_62, %dma_start3A_67] : memref<512x64xf32, #tpu.memory_space<vmem>> -> memref<1x64xf32, #tpu.memory_space<vmem>>
      %dma_start3A_69 = arith.constant 0 : i32
      %dma_start3A_70 = tpu.memref_slice %arg2[%squeeze3A_58, %dma_start3A_69] : memref<1000000x64xf32, #tpu.memory_space<hbm>> -> memref<1x64xf32, #tpu.memory_space<hbm>>
      tpu.enqueue_dma source(%dma_start3A_70 : memref<1x64xf32, #tpu.memory_space<hbm>>) target(%dma_start3A_68 : memref<1x64xf32, #tpu.memory_space<vmem>>) target_semaphore(%arg7 : memref<!tpu.dma_semaphore, #tpu.memory_space<semaphore_mem>>)
      %slice3A_71 = vector.extract_strided_slice %get3A_17 {offsets = [4], sizes = [1], strides = [1]} : vector<16xi32> to vector<1xi32>
      %squeeze3A_72 = vector.extract %slice3A_71[0] : i32 from vector<1xi32>
      %mul3A_73 = arith.constant 16 : i32
      %mul3A_74 = arith.muli %scan3A_13, %mul3A_73 : i32
      %add3A_75 = arith.constant 4 : i32
      %add3A_76 = arith.addi %mul3A_74, %add3A_75 : i32
      %dma_start3A_77 = arith.constant 0 : i32
      %dma_start3A_78 = tpu.memref_slice %arg6[%add3A_76, %dma_start3A_77] : memref<512x64xf32, #tpu.memory_space<vmem>> -> memref<1x64xf32, #tpu.memory_space<vmem>>
      %dma_start3A_79 = arith.constant 0 : i32
      %dma_start3A_80 = tpu.memref_slice %arg2[%squeeze3A_72, %dma_start3A_79] : memref<1000000x64xf32, #tpu.memory_space<hbm>> -> memref<1x64xf32, #tpu.memory_space<hbm>>
      %dma_start3A_81 = arith.constant 0 : i32
      %dma_start3A_82 = tpu.memref_slice %arg6[%add3A_76, %dma_start3A_81] : memref<512x64xf32, #tpu.memory_space<vmem>> -> memref<1x64xf32, #tpu.memory_space<vmem>>
      %dma_start3A_83 = arith.constant 0 : i32
      %dma_start3A_84 = tpu.memref_slice %arg2[%squeeze3A_72, %dma_start3A_83] : memref<1000000x64xf32, #tpu.memory_space<hbm>> -> memref<1x64xf32, #tpu.memory_space<hbm>>
      tpu.enqueue_dma source(%dma_start3A_84 : memref<1x64xf32, #tpu.memory_space<hbm>>) target(%dma_start3A_82 : memref<1x64xf32, #tpu.memory_space<vmem>>) target_semaphore(%arg7 : memref<!tpu.dma_semaphore, #tpu.memory_space<semaphore_mem>>)
      %slice3A_85 = vector.extract_strided_slice %get3A_17 {offsets = [5], sizes = [1], strides = [1]} : vector<16xi32> to vector<1xi32>
      %squeeze3A_86 = vector.extract %slice3A_85[0] : i32 from vector<1xi32>
      %mul3A_87 = arith.constant 16 : i32
      %mul3A_88 = arith.muli %scan3A_13, %mul3A_87 : i32
      %add3A_89 = arith.constant 5 : i32
      %add3A_90 = arith.addi %mul3A_88, %add3A_89 : i32
      %dma_start3A_91 = arith.constant 0 : i32
      %dma_start3A_92 = tpu.memref_slice %arg6[%add3A_90, %dma_start3A_91] : memref<512x64xf32, #tpu.memory_space<vmem>> -> memref<1x64xf32, #tpu.memory_space<vmem>>
      %dma_start3A_93 = arith.constant 0 : i32
      %dma_start3A_94 = tpu.memref_slice %arg2[%squeeze3A_86, %dma_start3A_93] : memref<1000000x64xf32, #tpu.memory_space<hbm>> -> memref<1x64xf32, #tpu.memory_space<hbm>>
      %dma_start3A_95 = arith.constant 0 : i32
      %dma_start3A_96 = tpu.memref_slice %arg6[%add3A_90, %dma_start3A_95] : memref<512x64xf32, #tpu.memory_space<vmem>> -> memref<1x64xf32, #tpu.memory_space<vmem>>
      %dma_start3A_97 = arith.constant 0 : i32
      %dma_start3A_98 = tpu.memref_slice %arg2[%squeeze3A_86, %dma_start3A_97] : memref<1000000x64xf32, #tpu.memory_space<hbm>> -> memref<1x64xf32, #tpu.memory_space<hbm>>
      tpu.enqueue_dma source(%dma_start3A_98 : memref<1x64xf32, #tpu.memory_space<hbm>>) target(%dma_start3A_96 : memref<1x64xf32, #tpu.memory_space<vmem>>) target_semaphore(%arg7 : memref<!tpu.dma_semaphore, #tpu.memory_space<semaphore_mem>>)
      %slice3A_99 = vector.extract_strided_slice %get3A_17 {offsets = [6], sizes = [1], strides = [1]} : vector<16xi32> to vector<1xi32>
      %squeeze3A_100 = vector.extract %slice3A_99[0] : i32 from vector<1xi32>
      %mul3A_101 = arith.constant 16 : i32
      %mul3A_102 = arith.muli %scan3A_13, %mul3A_101 : i32
      %add3A_103 = arith.constant 6 : i32
      %add3A_104 = arith.addi %mul3A_102, %add3A_103 : i32
      %dma_start3A_105 = arith.constant 0 : i32
      %dma_start3A_106 = tpu.memref_slice %arg6[%add3A_104, %dma_start3A_105] : memref<512x64xf32, #tpu.memory_space<vmem>> -> memref<1x64xf32, #tpu.memory_space<vmem>>
      %dma_start3A_107 = arith.constant 0 : i32
      %dma_start3A_108 = tpu.memref_slice %arg2[%squeeze3A_100, %dma_start3A_107] : memref<1000000x64xf32, #tpu.memory_space<hbm>> -> memref<1x64xf32, #tpu.memory_space<hbm>>
      %dma_start3A_109 = arith.constant 0 : i32
      %dma_start3A_110 = tpu.memref_slice %arg6[%add3A_104, %dma_start3A_109] : memref<512x64xf32, #tpu.memory_space<vmem>> -> memref<1x64xf32, #tpu.memory_space<vmem>>
      %dma_start3A_111 = arith.constant 0 : i32
      %dma_start3A_112 = tpu.memref_slice %arg2[%squeeze3A_100, %dma_start3A_111] : memref<1000000x64xf32, #tpu.memory_space<hbm>> -> memref<1x64xf32, #tpu.memory_space<hbm>>
      tpu.enqueue_dma source(%dma_start3A_112 : memref<1x64xf32, #tpu.memory_space<hbm>>) target(%dma_start3A_110 : memref<1x64xf32, #tpu.memory_space<vmem>>) target_semaphore(%arg7 : memref<!tpu.dma_semaphore, #tpu.memory_space<semaphore_mem>>)
      %slice3A_113 = vector.extract_strided_slice %get3A_17 {offsets = [7], sizes = [1], strides = [1]} : vector<16xi32> to vector<1xi32>
      %squeeze3A_114 = vector.extract %slice3A_113[0] : i32 from vector<1xi32>
      %mul3A_115 = arith.constant 16 : i32
      %mul3A_116 = arith.muli %scan3A_13, %mul3A_115 : i32
      %add3A_117 = arith.constant 7 : i32
      %add3A_118 = arith.addi %mul3A_116, %add3A_117 : i32
      %dma_start3A_119 = arith.constant 0 : i32
      %dma_start3A_120 = tpu.memref_slice %arg6[%add3A_118, %dma_start3A_119] : memref<512x64xf32, #tpu.memory_space<vmem>> -> memref<1x64xf32, #tpu.memory_space<vmem>>
      %dma_start3A_121 = arith.constant 0 : i32
      %dma_start3A_122 = tpu.memref_slice %arg2[%squeeze3A_114, %dma_start3A_121] : memref<1000000x64xf32, #tpu.memory_space<hbm>> -> memref<1x64xf32, #tpu.memory_space<hbm>>
      %dma_start3A_123 = arith.constant 0 : i32
      %dma_start3A_124 = tpu.memref_slice %arg6[%add3A_118, %dma_start3A_123] : memref<512x64xf32, #tpu.memory_space<vmem>> -> memref<1x64xf32, #tpu.memory_space<vmem>>
      %dma_start3A_125 = arith.constant 0 : i32
      %dma_start3A_126 = tpu.memref_slice %arg2[%squeeze3A_114, %dma_start3A_125] : memref<1000000x64xf32, #tpu.memory_space<hbm>> -> memref<1x64xf32, #tpu.memory_space<hbm>>
      tpu.enqueue_dma source(%dma_start3A_126 : memref<1x64xf32, #tpu.memory_space<hbm>>) target(%dma_start3A_124 : memref<1x64xf32, #tpu.memory_space<vmem>>) target_semaphore(%arg7 : memref<!tpu.dma_semaphore, #tpu.memory_space<semaphore_mem>>)
      %slice3A_127 = vector.extract_strided_slice %get3A_17 {offsets = [8], sizes = [1], strides = [1]} : vector<16xi32> to vector<1xi32>
      %squeeze3A_128 = vector.extract %slice3A_127[0] : i32 from vector<1xi32>
      %mul3A_129 = arith.constant 16 : i32
      %mul3A_130 = arith.muli %scan3A_13, %mul3A_129 : i32
      %add3A_131 = arith.constant 8 : i32
      %add3A_132 = arith.addi %mul3A_130, %add3A_131 : i32
      %dma_start3A_133 = arith.constant 0 : i32
      %dma_start3A_134 = tpu.memref_slice %arg6[%add3A_132, %dma_start3A_133] : memref<512x64xf32, #tpu.memory_space<vmem>> -> memref<1x64xf32, #tpu.memory_space<vmem>>
      %dma_start3A_135 = arith.constant 0 : i32
      %dma_start3A_136 = tpu.memref_slice %arg2[%squeeze3A_128, %dma_start3A_135] : memref<1000000x64xf32, #tpu.memory_space<hbm>> -> memref<1x64xf32, #tpu.memory_space<hbm>>
      %dma_start3A_137 = arith.constant 0 : i32
      %dma_start3A_138 = tpu.memref_slice %arg6[%add3A_132, %dma_start3A_137] : memref<512x64xf32, #tpu.memory_space<vmem>> -> memref<1x64xf32, #tpu.memory_space<vmem>>
      %dma_start3A_139 = arith.constant 0 : i32
      %dma_start3A_140 = tpu.memref_slice %arg2[%squeeze3A_128, %dma_start3A_139] : memref<1000000x64xf32, #tpu.memory_space<hbm>> -> memref<1x64xf32, #tpu.memory_space<hbm>>
      tpu.enqueue_dma source(%dma_start3A_140 : memref<1x64xf32, #tpu.memory_space<hbm>>) target(%dma_start3A_138 : memref<1x64xf32, #tpu.memory_space<vmem>>) target_semaphore(%arg7 : memref<!tpu.dma_semaphore, #tpu.memory_space<semaphore_mem>>)
      %slice3A_141 = vector.extract_strided_slice %get3A_17 {offsets = [9], sizes = [1], strides = [1]} : vector<16xi32> to vector<1xi32>
      %squeeze3A_142 = vector.extract %slice3A_141[0] : i32 from vector<1xi32>
      %mul3A_143 = arith.constant 16 : i32
      %mul3A_144 = arith.muli %scan3A_13, %mul3A_143 : i32
      %add3A_145 = arith.constant 9 : i32
      %add3A_146 = arith.addi %mul3A_144, %add3A_145 : i32
      %dma_start3A_147 = arith.constant 0 : i32
      %dma_start3A_148 = tpu.memref_slice %arg6[%add3A_146, %dma_start3A_147] : memref<512x64xf32, #tpu.memory_space<vmem>> -> memref<1x64xf32, #tpu.memory_space<vmem>>
      %dma_start3A_149 = arith.constant 0 : i32
      %dma_start3A_150 = tpu.memref_slice %arg2[%squeeze3A_142, %dma_start3A_149] : memref<1000000x64xf32, #tpu.memory_space<hbm>> -> memref<1x64xf32, #tpu.memory_space<hbm>>
      %dma_start3A_151 = arith.constant 0 : i32
      %dma_start3A_152 = tpu.memref_slice %arg6[%add3A_146, %dma_start3A_151] : memref<512x64xf32, #tpu.memory_space<vmem>> -> memref<1x64xf32, #tpu.memory_space<vmem>>
      %dma_start3A_153 = arith.constant 0 : i32
      %dma_start3A_154 = tpu.memref_slice %arg2[%squeeze3A_142, %dma_start3A_153] : memref<1000000x64xf32, #tpu.memory_space<hbm>> -> memref<1x64xf32, #tpu.memory_space<hbm>>
      tpu.enqueue_dma source(%dma_start3A_154 : memref<1x64xf32, #tpu.memory_space<hbm>>) target(%dma_start3A_152 : memref<1x64xf32, #tpu.memory_space<vmem>>) target_semaphore(%arg7 : memref<!tpu.dma_semaphore, #tpu.memory_space<semaphore_mem>>)
      %slice3A_155 = vector.extract_strided_slice %get3A_17 {offsets = [10], sizes = [1], strides = [1]} : vector<16xi32> to vector<1xi32>
      %squeeze3A_156 = vector.extract %slice3A_155[0] : i32 from vector<1xi32>
      %mul3A_157 = arith.constant 16 : i32
      %mul3A_158 = arith.muli %scan3A_13, %mul3A_157 : i32
      %add3A_159 = arith.constant 10 : i32
      %add3A_160 = arith.addi %mul3A_158, %add3A_159 : i32
      %dma_start3A_161 = arith.constant 0 : i32
      %dma_start3A_162 = tpu.memref_slice %arg6[%add3A_160, %dma_start3A_161] : memref<512x64xf32, #tpu.memory_space<vmem>> -> memref<1x64xf32, #tpu.memory_space<vmem>>
      %dma_start3A_163 = arith.constant 0 : i32
      %dma_start3A_164 = tpu.memref_slice %arg2[%squeeze3A_156, %dma_start3A_163] : memref<1000000x64xf32, #tpu.memory_space<hbm>> -> memref<1x64xf32, #tpu.memory_space<hbm>>
      %dma_start3A_165 = arith.constant 0 : i32
      %dma_start3A_166 = tpu.memref_slice %arg6[%add3A_160, %dma_start3A_165] : memref<512x64xf32, #tpu.memory_space<vmem>> -> memref<1x64xf32, #tpu.memory_space<vmem>>
      %dma_start3A_167 = arith.constant 0 : i32
      %dma_start3A_168 = tpu.memref_slice %arg2[%squeeze3A_156, %dma_start3A_167] : memref<1000000x64xf32, #tpu.memory_space<hbm>> -> memref<1x64xf32, #tpu.memory_space<hbm>>
      tpu.enqueue_dma source(%dma_start3A_168 : memref<1x64xf32, #tpu.memory_space<hbm>>) target(%dma_start3A_166 : memref<1x64xf32, #tpu.memory_space<vmem>>) target_semaphore(%arg7 : memref<!tpu.dma_semaphore, #tpu.memory_space<semaphore_mem>>)
      %slice3A_169 = vector.extract_strided_slice %get3A_17 {offsets = [11], sizes = [1], strides = [1]} : vector<16xi32> to vector<1xi32>
      %squeeze3A_170 = vector.extract %slice3A_169[0] : i32 from vector<1xi32>
      %mul3A_171 = arith.constant 16 : i32
      %mul3A_172 = arith.muli %scan3A_13, %mul3A_171 : i32
      %add3A_173 = arith.constant 11 : i32
      %add3A_174 = arith.addi %mul3A_172, %add3A_173 : i32
      %dma_start3A_175 = arith.constant 0 : i32
      %dma_start3A_176 = tpu.memref_slice %arg6[%add3A_174, %dma_start3A_175] : memref<512x64xf32, #tpu.memory_space<vmem>> -> memref<1x64xf32, #tpu.memory_space<vmem>>
      %dma_start3A_177 = arith.constant 0 : i32
      %dma_start3A_178 = tpu.memref_slice %arg2[%squeeze3A_170, %dma_start3A_177] : memref<1000000x64xf32, #tpu.memory_space<hbm>> -> memref<1x64xf32, #tpu.memory_space<hbm>>
      %dma_start3A_179 = arith.constant 0 : i32
      %dma_start3A_180 = tpu.memref_slice %arg6[%add3A_174, %dma_start3A_179] : memref<512x64xf32, #tpu.memory_space<vmem>> -> memref<1x64xf32, #tpu.memory_space<vmem>>
      %dma_start3A_181 = arith.constant 0 : i32
      %dma_start3A_182 = tpu.memref_slice %arg2[%squeeze3A_170, %dma_start3A_181] : memref<1000000x64xf32, #tpu.memory_space<hbm>> -> memref<1x64xf32, #tpu.memory_space<hbm>>
      tpu.enqueue_dma source(%dma_start3A_182 : memref<1x64xf32, #tpu.memory_space<hbm>>) target(%dma_start3A_180 : memref<1x64xf32, #tpu.memory_space<vmem>>) target_semaphore(%arg7 : memref<!tpu.dma_semaphore, #tpu.memory_space<semaphore_mem>>)
      %slice3A_183 = vector.extract_strided_slice %get3A_17 {offsets = [12], sizes = [1], strides = [1]} : vector<16xi32> to vector<1xi32>
      %squeeze3A_184 = vector.extract %slice3A_183[0] : i32 from vector<1xi32>
      %mul3A_185 = arith.constant 16 : i32
      %mul3A_186 = arith.muli %scan3A_13, %mul3A_185 : i32
      %add3A_187 = arith.constant 12 : i32
      %add3A_188 = arith.addi %mul3A_186, %add3A_187 : i32
      %dma_start3A_189 = arith.constant 0 : i32
      %dma_start3A_190 = tpu.memref_slice %arg6[%add3A_188, %dma_start3A_189] : memref<512x64xf32, #tpu.memory_space<vmem>> -> memref<1x64xf32, #tpu.memory_space<vmem>>
      %dma_start3A_191 = arith.constant 0 : i32
      %dma_start3A_192 = tpu.memref_slice %arg2[%squeeze3A_184, %dma_start3A_191] : memref<1000000x64xf32, #tpu.memory_space<hbm>> -> memref<1x64xf32, #tpu.memory_space<hbm>>
      %dma_start3A_193 = arith.constant 0 : i32
      %dma_start3A_194 = tpu.memref_slice %arg6[%add3A_188, %dma_start3A_193] : memref<512x64xf32, #tpu.memory_space<vmem>> -> memref<1x64xf32, #tpu.memory_space<vmem>>
      %dma_start3A_195 = arith.constant 0 : i32
      %dma_start3A_196 = tpu.memref_slice %arg2[%squeeze3A_184, %dma_start3A_195] : memref<1000000x64xf32, #tpu.memory_space<hbm>> -> memref<1x64xf32, #tpu.memory_space<hbm>>
      tpu.enqueue_dma source(%dma_start3A_196 : memref<1x64xf32, #tpu.memory_space<hbm>>) target(%dma_start3A_194 : memref<1x64xf32, #tpu.memory_space<vmem>>) target_semaphore(%arg7 : memref<!tpu.dma_semaphore, #tpu.memory_space<semaphore_mem>>)
      %slice3A_197 = vector.extract_strided_slice %get3A_17 {offsets = [13], sizes = [1], strides = [1]} : vector<16xi32> to vector<1xi32>
      %squeeze3A_198 = vector.extract %slice3A_197[0] : i32 from vector<1xi32>
      %mul3A_199 = arith.constant 16 : i32
      %mul3A_200 = arith.muli %scan3A_13, %mul3A_199 : i32
      %add3A_201 = arith.constant 13 : i32
      %add3A_202 = arith.addi %mul3A_200, %add3A_201 : i32
      %dma_start3A_203 = arith.constant 0 : i32
      %dma_start3A_204 = tpu.memref_slice %arg6[%add3A_202, %dma_start3A_203] : memref<512x64xf32, #tpu.memory_space<vmem>> -> memref<1x64xf32, #tpu.memory_space<vmem>>
      %dma_start3A_205 = arith.constant 0 : i32
      %dma_start3A_206 = tpu.memref_slice %arg2[%squeeze3A_198, %dma_start3A_205] : memref<1000000x64xf32, #tpu.memory_space<hbm>> -> memref<1x64xf32, #tpu.memory_space<hbm>>
      %dma_start3A_207 = arith.constant 0 : i32
      %dma_start3A_208 = tpu.memref_slice %arg6[%add3A_202, %dma_start3A_207] : memref<512x64xf32, #tpu.memory_space<vmem>> -> memref<1x64xf32, #tpu.memory_space<vmem>>
      %dma_start3A_209 = arith.constant 0 : i32
      %dma_start3A_210 = tpu.memref_slice %arg2[%squeeze3A_198, %dma_start3A_209] : memref<1000000x64xf32, #tpu.memory_space<hbm>> -> memref<1x64xf32, #tpu.memory_space<hbm>>
      tpu.enqueue_dma source(%dma_start3A_210 : memref<1x64xf32, #tpu.memory_space<hbm>>) target(%dma_start3A_208 : memref<1x64xf32, #tpu.memory_space<vmem>>) target_semaphore(%arg7 : memref<!tpu.dma_semaphore, #tpu.memory_space<semaphore_mem>>)
      %slice3A_211 = vector.extract_strided_slice %get3A_17 {offsets = [14], sizes = [1], strides = [1]} : vector<16xi32> to vector<1xi32>
      %squeeze3A_212 = vector.extract %slice3A_211[0] : i32 from vector<1xi32>
      %mul3A_213 = arith.constant 16 : i32
      %mul3A_214 = arith.muli %scan3A_13, %mul3A_213 : i32
      %add3A_215 = arith.constant 14 : i32
      %add3A_216 = arith.addi %mul3A_214, %add3A_215 : i32
      %dma_start3A_217 = arith.constant 0 : i32
      %dma_start3A_218 = tpu.memref_slice %arg6[%add3A_216, %dma_start3A_217] : memref<512x64xf32, #tpu.memory_space<vmem>> -> memref<1x64xf32, #tpu.memory_space<vmem>>
      %dma_start3A_219 = arith.constant 0 : i32
      %dma_start3A_220 = tpu.memref_slice %arg2[%squeeze3A_212, %dma_start3A_219] : memref<1000000x64xf32, #tpu.memory_space<hbm>> -> memref<1x64xf32, #tpu.memory_space<hbm>>
      %dma_start3A_221 = arith.constant 0 : i32
      %dma_start3A_222 = tpu.memref_slice %arg6[%add3A_216, %dma_start3A_221] : memref<512x64xf32, #tpu.memory_space<vmem>> -> memref<1x64xf32, #tpu.memory_space<vmem>>
      %dma_start3A_223 = arith.constant 0 : i32
      %dma_start3A_224 = tpu.memref_slice %arg2[%squeeze3A_212, %dma_start3A_223] : memref<1000000x64xf32, #tpu.memory_space<hbm>> -> memref<1x64xf32, #tpu.memory_space<hbm>>
      tpu.enqueue_dma source(%dma_start3A_224 : memref<1x64xf32, #tpu.memory_space<hbm>>) target(%dma_start3A_222 : memref<1x64xf32, #tpu.memory_space<vmem>>) target_semaphore(%arg7 : memref<!tpu.dma_semaphore, #tpu.memory_space<semaphore_mem>>)
      %slice3A_225 = vector.extract_strided_slice %get3A_17 {offsets = [15], sizes = [1], strides = [1]} : vector<16xi32> to vector<1xi32>
      %squeeze3A_226 = vector.extract %slice3A_225[0] : i32 from vector<1xi32>
      %mul3A_227 = arith.constant 16 : i32
      %mul3A_228 = arith.muli %scan3A_13, %mul3A_227 : i32
      %add3A_229 = arith.constant 15 : i32
      %add3A_230 = arith.addi %mul3A_228, %add3A_229 : i32
      %dma_start3A_231 = arith.constant 0 : i32
      %dma_start3A_232 = tpu.memref_slice %arg6[%add3A_230, %dma_start3A_231] : memref<512x64xf32, #tpu.memory_space<vmem>> -> memref<1x64xf32, #tpu.memory_space<vmem>>
      %dma_start3A_233 = arith.constant 0 : i32
      %dma_start3A_234 = tpu.memref_slice %arg2[%squeeze3A_226, %dma_start3A_233] : memref<1000000x64xf32, #tpu.memory_space<hbm>> -> memref<1x64xf32, #tpu.memory_space<hbm>>
      %dma_start3A_235 = arith.constant 0 : i32
      %dma_start3A_236 = tpu.memref_slice %arg6[%add3A_230, %dma_start3A_235] : memref<512x64xf32, #tpu.memory_space<vmem>> -> memref<1x64xf32, #tpu.memory_space<vmem>>
      %dma_start3A_237 = arith.constant 0 : i32
      %dma_start3A_238 = tpu.memref_slice %arg2[%squeeze3A_226, %dma_start3A_237] : memref<1000000x64xf32, #tpu.memory_space<hbm>> -> memref<1x64xf32, #tpu.memory_space<hbm>>
      tpu.enqueue_dma source(%dma_start3A_238 : memref<1x64xf32, #tpu.memory_space<hbm>>) target(%dma_start3A_236 : memref<1x64xf32, #tpu.memory_space<vmem>>) target_semaphore(%arg7 : memref<!tpu.dma_semaphore, #tpu.memory_space<semaphore_mem>>)
    }
    %scan3A_7 = arith.constant 32 : i32
    %dma_wait3A = arith.constant 0 : i32
    %dma_wait3A_8 = arith.constant 0 : i32
    %dma_wait3A_9 = tpu.memref_slice %arg2[%dma_wait3A, %dma_wait3A_8] : memref<1000000x64xf32, #tpu.memory_space<hbm>> -> memref<512x64xf32, #tpu.memory_space<hbm>>
    %dma_wait3A_10 = arith.constant 0 : i32
    %dma_wait3A_11 = arith.constant 0 : i32
    %dma_wait3A_12 = tpu.memref_slice %arg2[%dma_wait3A_10, %dma_wait3A_11] : memref<1000000x64xf32, #tpu.memory_space<hbm>> -> memref<512x64xf32, #tpu.memory_space<hbm>>
    tpu.wait_dma2 semaphore(%arg7 : memref<!tpu.dma_semaphore, #tpu.memory_space<semaphore_mem>>) src(%dma_wait3A_12 : memref<512x64xf32, #tpu.memory_space<hbm>>) dst(%arg6 : memref<512x64xf32, #tpu.memory_space<vmem>>)
    "tpu.region"() ({
      %run_scoped3A = tpu.sem_alloc : memref<!tpu.dma_semaphore, #tpu.memory_space<semaphore_mem>>
      %dma_start3A = arith.constant 0 : i32
      %dma_start3A_13 = tpu.memref_slice %arg4[%mul3A_2, %dma_start3A] : memref<16384x64xf32, #tpu.memory_space<hbm>> -> memref<512x64xf32, #tpu.memory_space<hbm>>
      %dma_start3A_14 = arith.constant 0 : i32
      %dma_start3A_15 = tpu.memref_slice %arg4[%mul3A_2, %dma_start3A_14] : memref<16384x64xf32, #tpu.memory_space<hbm>> -> memref<512x64xf32, #tpu.memory_space<hbm>>
      tpu.enqueue_dma source(%arg6 : memref<512x64xf32, #tpu.memory_space<vmem>>) target(%dma_start3A_15 : memref<512x64xf32, #tpu.memory_space<hbm>>) target_semaphore(%run_scoped3A : memref<!tpu.dma_semaphore, #tpu.memory_space<semaphore_mem>>)
      %dma_wait3A_16 = arith.constant 0 : i32
      %dma_wait3A_17 = tpu.memref_slice %arg4[%mul3A_2, %dma_wait3A_16] : memref<16384x64xf32, #tpu.memory_space<hbm>> -> memref<512x64xf32, #tpu.memory_space<hbm>>
      %dma_wait3A_18 = arith.constant 0 : i32
      %dma_wait3A_19 = tpu.memref_slice %arg4[%mul3A_2, %dma_wait3A_18] : memref<16384x64xf32, #tpu.memory_space<hbm>> -> memref<512x64xf32, #tpu.memory_space<hbm>>
      tpu.wait_dma2 semaphore(%run_scoped3A : memref<!tpu.dma_semaphore, #tpu.memory_space<semaphore_mem>>) src(%arg6 : memref<512x64xf32, #tpu.memory_space<vmem>>) dst(%dma_wait3A_19 : memref<512x64xf32, #tpu.memory_space<hbm>>)
      tpu.yield
    }) : () -> ()
    return
  }
}

module attributes {stable_mosaic.version = 14 : i64} {
  func.func @_mlp_body(%arg0: i32, %arg1: memref<2048x64xf32, #tpu.memory_space<vmem>>, %arg2: memref<2048x64xf32, #tpu.memory_space<vmem>>, %arg3: memref<2048x64xf32, #tpu.memory_space<vmem>>, %arg4: memref<2048x64xf32, #tpu.memory_space<vmem>>, %arg5: memref<2048xf32, #tpu.memory_space<vmem>>, %arg6: memref<2048xf32, #tpu.memory_space<vmem>>, %arg7: memref<1x64xf32, #tpu.memory_space<vmem>>, %arg8: memref<64xf32, #tpu.memory_space<vmem>>, %arg9: memref<1x64xf32, #tpu.memory_space<vmem>>, %arg10: memref<64xf32, #tpu.memory_space<vmem>>, %arg11: memref<64x384xf32, #tpu.memory_space<vmem>>, %arg12: memref<64xf32, #tpu.memory_space<vmem>>, %arg13: memref<32x64xf32, #tpu.memory_space<vmem>>, %arg14: memref<32xf32, #tpu.memory_space<vmem>>, %arg15: memref<1x32xf32, #tpu.memory_space<vmem>>, %arg16: memref<1xf32, #tpu.memory_space<vmem>>, %arg17: memref<2048xf32, #tpu.memory_space<vmem>>) attributes {dimension_semantics = [#tpu.dimension_semantics<arbitrary>], iteration_bounds = array<i64: 8>, scalar_prefetch = 0 : i64, scratch_operands = 0 : i64, tpu.core_type = #tpu.core_type<tc>, window_params = [{transform_indices = @transform_0, window_bounds = array<i64: 2048, 64>}, {transform_indices = @transform_1, window_bounds = array<i64: 2048, 64>}, {transform_indices = @transform_2, window_bounds = array<i64: 2048, 64>}, {transform_indices = @transform_3, window_bounds = array<i64: 2048, 64>}, {transform_indices = @transform_4, window_bounds = array<i64: 2048>}, {transform_indices = @transform_5, window_bounds = array<i64: 2048>}, {pipeline_mode = #tpu.pipeline_mode<synchronous>, transform_indices = @transform_6, window_bounds = array<i64: 1, 64>}, {pipeline_mode = #tpu.pipeline_mode<synchronous>, transform_indices = @transform_7, window_bounds = array<i64: 64>}, {pipeline_mode = #tpu.pipeline_mode<synchronous>, transform_indices = @transform_8, window_bounds = array<i64: 1, 64>}, {pipeline_mode = #tpu.pipeline_mode<synchronous>, transform_indices = @transform_9, window_bounds = array<i64: 64>}, {pipeline_mode = #tpu.pipeline_mode<synchronous>, transform_indices = @transform_10, window_bounds = array<i64: 64, 384>}, {pipeline_mode = #tpu.pipeline_mode<synchronous>, transform_indices = @transform_11, window_bounds = array<i64: 64>}, {pipeline_mode = #tpu.pipeline_mode<synchronous>, transform_indices = @transform_12, window_bounds = array<i64: 32, 64>}, {pipeline_mode = #tpu.pipeline_mode<synchronous>, transform_indices = @transform_13, window_bounds = array<i64: 32>}, {pipeline_mode = #tpu.pipeline_mode<synchronous>, transform_indices = @transform_14, window_bounds = array<i64: 1, 32>}, {pipeline_mode = #tpu.pipeline_mode<synchronous>, transform_indices = @transform_15, window_bounds = array<i64: 1>}, {transform_indices = @transform_16, window_bounds = array<i64: 2048>}]} {
    %get3A = arith.constant 0 : index
    %get3A_0 = vector.load %arg5[%get3A] : memref<2048xf32, #tpu.memory_space<vmem>>, vector<2048xf32>
    %broadcast_in_dim3A = vector.shape_cast %get3A_0 : vector<2048xf32> to vector<2048x1xf32>
    %get3A_1 = arith.constant 0 : index
    %get3A_2 = arith.constant 0 : index
    %get3A_3 = vector.load %arg7[%get3A_1, %get3A_2] : memref<1x64xf32, #tpu.memory_space<vmem>>, vector<1x64xf32>
    %mul3A = vector.broadcast %broadcast_in_dim3A : vector<2048x1xf32> to vector<2048x64xf32>
    %mul3A_4 = vector.broadcast %get3A_3 : vector<1x64xf32> to vector<2048x64xf32>
    %mul3A_5 = arith.mulf %mul3A, %mul3A_4 : vector<2048x64xf32>
    %get3A_6 = arith.constant 0 : index
    %get3A_7 = vector.load %arg8[%get3A_6] : memref<64xf32, #tpu.memory_space<vmem>>, vector<64xf32>
    %broadcast_in_dim3A_8 = vector.shape_cast %get3A_7 : vector<64xf32> to vector<1x64xf32>
    %add3A = vector.broadcast %broadcast_in_dim3A_8 : vector<1x64xf32> to vector<2048x64xf32>
    %add3A_9 = arith.addf %mul3A_5, %add3A : vector<2048x64xf32>
    %get3A_10 = arith.constant 0 : index
    %get3A_11 = vector.load %arg6[%get3A_10] : memref<2048xf32, #tpu.memory_space<vmem>>, vector<2048xf32>
    %broadcast_in_dim3A_12 = vector.shape_cast %get3A_11 : vector<2048xf32> to vector<2048x1xf32>
    %get3A_13 = arith.constant 0 : index
    %get3A_14 = arith.constant 0 : index
    %get3A_15 = vector.load %arg9[%get3A_13, %get3A_14] : memref<1x64xf32, #tpu.memory_space<vmem>>, vector<1x64xf32>
    %mul3A_16 = vector.broadcast %broadcast_in_dim3A_12 : vector<2048x1xf32> to vector<2048x64xf32>
    %mul3A_17 = vector.broadcast %get3A_15 : vector<1x64xf32> to vector<2048x64xf32>
    %mul3A_18 = arith.mulf %mul3A_16, %mul3A_17 : vector<2048x64xf32>
    %get3A_19 = arith.constant 0 : index
    %get3A_20 = vector.load %arg10[%get3A_19] : memref<64xf32, #tpu.memory_space<vmem>>, vector<64xf32>
    %broadcast_in_dim3A_21 = vector.shape_cast %get3A_20 : vector<64xf32> to vector<1x64xf32>
    %add3A_22 = vector.broadcast %broadcast_in_dim3A_21 : vector<1x64xf32> to vector<2048x64xf32>
    %add3A_23 = arith.addf %mul3A_18, %add3A_22 : vector<2048x64xf32>
    %get3A_24 = arith.constant 0 : index
    %get3A_25 = arith.constant 0 : index
    %get3A_26 = vector.load %arg1[%get3A_24, %get3A_25] : memref<2048x64xf32, #tpu.memory_space<vmem>>, vector<2048x64xf32>
    %get3A_27 = arith.constant 0 : index
    %get3A_28 = arith.constant 0 : index
    %get3A_29 = vector.load %arg2[%get3A_27, %get3A_28] : memref<2048x64xf32, #tpu.memory_space<vmem>>, vector<2048x64xf32>
    %get3A_30 = arith.constant 0 : index
    %get3A_31 = arith.constant 0 : index
    %get3A_32 = vector.load %arg3[%get3A_30, %get3A_31] : memref<2048x64xf32, #tpu.memory_space<vmem>>, vector<2048x64xf32>
    %get3A_33 = arith.constant 0 : index
    %get3A_34 = arith.constant 0 : index
    %get3A_35 = vector.load %arg4[%get3A_33, %get3A_34] : memref<2048x64xf32, #tpu.memory_space<vmem>>, vector<2048x64xf32>
    %concatenate3A = tpu.concatenate %get3A_26, %get3A_29, %get3A_32, %add3A_9, %get3A_35, %add3A_23 in 1 : vector<2048x64xf32>, vector<2048x64xf32>, vector<2048x64xf32>, vector<2048x64xf32>, vector<2048x64xf32>, vector<2048x64xf32> -> vector<2048x384xf32>
    %get3A_36 = arith.constant 0 : index
    %get3A_37 = arith.constant 0 : index
    %get3A_38 = vector.load %arg11[%get3A_36, %get3A_37] : memref<64x384xf32, #tpu.memory_space<vmem>>, vector<64x384xf32>
    %convert_element_type3A = arith.truncf %concatenate3A : vector<2048x384xf32> to vector<2048x384xbf16>
    %convert_element_type3A_39 = arith.truncf %get3A_38 : vector<64x384xf32> to vector<64x384xbf16>
    %dot_general3A = arith.constant dense<0.000000e+00> : vector<2048x64xf32>
    %dot_general3A_40 = tpu.matmul %convert_element_type3A, %convert_element_type3A_39, %dot_general3A {dimension_numbers = #tpu.dot_dimension_numbers<[1], [1], [0], [0], [0, 0, 1, 0], [], []>, transpose_lhs_hint = false} : vector<2048x384xbf16>, vector<64x384xbf16>, vector<2048x64xf32> -> vector<2048x64xf32>
    %get3A_41 = arith.constant 0 : index
    %get3A_42 = vector.load %arg12[%get3A_41] : memref<64xf32, #tpu.memory_space<vmem>>, vector<64xf32>
    %broadcast_in_dim3A_43 = vector.shape_cast %get3A_42 : vector<64xf32> to vector<1x64xf32>
    %add3A_44 = vector.broadcast %broadcast_in_dim3A_43 : vector<1x64xf32> to vector<2048x64xf32>
    %add3A_45 = arith.addf %dot_general3A_40, %add3A_44 : vector<2048x64xf32>
    %max3A = arith.constant 0.000000e+00 : f32
    %max3A_46 = vector.broadcast %max3A : f32 to vector<2048x64xf32>
    %max3A_47 = arith.maximumf %add3A_45, %max3A_46 : vector<2048x64xf32>
    %get3A_48 = arith.constant 0 : index
    %get3A_49 = arith.constant 0 : index
    %get3A_50 = vector.load %arg13[%get3A_48, %get3A_49] : memref<32x64xf32, #tpu.memory_space<vmem>>, vector<32x64xf32>
    %convert_element_type3A_51 = arith.truncf %max3A_47 : vector<2048x64xf32> to vector<2048x64xbf16>
    %convert_element_type3A_52 = arith.truncf %get3A_50 : vector<32x64xf32> to vector<32x64xbf16>
    %dot_general3A_53 = arith.constant dense<0.000000e+00> : vector<2048x32xf32>
    %dot_general3A_54 = tpu.matmul %convert_element_type3A_51, %convert_element_type3A_52, %dot_general3A_53 {dimension_numbers = #tpu.dot_dimension_numbers<[1], [1], [0], [0], [0, 0, 1, 0], [], []>, transpose_lhs_hint = false} : vector<2048x64xbf16>, vector<32x64xbf16>, vector<2048x32xf32> -> vector<2048x32xf32>
    %get3A_55 = arith.constant 0 : index
    %get3A_56 = vector.load %arg14[%get3A_55] : memref<32xf32, #tpu.memory_space<vmem>>, vector<32xf32>
    %broadcast_in_dim3A_57 = vector.shape_cast %get3A_56 : vector<32xf32> to vector<1x32xf32>
    %add3A_58 = vector.broadcast %broadcast_in_dim3A_57 : vector<1x32xf32> to vector<2048x32xf32>
    %add3A_59 = arith.addf %dot_general3A_54, %add3A_58 : vector<2048x32xf32>
    %max3A_60 = arith.constant 0.000000e+00 : f32
    %max3A_61 = vector.broadcast %max3A_60 : f32 to vector<2048x32xf32>
    %max3A_62 = arith.maximumf %add3A_59, %max3A_61 : vector<2048x32xf32>
    %get3A_63 = arith.constant 0 : index
    %get3A_64 = arith.constant 0 : index
    %get3A_65 = vector.load %arg15[%get3A_63, %get3A_64] : memref<1x32xf32, #tpu.memory_space<vmem>>, vector<1x32xf32>
    %mul3A_66 = vector.broadcast %get3A_65 : vector<1x32xf32> to vector<2048x32xf32>
    %mul3A_67 = arith.mulf %max3A_62, %mul3A_66 : vector<2048x32xf32>
    %reduce_sum3A = arith.constant dense<0.000000e+00> : vector<2048xf32>
    %reduce_sum3A_68 = vector.multi_reduction <add>, %mul3A_67, %reduce_sum3A [1] : vector<2048x32xf32> to vector<2048xf32>
    %get3A_69 = arith.constant 0 : index
    %get3A_70 = vector.load %arg16[%get3A_69] : memref<1xf32, #tpu.memory_space<vmem>>, vector<1xf32>
    %get3A_71 = vector.extract %get3A_70[0] : f32 from vector<1xf32>
    %add3A_72 = vector.broadcast %get3A_71 : f32 to vector<2048xf32>
    %add3A_73 = arith.addf %reduce_sum3A_68, %add3A_72 : vector<2048xf32>
    %swap3A = arith.constant 0 : index
    %swap3A_74 = vector.load %arg17[%swap3A] : memref<2048xf32, #tpu.memory_space<vmem>>, vector<2048xf32>
    tpu.vector_store %arg17[%swap3A], %add3A_73 {strides = array<i32>} : memref<2048xf32, #tpu.memory_space<vmem>>, vector<2048xf32>,
    return
  }
  func.func @transform_0(%arg0: i32) -> (i32, i32) {
    %c0_i32 = arith.constant 0 : i32
    %c0_i32_0 = arith.constant 0 : i32
    return %arg0, %c0_i32 : i32, i32
  }
  func.func @transform_1(%arg0: i32) -> (i32, i32) {
    %c0_i32 = arith.constant 0 : i32
    %c0_i32_0 = arith.constant 0 : i32
    return %arg0, %c0_i32 : i32, i32
  }
  func.func @transform_2(%arg0: i32) -> (i32, i32) {
    %c0_i32 = arith.constant 0 : i32
    %c0_i32_0 = arith.constant 0 : i32
    return %arg0, %c0_i32 : i32, i32
  }
  func.func @transform_3(%arg0: i32) -> (i32, i32) {
    %c0_i32 = arith.constant 0 : i32
    %c0_i32_0 = arith.constant 0 : i32
    return %arg0, %c0_i32 : i32, i32
  }
  func.func @transform_4(%arg0: i32) -> i32 {
    %c0_i32 = arith.constant 0 : i32
    return %arg0 : i32
  }
  func.func @transform_5(%arg0: i32) -> i32 {
    %c0_i32 = arith.constant 0 : i32
    return %arg0 : i32
  }
  func.func @transform_6(%arg0: i32) -> (i32, i32) {
    %c0_i32 = arith.constant 0 : i32
    %c0_i32_0 = arith.constant 0 : i32
    %c0_i32_1 = arith.constant 0 : i32
    return %c0_i32, %c0_i32_0 : i32, i32
  }
  func.func @transform_7(%arg0: i32) -> i32 {
    %c0_i32 = arith.constant 0 : i32
    %c0_i32_0 = arith.constant 0 : i32
    return %c0_i32 : i32
  }
  func.func @transform_8(%arg0: i32) -> (i32, i32) {
    %c0_i32 = arith.constant 0 : i32
    %c0_i32_0 = arith.constant 0 : i32
    %c0_i32_1 = arith.constant 0 : i32
    return %c0_i32, %c0_i32_0 : i32, i32
  }
  func.func @transform_9(%arg0: i32) -> i32 {
    %c0_i32 = arith.constant 0 : i32
    %c0_i32_0 = arith.constant 0 : i32
    return %c0_i32 : i32
  }
  func.func @transform_10(%arg0: i32) -> (i32, i32) {
    %c0_i32 = arith.constant 0 : i32
    %c0_i32_0 = arith.constant 0 : i32
    %c0_i32_1 = arith.constant 0 : i32
    return %c0_i32, %c0_i32_0 : i32, i32
  }
  func.func @transform_11(%arg0: i32) -> i32 {
    %c0_i32 = arith.constant 0 : i32
    %c0_i32_0 = arith.constant 0 : i32
    return %c0_i32 : i32
  }
  func.func @transform_12(%arg0: i32) -> (i32, i32) {
    %c0_i32 = arith.constant 0 : i32
    %c0_i32_0 = arith.constant 0 : i32
    %c0_i32_1 = arith.constant 0 : i32
    return %c0_i32, %c0_i32_0 : i32, i32
  }
  func.func @transform_13(%arg0: i32) -> i32 {
    %c0_i32 = arith.constant 0 : i32
    %c0_i32_0 = arith.constant 0 : i32
    return %c0_i32 : i32
  }
  func.func @transform_14(%arg0: i32) -> (i32, i32) {
    %c0_i32 = arith.constant 0 : i32
    %c0_i32_0 = arith.constant 0 : i32
    %c0_i32_1 = arith.constant 0 : i32
    return %c0_i32, %c0_i32_0 : i32, i32
  }
  func.func @transform_15(%arg0: i32) -> i32 {
    %c0_i32 = arith.constant 0 : i32
    %c0_i32_0 = arith.constant 0 : i32
    return %c0_i32 : i32
  }
  func.func @transform_16(%arg0: i32) -> i32 {
    %c0_i32 = arith.constant 0 : i32
    return %arg0 : i32
  }
}

</mosaic_0001>

<sc_bundles>
// kernel: kernel.5.cloned.1.call-start
scs
__scs_entry_jumppad:
0x0: {  	(pc) =	sbr.rel $0x88, $3  }
0x1: {  	(tag) =	ssettag $0x0;
	lr =	simm.s32 $0x1  }
0x2: {  	[smem:$0x3F8D] =	sst lr;
	_ =	strace $0xD0000000  }
0x3: {  	_ = 	snop  }
0x4: {  	_ = 	snop  }
0x5: {  	_ = 	snop  }
0x6: {  	_ = 	snop  }
0x7: {  	_ = 	snop  }
__scs_overlays_trampoline_lowered:
0x8: {  	[smem:$0x3F9C] =	sst s0  }
0x9: {  	[smem:$0x3F9D] =	sst s1  }
0xa: {  	[smem:$0x3F9E] =	sst s2  }
0xb: {  	[smem:$0x3F9F] =	sst s3  }
0xc: {  	[smem:$0x3FA0] =	sst s4  }
0xd: {  	[smem:$0x3FA1] =	sst s5  }
0xe: {  	[smem:$0x3FA2] =	sst s6  }
0xf: {  	[smem:$0x3FA3] =	sst s7  }
0x10: {  	[smem:$0x3FA4] =	sst s8  }
0x11: {  	[smem:$0x3FA5] =	sst s9;
	s0 =	simm.s32 @!p0 $0x0  }
0x12: {  	s1 =	sld [smem:$0x3F8B];
	s0 =	simm.s32 @p0 $0x1  }
0x13: {  	[smem:$0x3FA6] =	sst s0;
	s0 =	simm.s32 @!p1 $0x0  }
0x14: {  	s2 =	sld [smem:$0x3F8A];
	s0 =	simm.s32 @p1 $0x1  }
0x15: {  	[smem:$0x3FA7] =	sst s0;
	s0 =	simm.s32 @!p2 $0x0  }
0x16: {  	s3 =	sld [smem:$0x3FDB];
	s0 =	simm.s32 @p2 $0x1  }
0x17: {  	s4 =	simm.s32 $0x1BF5;
	[smem:$0x3FA9] =	sst s0  }
0x18: {  	s0 =	sld [smem:$0x3F8C];
	_ =	swait.ge [sflag:s4], $0x0  }
0x19: {  	s7 =	sld [smem:$0x3F8D]  }
0x1a: {  	s8 =	sadd.s32 $0xFFFFE003, lr  }
0x1b: {  	s9 =	sadd.s32 $0xFFFFFEF7, lr;
	s5 =	simm.s32 $0xFFFFFFFF;
	p2 =	slt.u32 s8, $0xFFFFF086  }
0x1c: {  	p1 =	slt.u32 s9, $0xF7A;
	s5 =	simm.s32 @!p2 $0x0  }
0x1d: {  	s5 =	simm.s32 @p1 $0x1;
	p0 =	seq.s32 s7, s2  }
0x1e: {  	s7 =	smul.u32 @!p0 $0xF7A, s2;
	p2 =	seq.s32 @!p0 s5, $0x0  }
0x1f: {  	s9 =	smul.u32 $0xF7A, s1;
	s8 =	simm.s32 @!p0 $0x1BF5;
	p2 =	por !p2, p0  }
0x20: {  	[sflag:s8] =	ssyncset.s32 @!p0 $0xFFFFF086;
	s6 =	sadd.s32 @!p0 s3, s7;
	s7 =	simm.s32 @!p0 $0x108  }
0x21: {  	s3 =	sadd.s32 s3, s9;
	s6 =	sadd.s32 @!p0 $0x88, s6;
	s7 =	simm.s32 @p2 $0x1082  }
0x22: {  	[simem:s7], [sflag:s8] =	dma.local @!p0 [hbm:s6], $0xF7A  }
0x23: {  	s9 =	sor.u32 $0xD0000000, s2;
	s6 =	simm.s32 $0x108;
	_ =	swait.ge @!p0 [sflag:s8], $0x0  }
0x24: {  	s3 =	sadd.s32 $0x88, s3;
	s6 =	simm.s32 @!p1 $0x1082;
	[sflag:s4] =	ssyncset.s32 $0xFFFFF086  }
0x25: {  	[simem:s6], [sflag:s4] =	dma.local [hbm:s3], $0xF7A  }
0x26: {  	[smem:$0x3F8D] =	sst s1;
	(tag) =	ssettag s2;
	_ =	strace s9  }
0x27: {  	s1 =	sld [smem:$0x3F9D]  }
0x28: {  	s2 =	sld [smem:$0x3F9E]  }
0x29: {  	s4 =	sld [smem:$0x3FA0]  }
0x2a: {  	p0 =	seq.s32 s5, $0x0;
	s5 =	sld [smem:$0x3FA1]  }
0x2b: {  	s6 =	sld [smem:$0x3FA2]  }
0x2c: {  	s7 =	sld [smem:$0x3FA3]  }
0x2d: {  	s3 =	simm.s32 $0x108;
	s8 =	sld [smem:$0x3FA4]  }
0x2e: {  	s3 =	simm.s32 @!p0 $0x1082;
	s9 =	sld [smem:$0x3FA5]  }
0x2f: {  	lr =	sadd.s32 s0, s3;
	s0 =	sld [smem:$0x3F9C]  }
0x30: {  	s3 =	sld [smem:$0x3F9F]  }
0x31: {  	[smem:$0x3FA8] =	sst s10  }
0x32: {  	s10 =	sld [smem:$0x3FA6];
	_ =	sdelay $0x3  }
0x33: {  	p0 =	seq.s32 s10, $0x1;
	s10 =	sld [smem:$0x3FA8];
	_ =	sdelay $0x3  }
0x34: {  	[smem:$0x3FA8] =	sst s10  }
0x35: {  	s10 =	sld [smem:$0x3FA7];
	_ =	sdelay $0x3  }
0x36: {  	p1 =	seq.s32 s10, $0x1;
	s10 =	sld [smem:$0x3FA8];
	_ =	sdelay $0x3  }
0x37: {  	[smem:$0x3FA8] =	sst s10  }
0x38: {  	s10 =	sld [smem:$0x3FA9]  }
0x39: {  	_ = 	snop;
	(pc) =	sbr.ind lr, $3  }
0x3a: {  	_ = 	snop  }
0x3b: {  	_ = 	snop  }
0x3c: {  	p2 =	seq.s32 s10, $0x1;
	s10 =	sld [smem:$0x3FA8]  }
0x3d: {  	_ =	shalt  }
0x3e: {  	_ =	shalt  }
0x3f: {  	_ =	shalt  }
0x40: {  	_ =	shalt  }
0x41: {  	_ =	shalt  }
0x42: {  	_ =	shalt  }
0x43: {  	_ =	shalt  }
0x44: {  	_ =	shalt  }
0x45: {  	_ =	shalt  }
0x46: {  	_ =	shalt  }
0x47: {  	_ =	shalt  }
0x48: {  	_ =	shalt  }
0x49: {  	_ =	shalt  }
0x4a: {  	_ =	shalt  }
0x4b: {  	_ =	shalt  }
0x4c: {  	_ =	shalt  }
0x4d: {  	_ =	shalt  }
0x4e: {  	_ =	shalt  }
0x4f: {  	_ =	shalt  }
0x50: {  	_ =	shalt  }
0x51: {  	_ =	shalt  }
0x52: {  	_ =	shalt  }
0x53: {  	_ =	shalt  }
0x54: {  	_ =	shalt  }
0x55: {  	_ =	shalt  }
0x56: {  	_ =	shalt  }
0x57: {  	_ =	shalt  }
0x58: {  	_ =	shalt  }
0x59: {  	_ =	shalt  }
0x5a: {  	_ =	shalt  }
0x5b: {  	_ =	shalt  }
0x5c: {  	_ =	shalt  }
0x5d: {  	_ =	shalt  }
0x5e: {  	_ =	shalt  }
0x5f: {  	_ =	shalt  }
0x60: {  	_ =	shalt  }
0x61: {  	_ =	shalt  }
0x62: {  	_ =	shalt  }
0x63: {  	_ =	shalt  }
0x64: {  	_ =	shalt  }
0x65: {  	_ =	shalt  }
0x66: {  	_ =	shalt  }
0x67: {  	_ =	shalt  }
0x68: {  	_ =	shalt  }
0x69: {  	_ =	shalt  }
0x6a: {  	_ =	shalt  }
0x6b: {  	_ =	shalt  }
0x6c: {  	_ =	shalt  }
0x6d: {  	_ =	shalt  }
0x6e: {  	_ =	shalt  }
0x6f: {  	_ =	shalt  }
0x70: {  	_ =	shalt  }
0x71: {  	_ =	shalt  }
0x72: {  	_ =	shalt  }
0x73: {  	_ =	shalt  }
0x74: {  	_ =	shalt  }
0x75: {  	_ =	shalt  }
0x76: {  	_ =	shalt  }
0x77: {  	_ =	shalt  }
0x78: {  	_ =	shalt  }
0x79: {  	_ =	shalt  }
0x7a: {  	_ =	shalt  }
0x7b: {  	_ =	shalt  }
0x7c: {  	_ =	shalt  }
0x7d: {  	_ =	shalt  }
0x7e: {  	_ =	shalt  }
0x7f: {  	_ =	shalt  }
0x80: {  	_ =	shalt  }
0x81: {  	_ =	shalt  }
0x82: {  	_ =	shalt  }
0x83: {  	_ =	shalt  }
0x84: {  	_ =	shalt  }
0x85: {  	_ =	shalt  }
0x86: {  	_ =	shalt  }
0x87: {  	_ =	shalt  }
.Lfunc_end0:
.L_simem_size_0:
called_computation_lowered:
.L_overlay_start_0:
0x88: {  	s2 =	sld [smem:$0x3FD9]  }
0x89: {  	s3 =	sld [smem:$0x3FFE];
	_ =	sdelay $0x1  }
0x8a: {  	s1 =	srdreg.scid  }
0x8b: {  	s0 =	sand.u32 $0x1, s1  }
0x8c: {  	s17 =	sshll.u32 s0, $0xA;
	s2 =	sadd.s32 s3, s2  }
0x8d: {  	s2 =	sadd.s32 s2, s17  }
0x8e: {  	[smem:$0x3FB4] =	sst s2  }
0x8f: {  	_ = 	snop  }
0x90: {  	s18 =	sld [smem:$0x3FC8]  }
0x91: {  	s4 =	sld [smem:$0x3FC7]  }
0x92: {  	s5 =	sld [smem:$0x3FC5];
	(tm) =	ssettm $0x1  }
0x93: {  	s19 =	sld [smem:$0x3FFB];
	_ =	sdelay $0x3  }
0x94: {  	_ =	strace s19  }
0x95: {  	s2 =	sld [smem:$0x3FFC];
	_ =	sdelay $0x3  }
0x96: {  	_ =	strace s2  }
0x97: {  	s2 =	sld [smem:$0x3FFD];
	_ =	sdelay $0x3  }
0x98: {  	_ =	strace s2  }
0x99: {  	_ =	strace $0x8FFFFFFF  }
0x9a: {  	s20 =	sld [smem:$0x3FDB];
	_ =	sdelay $0x1  }
0x9b: {  	s6 =	simm.s32 $_scs_section_size  }
0x9c: {  	s7 =	simm.s32 $_size__tile_overlayer_lowered;
	s8 =	simm.s32 $_tile_overlayer_lowered  }
0x9d: {  	s9 =	simm.s32 $0x1BFF;
	s21 =	sshll.u32 s8, $0x1;
	s6 =	sadd.s32 s6, s20  }
0x9e: {  	s22 =	simm.s32 $0x0;
	s7 =	sshll.u32 s7, $0x1;
	s8 =	sadd.s32 s21, s6  }
0x9f: {  	[timem:s22], [sflag:s9] =	dma.local [hbm:s8], s7  }
0xa0: {  	_ =	swait.ge [sflag:s9], s7  }
0xa1: {  	s7 =	ssub.s32 $0x0, s7;
	[sflag:s9] =	ssyncset.done $0x0  }
0xa2: {  	[sflag:s9] =	ssyncadd.s32 s7;
	_ =	sdelay $0x1  }
0xa3: {  	s23 =	simm.s32 $0x1B8B  }
0xa4: {  	_ =	swait.ge [sflag:s23], $0x1  }
0xa5: {  	[sflag:s23] =	ssyncset.done $0x0  }
0xa6: {  	[sflag:s23] =	ssyncadd.s32 $0xFFFFFFFF  }
0xa7: {  	s7 =	sld [smem:$0x0]  }
0xa8: {  	s8 =	sand.u32 $0xFFFFFFFE, s1  }
0xa9: {  	p0 =	sne.s32 s1, s8  }
0xaa: {  	s8 =	sshll.u32 @p0 s8, $0xE  }
0xab: {  	s8 =	sadd.s32 @p0 $0x11B8D, s8;
	s9 =	sshll.u32 @p0 s7, $0x11  }
0xac: {  	s8 =	sor.u32 @p0 s9, s8  }
0xad: {  	[sflag:s8] =	ssyncadd.remote.s32 @p0 $0x1;
	_ =	sdelay $0x1  }
0xae: {  	s8 =	simm.s32 @p0 $0x1B8D  }
0xaf: {  	_ =	swait.eq @p0 [sflag:s8], $0x1  }
0xb0: {  	[sflag:s8] =	ssyncadd.s32 @p0 $0xFFFFFFFF  }
0xb1: {  	s9 =	sshll.u32 @!p0 s1, $0xE  }
0xb2: {  	s9 =	sor.u32 @!p0 $0x4000, s9;
	s8 =	simm.s32 @!p0 $0x1B8D  }
0xb3: {  	s7 =	sshll.u32 @!p0 s7, $0x11;
	s9 =	sadd.s32 @!p0 $0x11B8D, s9;
	_ =	swait.eq @!p0 [sflag:s8], $0x1  }
0xb4: {  	s7 =	sor.u32 @!p0 s7, s9;
	[sflag:s8] =	ssyncadd.s32 @!p0 $0xFFFFFFFF  }
0xb5: {  	s25 =	simm.s32 $0x1B8E;
	s24 =	sld [smem:$0x3FFE];
	[sflag:s7] =	ssyncadd.remote.s32 @!p0 $0x1  }
0xb6: {  	s26 =	simm.s32 $execute0_lowered;
	[smem:$0x3FD2] =	sst s25  }
0xb7: {  	s8 =	sshll.u32 s26, $0x1;
	_ =	strace $0x80000049;
	[dreg:$0x1] =	wrdreg $0xFFFFFFFF  }
0xb8: {  	s28 =	simm.s32 $_size_execute0_lowered;
	s6 =	sadd.s32 s6, s8;
	[dreg:$0x0] =	wrdreg $0x0  }
0xb9: {  	s8 =	sshll.u32 s28, $0x1;
	[dreg:$0x2] =	wrdreg s6  }
0xba: {  	[dreg:$0x3] =	wrdreg s8  }
0xbb: {  	[dreg:$0x4] =	wrdreg $0xC0  }
0xbc: {  	_ =	task [dreg:s22], $0x5FFFF  }
0xbd: {  	[dreg:$0x1] =	wrdreg $0xFFFFFFFF  }
0xbe: {  	[dreg:$0x0] =	wrdreg $0x60  }
0xbf: {  	[dreg:$0x2] =	wrdreg s24  }
0xc0: {  	[dreg:$0x3] =	wrdreg s18  }
0xc1: {  	[dreg:$0x4] =	wrdreg s4  }
0xc2: {  	[dreg:$0x5] =	wrdreg s5  }
0xc3: {  	[dreg:$0x6] =	wrdreg $0x9  }
0xc4: {  	_ =	task.clear_ibuf [dreg:s22], $0x7FFFF;
	_ =	strace $0x90000049  }
0xc5: {  	s29 =	simm.s32 $0x9;
	_ =	strace $0x8000004B  }
0xc6: {  	_ =	swait.ge [sflag:s29], $0x1  }
0xc7: {  	[sflag:s29] =	ssyncadd.s32 $0xFFFFFFFF  }
0xc8: {  	_ =	strace $0x9000004B  }
0xc9: {  	_ =	sfence  }
0xca: {  	s30 =	sld [smem:$0x0];
	_ =	sdelay $0x2  }
0xcb: {  	s31 =	sshll.u32 s1, $0xD;
	s1 =	sshrl.u32 s1, $0x2  }
0xcc: {  	s4 =	sand.u32 $0x4000, s31;
	s1 =	sadd.s32 s1, s30  }
0xcd: {  	s0 =	sor.u32 s4, s0;
	s1 =	sshll.u32 s1, $0x11  }
0xce: {  	s0 =	sor.u32 s1, s0  }
0xcf: {  	s0 =	sadd.s32 $0x8F2B, s0  }
0xd0: {  	[sflag:s0] =	ssyncadd.remote.s32 $0x1  }
0xd1: {  	_ =	sfence.sel $0xFFFF  }
0xd2: {  	[dreg:$0x0] =	wrdreg $0xFFFFFFFF;
	(pc) =	sbr.abs _section_cstart, $3  }
0xd3: {  	[dreg:$0x1] =	wrdreg $0xFFFFFFFF  }
0xd4: {  	_ =	task.clear_ibuf [dreg:s22], $0x2FFFF;
	_ =	strace $0x9FFFFFFF  }
0xd5: {  	(tm) =	ssettm $0x7FFFFFFF  }
tec
execute0_lowered:
.L_overlay_start_1:
0x0: {  	(tag) =	ssettag $0x1  }
0x1: {  	s6 =	rddreg [dreg:$0x0]  }
0x2: {  	s7 =	rddreg [dreg:$0x1]  }
0x3: {  	s8 =	rddreg [dreg:$0x2]  }
0x4: {  	s10 =	rddreg [dreg:$0x3]  }
0x5: {  	s2 =	simm.s32 $0x0;
	s3 =	srdreg.scid;
	s0 =	stileid.u32  }
0x6: {  	s14 =	simm.s32 $0x1;
	s15 =	simm.s32 $0x200;
	s16 =	simm.s32 $0x0  }
0x7: {  	[smem:$0x7FF] =	sst s2;
	s9 =	sand.u32 $0x1, s3;
	s5 =	sshll.u32 s0, $0xA  }
0x8: {  	s3 =	sadd.s32 $0xF85000, s6;
	s4 =	sadd.s32 $0x110BA00, s6;
	s11 =	sshll.u32 s9, $0x9  }
0x9: {  	_ =	strace $0x8000004A;
	s9 =	ssub.s32 $0x2, s9;
	s11 =	sor.u32 s11, s5  }
0xa: {  	s26 =	sshrl.u32 s9, $0x1;
	s12 =	sshll.u32 s11, $0x4;
	s11 =	sshrl.u32 s11, $0x3  }
0xb: {  	s5 =	sadd.s32 $0x110FA00, s6;
	s13 =	ssub.s32 s9, s26;
	s28 =	sadd.s32 s7, s11  }
0xc: {  	s12 =	sadd.s32 s12, s6;
	s30 =	sadd.s32 s8, s11;
	[dreg:$0x5] =	wrdreg s28  }
0xd: {  	s10 =	sadd.s32 s10, s11;
	s29 =	sadd.s32 $0x1113A00, s12;
	[dreg:$0x7] =	wrdreg s30  }
0xe: {  	s31 =	sadd.s32 $0x1153A00, s12;
	s11 =	sadd.s32 $0x1193A00, s12;
	[dreg:$0x6] =	wrdreg s29  }
0xf: {  	s12 =	smax.u32 s13, $0x1;
	s13 =	simm.s32 $0x2;
	[dreg:$0x8] =	wrdreg s31  }
.LBB2_1:
0x10: {  	s0 =	rddreg [dreg:$0x5]  }
0x11: {  	[tilespmem:s2], [sflag:$0x2] =	stream.linear.gather [hbm4b:s0+s2], $0x200, $0x38;
	[tilespmem:$0x10200] =	vst v63  }
0x12: {  	_ =	swait.ge [sflag:s13], $0x200  }
0x13: {  	[sflag:s13] =	ssyncset.done $0x0  }
0x14: {  	[sflag:s13] =	ssyncadd.s32 $0xFFFFFE00  }
0x15: {  	v0 =	vld [tilespmem:s2+$0x0];
	_ =	sdelay $0x4  }
0x16: {  	v0 =	vshll.u32 v0, $0x4  }
0x17: {  	(v2sf) =	vpush v0, $0x0  }
0x18: {  	(v2sf) =	vpush v0, $0x1  }
0x19: {  	(v2sf) =	vpush v0, $0x2;
	_ =	sdelay $0x1  }
0x1a: {  	(v2sf) =	vpush v0, $0x4;
	_ =	sdelay $0x1  }
0x1b: {  	(v2sf) =	vpush v0, $0x3  }
0x1c: {  	(v2sf) =	vpush v0, $0x5  }
0x1d: {  	s18 =	simm.s32 $0x2000;
	s17 =	simm.s32 $0x0;
	s19 =	simm.s32 $0x0;
	(v2sf) =	vpush v0, $0x6  }
.LBB2_2:
0x1e: {  	p0 =	sne.s32 s18, $0x3E000  }
0x1f: {  	s30 =	sadd.s32 $0x280, s17;
	s23 =	sadd.s32 $0x780, s17;
	s20 =	smov.u32 s18  }
0x20: {  	s18 =	sadd.s32 $0x2000, s18;
	s26 =	sadd.s32 $0x580, s17;
	s21 =	sadd.s32 $0x800, s17;
	(v2sf) =	vpush v0, $0x7  }
0x21: {  	s29 =	sadd.s32 $0x480, s17;
	s25 =	sadd.s32 $0x600, s17;
	s22 =	sadd.s32 $0x880, s17  }
0x22: {  	s31 =	sadd.s32 $0x200, s17;
	s0 =	sadd.s32 $0x400, s17;
	(v2sf) =	vpush v0, $0x8  }
0x23: {  	s1 =	sadd.s32 $0x500, s17;
	s19 =	sadd.s32 $0x10, s19  }
0x24: {  	s6 =	sadd.s32 $0x300, s17;
	s24 =	sadd.s32 $0x700, s17;
	s28 =	spop (v2sf);
	(v2sf) =	vpush v0, $0x9  }
0x25: {  	s7 =	sand.u32 $0x1FFFFFF0, s28;
	s28 =	sadd.s32 $0x680, s17;
	s8 =	spop (v2sf)  }
0x26: {  	s7 =	sadd.s32 s3, s7;
	s8 =	sand.u32 $0x1FFFFFF0, s8;
	s9 =	spop (v2sf);
	(v2sf) =	vpush v0, $0xA  }
0x27: {  	[tilespmem:s31], [sflag:$0x1] =	stream.linear.gather [hbm4b:s7+s2], $0x80, $0x38;
	[tilespmem:$0x10200] =	vst v63  }
0x28: {  	s7 =	sadd.s32 s3, s8;
	s8 =	sadd.s32 $0x380, s17;
	s31 =	spop (v2sf);
	(v2sf) =	vpush v0, $0xB  }
0x29: {  	[tilespmem:s30], [sflag:$0x1] =	stream.linear.gather [hbm4b:s7+s2], $0x80, $0x38;
	[tilespmem:$0x10200] =	vst v63  }
0x2a: {  	s7 =	sand.u32 $0x1FFFFFF0, s9;
	s9 =	sand.u32 $0x1FFFFFF0, s31;
	s30 =	spop (v2sf);
	(v2sf) =	vpush v0, $0xC  }
0x2b: {  	s7 =	sadd.s32 s3, s7;
	s30 =	sand.u32 $0x1FFFFFF0, s30;
	s31 =	spop (v2sf)  }
0x2c: {  	[tilespmem:s6], [sflag:$0x1] =	stream.linear.gather [hbm4b:s7+s2], $0x80, $0x38;
	(v2sf) =	vpush v0, $0xD;
	[tilespmem:$0x10200] =	vst v63  }
0x2d: {  	s6 =	sadd.s32 s3, s30;
	s7 =	sand.u32 $0x1FFFFFF0, s31;
	s30 =	spop (v2sf)  }
0x2e: {  	[tilespmem:s8], [sflag:$0x1] =	stream.linear.gather [hbm4b:s6+s2], $0x80, $0x38;
	(v2sf) =	vpush v0, $0xE;
	[tilespmem:$0x10200] =	vst v63  }
0x2f: {  	s6 =	sadd.s32 s3, s9;
	s8 =	sand.u32 $0x1FFFFFF0, s30;
	s9 =	spop (v2sf)  }
0x30: {  	[tilespmem:s0], [sflag:$0x1] =	stream.linear.gather [hbm4b:s6+s2], $0x80, $0x38;
	(v2sf) =	vpush v0, $0xF;
	[tilespmem:$0x10200] =	vst v63  }
0x31: {  	s0 =	sadd.s32 s3, s7;
	s6 =	sand.u32 $0x1FFFFFF0, s9;
	s7 =	spop (v2sf)  }
0x32: {  	[tilespmem:s29], [sflag:$0x1] =	stream.linear.gather [hbm4b:s0+s2], $0x80, $0x38;
	[tilespmem:$0x10200] =	vst v63  }
0x33: {  	s0 =	sadd.s32 s3, s8;
	s7 =	sand.u32 $0x1FFFFFF0, s7;
	s8 =	spop (v2sf)  }
0x34: {  	[tilespmem:s1], [sflag:$0x1] =	stream.linear.gather [hbm4b:s0+s2], $0x80, $0x38;
	[tilespmem:$0x10200] =	vst v63  }
0x35: {  	s0 =	sadd.s32 s3, s6;
	s1 =	sand.u32 $0x1FFFFFF0, s8;
	s6 =	spop (v2sf)  }
0x36: {  	[tilespmem:s26], [sflag:$0x1] =	stream.linear.gather [hbm4b:s0+s2], $0x80, $0x38;
	[tilespmem:$0x10200] =	vst v63  }
0x37: {  	s0 =	sadd.s32 s3, s7;
	s6 =	sand.u32 $0x1FFFFFF0, s6;
	s7 =	spop (v2sf)  }
0x38: {  	[tilespmem:s25], [sflag:$0x1] =	stream.linear.gather [hbm4b:s0+s2], $0x80, $0x38;
	[tilespmem:$0x10200] =	vst v63  }
0x39: {  	s0 =	sadd.s32 s3, s1;
	s1 =	sand.u32 $0x1FFFFFF0, s7;
	s7 =	spop (v2sf)  }
0x3a: {  	[tilespmem:s28], [sflag:$0x1] =	stream.linear.gather [hbm4b:s0+s2], $0x80, $0x38;
	[tilespmem:$0x10200] =	vst v63  }
0x3b: {  	s0 =	sadd.s32 s3, s6;
	s6 =	sand.u32 $0x1FFFFFF0, s7;
	s7 =	spop (v2sf)  }
0x3c: {  	[tilespmem:s24], [sflag:$0x1] =	stream.linear.gather [hbm4b:s0+s2], $0x80, $0x38;
	[tilespmem:$0x10200] =	vst v63  }
0x3d: {  	s0 =	sadd.s32 s3, s1;
	s1 =	sand.u32 $0x1FFFFFF0, s7;
	s7 =	spop (v2sf)  }
0x3e: {  	[tilespmem:s23], [sflag:$0x1] =	stream.linear.gather [hbm4b:s0+s2], $0x80, $0x38;
	[tilespmem:$0x10200] =	vst v63  }
0x3f: {  	s0 =	sadd.s32 s3, s6;
	s6 =	sand.u32 $0x1FFFFFF0, s7;
	s7 =	spop (v2sf)  }
0x40: {  	[tilespmem:s21], [sflag:$0x1] =	stream.linear.gather [hbm4b:s0+s2], $0x80, $0x38;
	[tilespmem:$0x10200] =	vst v63  }
0x41: {  	s0 =	sadd.s32 s3, s1;
	s1 =	sand.u32 $0x1FFFFFF0, s7  }
0x42: {  	[tilespmem:s22], [sflag:$0x1] =	stream.linear.gather [hbm4b:s0+s2], $0x80, $0x38;
	[tilespmem:$0x10200] =	vst v63  }
0x43: {  	s6 =	sadd.s32 s3, s6;
	s0 =	sadd.s32 $0x900, s17  }
0x44: {  	[tilespmem:s0], [sflag:$0x1] =	stream.linear.gather [hbm4b:s6+s2], $0x80, $0x38;
	[tilespmem:$0x10200] =	vst v63  }
0x45: {  	s1 =	sadd.s32 s3, s1;
	s0 =	sadd.s32 $0x980, s17  }
0x46: {  	[tilespmem:s0], [sflag:$0x1] =	stream.linear.gather [hbm4b:s1+s2], $0x80, $0x38;
	[tilespmem:$0x10200] =	vst v63  }
0x47: {  	v0 =	vld [tilespmem:s19+$0x0];
	_ =	sdelay $0x4  }
0x48: {  	v0 =	vshll.u32 v0, $0x4  }
0x49: {  	(v2sf) =	vpush v0, $0x0  }
0x4a: {  	(v2sf) =	vpush v0, $0x1  }
0x4b: {  	(v2sf) =	vpush v0, $0x2;
	_ =	sdelay $0x1  }
0x4c: {  	(v2sf) =	vpush v0, $0x4  }
.Ltmp0:
0x4d: {  	(pc) =	sbr.rel @p0 .LBB2_2-.Ltmp0, $3  }
0x4e: {  	(v2sf) =	vpush v0, $0x3  }
0x4f: {  	(v2sf) =	vpush v0, $0x5;
	_ =	sdelay $0x1  }
0x50: {  	s17 =	sshra.s32 s20, $0x2;
	(v2sf) =	vpush v0, $0x6  }
0x51: {  	_ =	sdelay $0x1  }
0x52: {  	s0 =	sadd.s32 $0x280, s17;
	s20 =	sadd.s32 $0x780, s17  }
0x53: {  	s1 =	sadd.s32 $0x580, s17;
	s18 =	sadd.s32 $0x800, s17;
	(v2sf) =	vpush v0, $0x7;
	s6 =	sadd.s32 $0x480, s17  }
0x54: {  	s7 =	sadd.s32 $0x600, s17;
	s19 =	sadd.s32 $0x880, s17;
	s8 =	sadd.s32 $0x200, s17  }
0x55: {  	s9 =	sadd.s32 $0x400, s17;
	s21 =	sadd.s32 $0x500, s17;
	(v2sf) =	vpush v0, $0x8;
	s22 =	spop (v2sf)  }
0x56: {  	s23 =	sadd.s32 $0x300, s17;
	s22 =	sand.u32 $0x1FFFFFF0, s22;
	s24 =	spop (v2sf)  }
0x57: {  	(v2sf) =	vpush v0, $0x9;
	s22 =	sadd.s32 s3, s22;
	s24 =	sand.u32 $0x1FFFFFF0, s24;
	s25 =	spop (v2sf)  }
0x58: {  	[tilespmem:s8], [sflag:$0x1] =	stream.linear.gather [hbm4b:s22+s2], $0x80, $0x38;
	[tilespmem:$0x10200] =	vst v63  }
0x59: {  	s26 =	sadd.s32 $0x380, s17;
	(v2sf) =	vpush v0, $0xA;
	s30 =	sadd.s32 s3, s24;
	s31 =	spop (v2sf)  }
0x5a: {  	[tilespmem:s0], [sflag:$0x1] =	stream.linear.gather [hbm4b:s30+s2], $0x80, $0x38;
	[tilespmem:$0x10200] =	vst v63  }
0x5b: {  	s8 =	sadd.s32 $0x700, s17;
	s28 =	sand.u32 $0x1FFFFFF0, s25;
	(v2sf) =	vpush v0, $0xB;
	s29 =	spop (v2sf)  }
0x5c: {  	s22 =	sadd.s32 s3, s28;
	s0 =	sadd.s32 $0x680, s17;
	s25 =	sand.u32 $0x1FFFFFF0, s29  }
0x5d: {  	(v2sf) =	vpush v0, $0xC;
	[tilespmem:s23], [sflag:$0x1] =	stream.linear.gather [hbm4b:s22+s2], $0x80, $0x38;
	[tilespmem:$0x10200] =	vst v63  }
0x5e: {  	s30 =	sand.u32 $0x1FFFFFF0, s31;
	s31 =	spop (v2sf);
	s28 =	sadd.s32 s3, s25  }
0x5f: {  	(v2sf) =	vpush v0, $0xD;
	[tilespmem:s26], [sflag:$0x1] =	stream.linear.gather [hbm4b:s28+s2], $0x80, $0x38;
	[tilespmem:$0x10200] =	vst v63  }
0x60: {  	s22 =	sadd.s32 s3, s30;
	s23 =	sand.u32 $0x1FFFFFF0, s31;
	s29 =	spop (v2sf)  }
0x61: {  	(v2sf) =	vpush v0, $0xE;
	[tilespmem:s9], [sflag:$0x1] =	stream.linear.gather [hbm4b:s22+s2], $0x80, $0x38;
	[tilespmem:$0x10200] =	vst v63  }
0x62: {  	s23 =	sadd.s32 s3, s23;
	s30 =	sand.u32 $0x1FFFFFF0, s29;
	s31 =	spop (v2sf)  }
0x63: {  	(v2sf) =	vpush v0, $0xF;
	[tilespmem:s6], [sflag:$0x1] =	stream.linear.gather [hbm4b:s23+s2], $0x80, $0x38;
	[tilespmem:$0x10200] =	vst v63  }
0x64: {  	s24 =	sand.u32 $0x1FFFFFF0, s31;
	s25 =	spop (v2sf);
	s9 =	sadd.s32 s3, s30  }
0x65: {  	[tilespmem:s21], [sflag:$0x1] =	stream.linear.gather [hbm4b:s9+s2], $0x80, $0x38;
	[tilespmem:$0x10200] =	vst v63  }
0x66: {  	s26 =	sand.u32 $0x1FFFFFF0, s25;
	s6 =	sadd.s32 s3, s24;
	s28 =	spop (v2sf)  }
0x67: {  	[tilespmem:s1], [sflag:$0x1] =	stream.linear.gather [hbm4b:s6+s2], $0x80, $0x38;
	[tilespmem:$0x10200] =	vst v63  }
0x68: {  	s9 =	sadd.s32 s3, s26;
	s29 =	sand.u32 $0x1FFFFFF0, s28;
	s30 =	spop (v2sf)  }
0x69: {  	[tilespmem:s7], [sflag:$0x1] =	stream.linear.gather [hbm4b:s9+s2], $0x80, $0x38;
	[tilespmem:$0x10200] =	vst v63  }
0x6a: {  	s6 =	sand.u32 $0x1FFFFFF0, s30;
	s1 =	sadd.s32 s3, s29;
	s31 =	spop (v2sf)  }
0x6b: {  	[tilespmem:s0], [sflag:$0x1] =	stream.linear.gather [hbm4b:s1+s2], $0x80, $0x38;
	[tilespmem:$0x10200] =	vst v63  }
0x6c: {  	s6 =	sadd.s32 s3, s6;
	s7 =	sand.u32 $0x1FFFFFF0, s31;
	s9 =	spop (v2sf)  }
0x6d: {  	[tilespmem:s8], [sflag:$0x1] =	stream.linear.gather [hbm4b:s6+s2], $0x80, $0x38;
	[tilespmem:$0x10200] =	vst v63  }
0x6e: {  	s0 =	sadd.s32 s3, s7;
	s1 =	sand.u32 $0x1FFFFFF0, s9;
	s21 =	spop (v2sf)  }
0x6f: {  	[tilespmem:s20], [sflag:$0x1] =	stream.linear.gather [hbm4b:s0+s2], $0x80, $0x38;
	[tilespmem:$0x10200] =	vst v63  }
0x70: {  	s22 =	sand.u32 $0x1FFFFFF0, s21;
	s1 =	sadd.s32 s3, s1;
	s23 =	spop (v2sf)  }
0x71: {  	[tilespmem:s18], [sflag:$0x1] =	stream.linear.gather [hbm4b:s1+s2], $0x80, $0x38;
	[tilespmem:$0x10200] =	vst v63  }
0x72: {  	s24 =	sand.u32 $0x1FFFFFF0, s23;
	s25 =	spop (v2sf);
	s0 =	sadd.s32 s3, s22  }
0x73: {  	[tilespmem:s19], [sflag:$0x1] =	stream.linear.gather [hbm4b:s0+s2], $0x80, $0x38;
	[tilespmem:$0x10200] =	vst v63  }
0x74: {  	s28 =	sadd.s32 $0x900, s17;
	s26 =	sand.u32 $0x1FFFFFF0, s25;
	s1 =	sadd.s32 s3, s24  }
0x75: {  	[tilespmem:s28], [sflag:$0x1] =	stream.linear.gather [hbm4b:s1+s2], $0x80, $0x38;
	[tilespmem:$0x10200] =	vst v63  }
0x76: {  	s29 =	sadd.s32 $0x980, s17;
	s0 =	sadd.s32 s3, s26  }
0x77: {  	[tilespmem:s29], [sflag:$0x1] =	stream.linear.gather [hbm4b:s0+s2], $0x80, $0x38;
	[tilespmem:$0x10200] =	vst v63  }
0x78: {  	_ =	swait.ge [sflag:s14], $0x10000  }
0x79: {  	[sflag:s14] =	ssyncset.done $0x0  }
0x7a: {  	s18 =	simm.s32 $0x0;
	s30 =	rddreg [dreg:$0x6];
	[sflag:s14] =	ssyncadd.s32 $0xFFFF0000  }
0x7b: {  	[hbm4b:s30+s18] =	stream.linear.scatter [tilespmem:s15], [sflag:$0x2], $0x10000, $0x38;
	[tilespmem:$0x10200] =	vst v63  }
0x7c: {  	_ =	swait.ge [sflag:s13], $0x10000  }
0x7d: {  	[sflag:s13] =	ssyncset.done $0x0  }
0x7e: {  	s31 =	rddreg [dreg:$0x7];
	[sflag:s13] =	ssyncadd.s32 $0xFFFF0000  }
0x7f: {  	[tilespmem:s18], [sflag:$0x2] =	stream.linear.gather [hbm4b:s31+s18], $0x200, $0x38;
	[tilespmem:$0x10200] =	vst v63  }
0x80: {  	_ =	swait.ge [sflag:s13], $0x200  }
0x81: {  	[sflag:s13] =	ssyncset.done $0x0  }
0x82: {  	[sflag:s13] =	ssyncadd.s32 $0xFFFFFE00  }
0x83: {  	v0 =	vld [tilespmem:s18+$0x0];
	_ =	sdelay $0x4  }
0x84: {  	v0 =	vshll.u32 v0, $0x4  }
0x85: {  	(v2sf) =	vpush v0, $0x0  }
0x86: {  	(v2sf) =	vpush v0, $0x1  }
0x87: {  	(v2sf) =	vpush v0, $0x2;
	_ =	sdelay $0x1  }
0x88: {  	(v2sf) =	vpush v0, $0x4;
	_ =	sdelay $0x1  }
0x89: {  	(v2sf) =	vpush v0, $0x3  }
0x8a: {  	(v2sf) =	vpush v0, $0x5  }
0x8b: {  	s17 =	simm.s32 $0x0;
	s19 =	simm.s32 $0x2000;
	(v2sf) =	vpush v0, $0x6  }
.LBB2_4:
0x8c: {  	p0 =	sne.s32 s19, $0x3E000  }
0x8d: {  	s0 =	sadd.s32 $0x280, s17;
	s23 =	sadd.s32 $0x780, s17;
	s20 =	smov.u32 s19  }
0x8e: {  	s19 =	sadd.s32 $0x2000, s19;
	s26 =	sadd.s32 $0x580, s17;
	s21 =	sadd.s32 $0x800, s17;
	(v2sf) =	vpush v0, $0x7  }
0x8f: {  	s29 =	sadd.s32 $0x480, s17;
	s25 =	sadd.s32 $0x600, s17;
	s22 =	sadd.s32 $0x880, s17  }
0x90: {  	s1 =	sadd.s32 $0x200, s17;
	s6 =	sadd.s32 $0x400, s17;
	(v2sf) =	vpush v0, $0x8  }
0x91: {  	s7 =	sadd.s32 $0x500, s17;
	s18 =	sadd.s32 $0x10, s18  }
0x92: {  	s8 =	sadd.s32 $0x300, s17;
	s24 =	sadd.s32 $0x700, s17;
	s9 =	spop (v2sf);
	(v2sf) =	vpush v0, $0x9  }
0x93: {  	s28 =	sadd.s32 $0x680, s17;
	s9 =	sand.u32 $0x1FFFFFF0, s9;
	s30 =	spop (v2sf)  }
0x94: {  	s9 =	sadd.s32 s4, s9;
	s30 =	sand.u32 $0x1FFFFFF0, s30;
	s31 =	spop (v2sf);
	(v2sf) =	vpush v0, $0xA  }
0x95: {  	[tilespmem:s1], [sflag:$0x1] =	stream.linear.gather [hbm4b:s9+s2], $0x80, $0x38;
	[tilespmem:$0x10200] =	vst v63  }
0x96: {  	s1 =	sadd.s32 s4, s30;
	s9 =	sadd.s32 $0x380, s17;
	s30 =	spop (v2sf);
	(v2sf) =	vpush v0, $0xB  }
0x97: {  	[tilespmem:s0], [sflag:$0x1] =	stream.linear.gather [hbm4b:s1+s2], $0x80, $0x38;
	[tilespmem:$0x10200] =	vst v63  }
0x98: {  	s0 =	sand.u32 $0x1FFFFFF0, s31;
	s1 =	sand.u32 $0x1FFFFFF0, s30;
	s30 =	spop (v2sf);
	(v2sf) =	vpush v0, $0xC  }
0x99: {  	s0 =	sadd.s32 s4, s0;
	s30 =	sand.u32 $0x1FFFFFF0, s30;
	s31 =	spop (v2sf)  }
0x9a: {  	[tilespmem:s8], [sflag:$0x1] =	stream.linear.gather [hbm4b:s0+s2], $0x80, $0x38;
	(v2sf) =	vpush v0, $0xD;
	[tilespmem:$0x10200] =	vst v63  }
0x9b: {  	s0 =	sadd.s32 s4, s30;
	s8 =	sand.u32 $0x1FFFFFF0, s31;
	s30 =	spop (v2sf)  }
0x9c: {  	[tilespmem:s9], [sflag:$0x1] =	stream.linear.gather [hbm4b:s0+s2], $0x80, $0x38;
	(v2sf) =	vpush v0, $0xE;
	[tilespmem:$0x10200] =	vst v63  }
0x9d: {  	s0 =	sadd.s32 s4, s1;
	s1 =	sand.u32 $0x1FFFFFF0, s30;
	s9 =	spop (v2sf)  }
0x9e: {  	[tilespmem:s6], [sflag:$0x1] =	stream.linear.gather [hbm4b:s0+s2], $0x80, $0x38;
	(v2sf) =	vpush v0, $0xF;
	[tilespmem:$0x10200] =	vst v63  }
0x9f: {  	s0 =	sadd.s32 s4, s8;
	s6 =	sand.u32 $0x1FFFFFF0, s9;
	s8 =	spop (v2sf)  }
0xa0: {  	[tilespmem:s29], [sflag:$0x1] =	stream.linear.gather [hbm4b:s0+s2], $0x80, $0x38;
	[tilespmem:$0x10200] =	vst v63  }
0xa1: {  	s0 =	sadd.s32 s4, s1;
	s1 =	sand.u32 $0x1FFFFFF0, s8;
	s8 =	spop (v2sf)  }
0xa2: {  	[tilespmem:s7], [sflag:$0x1] =	stream.linear.gather [hbm4b:s0+s2], $0x80, $0x38;
	[tilespmem:$0x10200] =	vst v63  }
0xa3: {  	s0 =	sadd.s32 s4, s6;
	s6 =	sand.u32 $0x1FFFFFF0, s8;
	s7 =	spop (v2sf)  }
0xa4: {  	[tilespmem:s26], [sflag:$0x1] =	stream.linear.gather [hbm4b:s0+s2], $0x80, $0x38;
	[tilespmem:$0x10200] =	vst v63  }
0xa5: {  	s0 =	sadd.s32 s4, s1;
	s1 =	sand.u32 $0x1FFFFFF0, s7;
	s7 =	spop (v2sf)  }
0xa6: {  	[tilespmem:s25], [sflag:$0x1] =	stream.linear.gather [hbm4b:s0+s2], $0x80, $0x38;
	[tilespmem:$0x10200] =	vst v63  }
0xa7: {  	s0 =	sadd.s32 s4, s6;
	s6 =	sand.u32 $0x1FFFFFF0, s7;
	s7 =	spop (v2sf)  }
0xa8: {  	[tilespmem:s28], [sflag:$0x1] =	stream.linear.gather [hbm4b:s0+s2], $0x80, $0x38;
	[tilespmem:$0x10200] =	vst v63  }
0xa9: {  	s0 =	sadd.s32 s4, s1;
	s1 =	sand.u32 $0x1FFFFFF0, s7;
	s7 =	spop (v2sf)  }
0xaa: {  	[tilespmem:s24], [sflag:$0x1] =	stream.linear.gather [hbm4b:s0+s2], $0x80, $0x38;
	[tilespmem:$0x10200] =	vst v63  }
0xab: {  	s0 =	sadd.s32 s4, s6;
	s6 =	sand.u32 $0x1FFFFFF0, s7;
	s7 =	spop (v2sf)  }
0xac: {  	[tilespmem:s23], [sflag:$0x1] =	stream.linear.gather [hbm4b:s0+s2], $0x80, $0x38;
	[tilespmem:$0x10200] =	vst v63  }
0xad: {  	s0 =	sadd.s32 s4, s1;
	s1 =	sand.u32 $0x1FFFFFF0, s7;
	s7 =	spop (v2sf)  }
0xae: {  	[tilespmem:s21], [sflag:$0x1] =	stream.linear.gather [hbm4b:s0+s2], $0x80, $0x38;
	[tilespmem:$0x10200] =	vst v63  }
0xaf: {  	s0 =	sadd.s32 s4, s6;
	s6 =	sand.u32 $0x1FFFFFF0, s7  }
0xb0: {  	[tilespmem:s22], [sflag:$0x1] =	stream.linear.gather [hbm4b:s0+s2], $0x80, $0x38;
	[tilespmem:$0x10200] =	vst v63  }
0xb1: {  	s1 =	sadd.s32 s4, s1;
	s0 =	sadd.s32 $0x900, s17  }
0xb2: {  	[tilespmem:s0], [sflag:$0x1] =	stream.linear.gather [hbm4b:s1+s2], $0x80, $0x38;
	[tilespmem:$0x10200] =	vst v63  }
0xb3: {  	s0 =	sadd.s32 $0x980, s17;
	s1 =	sadd.s32 s4, s6  }
0xb4: {  	[tilespmem:s0], [sflag:$0x1] =	stream.linear.gather [hbm4b:s1+s2], $0x80, $0x38;
	[tilespmem:$0x10200] =	vst v63  }
0xb5: {  	v0 =	vld [tilespmem:s18+$0x0];
	_ =	sdelay $0x4  }
0xb6: {  	v0 =	vshll.u32 v0, $0x4  }
0xb7: {  	(v2sf) =	vpush v0, $0x0  }
0xb8: {  	(v2sf) =	vpush v0, $0x1  }
0xb9: {  	(v2sf) =	vpush v0, $0x2;
	_ =	sdelay $0x1  }
0xba: {  	(v2sf) =	vpush v0, $0x4  }
.Ltmp1:
0xbb: {  	(pc) =	sbr.rel @p0 .LBB2_4-.Ltmp1, $3  }
0xbc: {  	(v2sf) =	vpush v0, $0x3  }
0xbd: {  	(v2sf) =	vpush v0, $0x5;
	_ =	sdelay $0x1  }
0xbe: {  	s17 =	sshra.s32 s20, $0x2;
	(v2sf) =	vpush v0, $0x6  }
0xbf: {  	_ =	sdelay $0x1  }
0xc0: {  	s0 =	sadd.s32 $0x280, s17;
	s20 =	sadd.s32 $0x780, s17  }
0xc1: {  	s1 =	sadd.s32 $0x580, s17;
	s18 =	sadd.s32 $0x800, s17;
	(v2sf) =	vpush v0, $0x7;
	s6 =	sadd.s32 $0x480, s17  }
0xc2: {  	s7 =	sadd.s32 $0x600, s17;
	s19 =	sadd.s32 $0x880, s17;
	s8 =	sadd.s32 $0x200, s17  }
0xc3: {  	s9 =	sadd.s32 $0x400, s17;
	s21 =	sadd.s32 $0x500, s17;
	(v2sf) =	vpush v0, $0x8;
	s22 =	spop (v2sf)  }
0xc4: {  	s23 =	sadd.s32 $0x300, s17;
	s22 =	sand.u32 $0x1FFFFFF0, s22;
	s24 =	spop (v2sf)  }
0xc5: {  	(v2sf) =	vpush v0, $0x9;
	s22 =	sadd.s32 s4, s22;
	s24 =	sand.u32 $0x1FFFFFF0, s24;
	s25 =	spop (v2sf)  }
0xc6: {  	[tilespmem:s8], [sflag:$0x1] =	stream.linear.gather [hbm4b:s22+s2], $0x80, $0x38;
	[tilespmem:$0x10200] =	vst v63  }
0xc7: {  	s26 =	sadd.s32 $0x380, s17;
	(v2sf) =	vpush v0, $0xA;
	s30 =	sadd.s32 s4, s24;
	s31 =	spop (v2sf)  }
0xc8: {  	[tilespmem:s0], [sflag:$0x1] =	stream.linear.gather [hbm4b:s30+s2], $0x80, $0x38;
	[tilespmem:$0x10200] =	vst v63  }
0xc9: {  	s8 =	sadd.s32 $0x700, s17;
	s28 =	sand.u32 $0x1FFFFFF0, s25;
	(v2sf) =	vpush v0, $0xB;
	s29 =	spop (v2sf)  }
0xca: {  	s22 =	sadd.s32 s4, s28;
	s0 =	sadd.s32 $0x680, s17;
	s25 =	sand.u32 $0x1FFFFFF0, s29  }
0xcb: {  	(v2sf) =	vpush v0, $0xC;
	[tilespmem:s23], [sflag:$0x1] =	stream.linear.gather [hbm4b:s22+s2], $0x80, $0x38;
	[tilespmem:$0x10200] =	vst v63  }
0xcc: {  	s30 =	sand.u32 $0x1FFFFFF0, s31;
	s31 =	spop (v2sf);
	s28 =	sadd.s32 s4, s25  }
0xcd: {  	(v2sf) =	vpush v0, $0xD;
	[tilespmem:s26], [sflag:$0x1] =	stream.linear.gather [hbm4b:s28+s2], $0x80, $0x38;
	[tilespmem:$0x10200] =	vst v63  }
0xce: {  	s22 =	sadd.s32 s4, s30;
	s23 =	sand.u32 $0x1FFFFFF0, s31;
	s29 =	spop (v2sf)  }
0xcf: {  	(v2sf) =	vpush v0, $0xE;
	[tilespmem:s9], [sflag:$0x1] =	stream.linear.gather [hbm4b:s22+s2], $0x80, $0x38;
	[tilespmem:$0x10200] =	vst v63  }
0xd0: {  	s23 =	sadd.s32 s4, s23;
	s30 =	sand.u32 $0x1FFFFFF0, s29;
	s31 =	spop (v2sf)  }
0xd1: {  	(v2sf) =	vpush v0, $0xF;
	[tilespmem:s6], [sflag:$0x1] =	stream.linear.gather [hbm4b:s23+s2], $0x80, $0x38;
	[tilespmem:$0x10200] =	vst v63  }
0xd2: {  	s24 =	sand.u32 $0x1FFFFFF0, s31;
	s25 =	spop (v2sf);
	s9 =	sadd.s32 s4, s30  }
0xd3: {  	[tilespmem:s21], [sflag:$0x1] =	stream.linear.gather [hbm4b:s9+s2], $0x80, $0x38;
	[tilespmem:$0x10200] =	vst v63  }
0xd4: {  	s26 =	sand.u32 $0x1FFFFFF0, s25;
	s6 =	sadd.s32 s4, s24;
	s28 =	spop (v2sf)  }
0xd5: {  	[tilespmem:s1], [sflag:$0x1] =	stream.linear.gather [hbm4b:s6+s2], $0x80, $0x38;
	[tilespmem:$0x10200] =	vst v63  }
0xd6: {  	s9 =	sadd.s32 s4, s26;
	s29 =	sand.u32 $0x1FFFFFF0, s28;
	s30 =	spop (v2sf)  }
0xd7: {  	[tilespmem:s7], [sflag:$0x1] =	stream.linear.gather [hbm4b:s9+s2], $0x80, $0x38;
	[tilespmem:$0x10200] =	vst v63  }
0xd8: {  	s6 =	sand.u32 $0x1FFFFFF0, s30;
	s1 =	sadd.s32 s4, s29;
	s31 =	spop (v2sf)  }
0xd9: {  	[tilespmem:s0], [sflag:$0x1] =	stream.linear.gather [hbm4b:s1+s2], $0x80, $0x38;
	[tilespmem:$0x10200] =	vst v63  }
0xda: {  	s6 =	sadd.s32 s4, s6;
	s9 =	sand.u32 $0x1FFFFFF0, s31;
	s21 =	spop (v2sf)  }
0xdb: {  	[tilespmem:s8], [sflag:$0x1] =	stream.linear.gather [hbm4b:s6+s2], $0x80, $0x38;
	[tilespmem:$0x10200] =	vst v63  }
0xdc: {  	s0 =	sadd.s32 s4, s9;
	s1 =	sand.u32 $0x1FFFFFF0, s21;
	s22 =	spop (v2sf)  }
0xdd: {  	[tilespmem:s20], [sflag:$0x1] =	stream.linear.gather [hbm4b:s0+s2], $0x80, $0x38;
	[tilespmem:$0x10200] =	vst v63  }
0xde: {  	s23 =	sand.u32 $0x1FFFFFF0, s22;
	s1 =	sadd.s32 s4, s1;
	s24 =	spop (v2sf)  }
0xdf: {  	[tilespmem:s18], [sflag:$0x1] =	stream.linear.gather [hbm4b:s1+s2], $0x80, $0x38;
	[tilespmem:$0x10200] =	vst v63  }
0xe0: {  	s25 =	sand.u32 $0x1FFFFFF0, s24;
	s26 =	spop (v2sf);
	s0 =	sadd.s32 s4, s23  }
0xe1: {  	[tilespmem:s19], [sflag:$0x1] =	stream.linear.gather [hbm4b:s0+s2], $0x80, $0x38;
	[tilespmem:$0x10200] =	vst v63  }
0xe2: {  	s29 =	sadd.s32 $0x900, s17;
	s28 =	sand.u32 $0x1FFFFFF0, s26;
	s1 =	sadd.s32 s4, s25  }
0xe3: {  	[tilespmem:s29], [sflag:$0x1] =	stream.linear.gather [hbm4b:s1+s2], $0x80, $0x38;
	[tilespmem:$0x10200] =	vst v63  }
0xe4: {  	s30 =	sadd.s32 $0x980, s17;
	s0 =	sadd.s32 s4, s28  }
0xe5: {  	[tilespmem:s30], [sflag:$0x1] =	stream.linear.gather [hbm4b:s0+s2], $0x80, $0x38;
	[tilespmem:$0x10200] =	vst v63  }
0xe6: {  	_ =	swait.ge [sflag:s14], $0x10000  }
0xe7: {  	[sflag:s14] =	ssyncset.done $0x0  }
0xe8: {  	s18 =	simm.s32 $0x0;
	s31 =	rddreg [dreg:$0x8];
	[sflag:s14] =	ssyncadd.s32 $0xFFFF0000  }
0xe9: {  	[hbm4b:s31+s18] =	stream.linear.scatter [tilespmem:s15], [sflag:$0x2], $0x10000, $0x38;
	[tilespmem:$0x10200] =	vst v63  }
0xea: {  	_ =	swait.ge [sflag:s13], $0x10000  }
0xeb: {  	[sflag:s13] =	ssyncset.done $0x0  }
0xec: {  	[sflag:s13] =	ssyncadd.s32 $0xFFFF0000  }
0xed: {  	[tilespmem:s18], [sflag:$0x2] =	stream.linear.gather [hbm4b:s10+s18], $0x200, $0x38;
	[tilespmem:$0x10200] =	vst v63  }
0xee: {  	_ =	swait.ge [sflag:s13], $0x200  }
0xef: {  	[sflag:s13] =	ssyncset.done $0x0  }
0xf0: {  	[sflag:s13] =	ssyncadd.s32 $0xFFFFFE00  }
0xf1: {  	v0 =	vld [tilespmem:s18+$0x0];
	_ =	sdelay $0x4  }
0xf2: {  	v0 =	vshll.u32 v0, $0x4  }
0xf3: {  	(v2sf) =	vpush v0, $0x0  }
0xf4: {  	(v2sf) =	vpush v0, $0x1  }
0xf5: {  	(v2sf) =	vpush v0, $0x2;
	_ =	sdelay $0x1  }
0xf6: {  	(v2sf) =	vpush v0, $0x4;
	_ =	sdelay $0x1  }
0xf7: {  	(v2sf) =	vpush v0, $0x3  }
0xf8: {  	(v2sf) =	vpush v0, $0x5  }
0xf9: {  	s17 =	simm.s32 $0x0;
	s19 =	simm.s32 $0x2000;
	(v2sf) =	vpush v0, $0x6  }
.LBB2_6:
0xfa: {  	p0 =	sne.s32 s19, $0x3E000  }
0xfb: {  	s0 =	sadd.s32 $0x280, s17;
	s23 =	sadd.s32 $0x780, s17;
	s20 =	smov.u32 s19  }
0xfc: {  	s19 =	sadd.s32 $0x2000, s19;
	s26 =	sadd.s32 $0x580, s17;
	s21 =	sadd.s32 $0x800, s17;
	(v2sf) =	vpush v0, $0x7  }
0xfd: {  	s29 =	sadd.s32 $0x480, s17;
	s25 =	sadd.s32 $0x600, s17;
	s22 =	sadd.s32 $0x880, s17  }
0xfe: {  	s1 =	sadd.s32 $0x200, s17;
	s6 =	sadd.s32 $0x400, s17;
	(v2sf) =	vpush v0, $0x8  }
0xff: {  	s7 =	sadd.s32 $0x500, s17;
	s18 =	sadd.s32 $0x10, s18  }
0x100: {  	s8 =	sadd.s32 $0x300, s17;
	s24 =	sadd.s32 $0x700, s17;
	s9 =	spop (v2sf);
	(v2sf) =	vpush v0, $0x9  }
0x101: {  	s28 =	sadd.s32 $0x680, s17;
	s9 =	sand.u32 $0x1FFFFFF0, s9;
	s30 =	spop (v2sf)  }
0x102: {  	s9 =	sadd.s32 s5, s9;
	s30 =	sand.u32 $0x1FFFFFF0, s30;
	s31 =	spop (v2sf);
	(v2sf) =	vpush v0, $0xA  }
0x103: {  	[tilespmem:s1], [sflag:$0x1] =	stream.linear.gather [hbm4b:s9+s2], $0x80, $0x38;
	[tilespmem:$0x10200] =	vst v63  }
0x104: {  	s1 =	sadd.s32 s5, s30;
	s9 =	sadd.s32 $0x380, s17;
	s30 =	spop (v2sf);
	(v2sf) =	vpush v0, $0xB  }
0x105: {  	[tilespmem:s0], [sflag:$0x1] =	stream.linear.gather [hbm4b:s1+s2], $0x80, $0x38;
	[tilespmem:$0x10200] =	vst v63  }
0x106: {  	s0 =	sand.u32 $0x1FFFFFF0, s31;
	s1 =	sand.u32 $0x1FFFFFF0, s30;
	s30 =	spop (v2sf);
	(v2sf) =	vpush v0, $0xC  }
0x107: {  	s0 =	sadd.s32 s5, s0;
	s30 =	sand.u32 $0x1FFFFFF0, s30;
	s31 =	spop (v2sf)  }
0x108: {  	[tilespmem:s8], [sflag:$0x1] =	stream.linear.gather [hbm4b:s0+s2], $0x80, $0x38;
	(v2sf) =	vpush v0, $0xD;
	[tilespmem:$0x10200] =	vst v63  }
0x109: {  	s0 =	sadd.s32 s5, s30;
	s8 =	sand.u32 $0x1FFFFFF0, s31;
	s30 =	spop (v2sf)  }
0x10a: {  	[tilespmem:s9], [sflag:$0x1] =	stream.linear.gather [hbm4b:s0+s2], $0x80, $0x38;
	(v2sf) =	vpush v0, $0xE;
	[tilespmem:$0x10200] =	vst v63  }
0x10b: {  	s0 =	sadd.s32 s5, s1;
	s1 =	sand.u32 $0x1FFFFFF0, s30;
	s9 =	spop (v2sf)  }
0x10c: {  	[tilespmem:s6], [sflag:$0x1] =	stream.linear.gather [hbm4b:s0+s2], $0x80, $0x38;
	(v2sf) =	vpush v0, $0xF;
	[tilespmem:$0x10200] =	vst v63  }
0x10d: {  	s0 =	sadd.s32 s5, s8;
	s6 =	sand.u32 $0x1FFFFFF0, s9;
	s8 =	spop (v2sf)  }
0x10e: {  	[tilespmem:s29], [sflag:$0x1] =	stream.linear.gather [hbm4b:s0+s2], $0x80, $0x38;
	[tilespmem:$0x10200] =	vst v63  }
0x10f: {  	s0 =	sadd.s32 s5, s1;
	s1 =	sand.u32 $0x1FFFFFF0, s8;
	s8 =	spop (v2sf)  }
0x110: {  	[tilespmem:s7], [sflag:$0x1] =	stream.linear.gather [hbm4b:s0+s2], $0x80, $0x38;
	[tilespmem:$0x10200] =	vst v63  }
0x111: {  	s0 =	sadd.s32 s5, s6;
	s6 =	sand.u32 $0x1FFFFFF0, s8;
	s7 =	spop (v2sf)  }
0x112: {  	[tilespmem:s26], [sflag:$0x1] =	stream.linear.gather [hbm4b:s0+s2], $0x80, $0x38;
	[tilespmem:$0x10200] =	vst v63  }
0x113: {  	s0 =	sadd.s32 s5, s1;
	s1 =	sand.u32 $0x1FFFFFF0, s7;
	s7 =	spop (v2sf)  }
0x114: {  	[tilespmem:s25], [sflag:$0x1] =	stream.linear.gather [hbm4b:s0+s2], $0x80, $0x38;
	[tilespmem:$0x10200] =	vst v63  }
0x115: {  	s0 =	sadd.s32 s5, s6;
	s6 =	sand.u32 $0x1FFFFFF0, s7;
	s7 =	spop (v2sf)  }
0x116: {  	[tilespmem:s28], [sflag:$0x1] =	stream.linear.gather [hbm4b:s0+s2], $0x80, $0x38;
	[tilespmem:$0x10200] =	vst v63  }
0x117: {  	s0 =	sadd.s32 s5, s1;
	s1 =	sand.u32 $0x1FFFFFF0, s7;
	s7 =	spop (v2sf)  }
0x118: {  	[tilespmem:s24], [sflag:$0x1] =	stream.linear.gather [hbm4b:s0+s2], $0x80, $0x38;
	[tilespmem:$0x10200] =	vst v63  }
0x119: {  	s0 =	sadd.s32 s5, s6;
	s6 =	sand.u32 $0x1FFFFFF0, s7;
	s7 =	spop (v2sf)  }
0x11a: {  	[tilespmem:s23], [sflag:$0x1] =	stream.linear.gather [hbm4b:s0+s2], $0x80, $0x38;
	[tilespmem:$0x10200] =	vst v63  }
0x11b: {  	s0 =	sadd.s32 s5, s1;
	s1 =	sand.u32 $0x1FFFFFF0, s7;
	s7 =	spop (v2sf)  }
0x11c: {  	[tilespmem:s21], [sflag:$0x1] =	stream.linear.gather [hbm4b:s0+s2], $0x80, $0x38;
	[tilespmem:$0x10200] =	vst v63  }
0x11d: {  	s0 =	sadd.s32 s5, s6;
	s6 =	sand.u32 $0x1FFFFFF0, s7  }
0x11e: {  	[tilespmem:s22], [sflag:$0x1] =	stream.linear.gather [hbm4b:s0+s2], $0x80, $0x38;
	[tilespmem:$0x10200] =	vst v63  }
0x11f: {  	s1 =	sadd.s32 s5, s1;
	s0 =	sadd.s32 $0x900, s17  }
0x120: {  	[tilespmem:s0], [sflag:$0x1] =	stream.linear.gather [hbm4b:s1+s2], $0x80, $0x38;
	[tilespmem:$0x10200] =	vst v63  }
0x121: {  	s0 =	sadd.s32 $0x980, s17;
	s1 =	sadd.s32 s5, s6  }
0x122: {  	[tilespmem:s0], [sflag:$0x1] =	stream.linear.gather [hbm4b:s1+s2], $0x80, $0x38;
	[tilespmem:$0x10200] =	vst v63  }
0x123: {  	v0 =	vld [tilespmem:s18+$0x0];
	_ =	sdelay $0x4  }
0x124: {  	v0 =	vshll.u32 v0, $0x4  }
0x125: {  	(v2sf) =	vpush v0, $0x0  }
0x126: {  	(v2sf) =	vpush v0, $0x1  }
0x127: {  	(v2sf) =	vpush v0, $0x2;
	_ =	sdelay $0x1  }
0x128: {  	(v2sf) =	vpush v0, $0x4  }
.Ltmp2:
0x129: {  	(pc) =	sbr.rel @p0 .LBB2_6-.Ltmp2, $3  }
0x12a: {  	(v2sf) =	vpush v0, $0x3  }
0x12b: {  	(v2sf) =	vpush v0, $0x5;
	_ =	sdelay $0x1  }
0x12c: {  	s17 =	sshra.s32 s20, $0x2;
	(v2sf) =	vpush v0, $0x6  }
0x12d: {  	_ =	sdelay $0x1  }
0x12e: {  	s0 =	sadd.s32 $0x280, s17;
	s20 =	sadd.s32 $0x780, s17  }
0x12f: {  	s1 =	sadd.s32 $0x580, s17;
	s18 =	sadd.s32 $0x800, s17;
	(v2sf) =	vpush v0, $0x7;
	s6 =	sadd.s32 $0x480, s17  }
0x130: {  	s7 =	sadd.s32 $0x600, s17;
	s19 =	sadd.s32 $0x880, s17;
	s8 =	sadd.s32 $0x200, s17  }
0x131: {  	s9 =	sadd.s32 $0x400, s17;
	s21 =	sadd.s32 $0x500, s17;
	(v2sf) =	vpush v0, $0x8;
	s22 =	spop (v2sf)  }
0x132: {  	s23 =	sadd.s32 $0x300, s17;
	s22 =	sand.u32 $0x1FFFFFF0, s22;
	s24 =	spop (v2sf)  }
0x133: {  	(v2sf) =	vpush v0, $0x9;
	s22 =	sadd.s32 s5, s22;
	s24 =	sand.u32 $0x1FFFFFF0, s24;
	s25 =	spop (v2sf)  }
0x134: {  	[tilespmem:s8], [sflag:$0x1] =	stream.linear.gather [hbm4b:s22+s2], $0x80, $0x38;
	[tilespmem:$0x10200] =	vst v63  }
0x135: {  	(v2sf) =	vpush v0, $0xA;
	s26 =	sadd.s32 s5, s24;
	s29 =	sand.u32 $0x1FFFFFF0, s25;
	s28 =	spop (v2sf)  }
0x136: {  	[tilespmem:s0], [sflag:$0x1] =	stream.linear.gather [hbm4b:s26+s2], $0x80, $0x38;
	[tilespmem:$0x10200] =	vst v63  }
0x137: {  	s8 =	sadd.s32 $0x700, s17;
	(v2sf) =	vpush v0, $0xB;
	s22 =	sadd.s32 s5, s29;
	s30 =	spop (v2sf)  }
0x138: {  	s0 =	sadd.s32 $0x680, s17;
	s26 =	sadd.s32 $0x380, s17;
	s25 =	sand.u32 $0x1FFFFFF0, s30  }
0x139: {  	(v2sf) =	vpush v0, $0xC;
	[tilespmem:s23], [sflag:$0x1] =	stream.linear.gather [hbm4b:s22+s2], $0x80, $0x38;
	[tilespmem:$0x10200] =	vst v63  }
0x13a: {  	s31 =	sand.u32 $0x1FFFFFF0, s28;
	s28 =	spop (v2sf);
	s29 =	sadd.s32 s5, s25  }
0x13b: {  	(v2sf) =	vpush v0, $0xD;
	[tilespmem:s26], [sflag:$0x1] =	stream.linear.gather [hbm4b:s29+s2], $0x80, $0x38;
	[tilespmem:$0x10200] =	vst v63  }
0x13c: {  	s22 =	sadd.s32 s5, s31;
	s23 =	sand.u32 $0x1FFFFFF0, s28;
	s30 =	spop (v2sf)  }
0x13d: {  	(v2sf) =	vpush v0, $0xE;
	[tilespmem:s9], [sflag:$0x1] =	stream.linear.gather [hbm4b:s22+s2], $0x80, $0x38;
	[tilespmem:$0x10200] =	vst v63  }
0x13e: {  	s23 =	sadd.s32 s5, s23;
	s31 =	sand.u32 $0x1FFFFFF0, s30;
	s24 =	spop (v2sf)  }
0x13f: {  	(v2sf) =	vpush v0, $0xF;
	[tilespmem:s6], [sflag:$0x1] =	stream.linear.gather [hbm4b:s23+s2], $0x80, $0x38;
	[tilespmem:$0x10200] =	vst v63  }
0x140: {  	s25 =	sand.u32 $0x1FFFFFF0, s24;
	s26 =	spop (v2sf);
	s9 =	sadd.s32 s5, s31  }
0x141: {  	[tilespmem:s21], [sflag:$0x1] =	stream.linear.gather [hbm4b:s9+s2], $0x80, $0x38;
	[tilespmem:$0x10200] =	vst v63  }
0x142: {  	s28 =	sand.u32 $0x1FFFFFF0, s26;
	s6 =	sadd.s32 s5, s25;
	s29 =	spop (v2sf)  }
0x143: {  	[tilespmem:s1], [sflag:$0x1] =	stream.linear.gather [hbm4b:s6+s2], $0x80, $0x38;
	[tilespmem:$0x10200] =	vst v63  }
0x144: {  	s9 =	sadd.s32 s5, s28;
	s30 =	sand.u32 $0x1FFFFFF0, s29;
	s31 =	spop (v2sf)  }
0x145: {  	[tilespmem:s7], [sflag:$0x1] =	stream.linear.gather [hbm4b:s9+s2], $0x80, $0x38;
	[tilespmem:$0x10200] =	vst v63  }
0x146: {  	s6 =	sand.u32 $0x1FFFFFF0, s31;
	s1 =	sadd.s32 s5, s30;
	s9 =	spop (v2sf)  }
0x147: {  	[tilespmem:s0], [sflag:$0x1] =	stream.linear.gather [hbm4b:s1+s2], $0x80, $0x38;
	[tilespmem:$0x10200] =	vst v63  }
0x148: {  	s6 =	sadd.s32 s5, s6;
	s21 =	sand.u32 $0x1FFFFFF0, s9;
	s22 =	spop (v2sf)  }
0x149: {  	[tilespmem:s8], [sflag:$0x1] =	stream.linear.gather [hbm4b:s6+s2], $0x80, $0x38;
	[tilespmem:$0x10200] =	vst v63  }
0x14a: {  	s0 =	sadd.s32 s5, s21;
	s1 =	sand.u32 $0x1FFFFFF0, s22;
	s23 =	spop (v2sf)  }
0x14b: {  	[tilespmem:s20], [sflag:$0x1] =	stream.linear.gather [hbm4b:s0+s2], $0x80, $0x38;
	[tilespmem:$0x10200] =	vst v63  }
0x14c: {  	s24 =	sand.u32 $0x1FFFFFF0, s23;
	s1 =	sadd.s32 s5, s1;
	s25 =	spop (v2sf)  }
0x14d: {  	[tilespmem:s18], [sflag:$0x1] =	stream.linear.gather [hbm4b:s1+s2], $0x80, $0x38;
	[tilespmem:$0x10200] =	vst v63  }
0x14e: {  	s26 =	sand.u32 $0x1FFFFFF0, s25;
	s28 =	spop (v2sf);
	s0 =	sadd.s32 s5, s24  }
0x14f: {  	[tilespmem:s19], [sflag:$0x1] =	stream.linear.gather [hbm4b:s0+s2], $0x80, $0x38;
	[tilespmem:$0x10200] =	vst v63  }
0x150: {  	s30 =	sadd.s32 $0x900, s17;
	s29 =	sand.u32 $0x1FFFFFF0, s28;
	s1 =	sadd.s32 s5, s26  }
0x151: {  	[tilespmem:s30], [sflag:$0x1] =	stream.linear.gather [hbm4b:s1+s2], $0x80, $0x38;
	[tilespmem:$0x10200] =	vst v63  }
0x152: {  	s31 =	sadd.s32 $0x980, s17;
	s0 =	sadd.s32 s5, s29  }
0x153: {  	[tilespmem:s31], [sflag:$0x1] =	stream.linear.gather [hbm4b:s0+s2], $0x80, $0x38;
	[tilespmem:$0x10200] =	vst v63  }
0x154: {  	s16 =	sadd.s32 $0x1, s16;
	_ =	swait.ge [sflag:s14], $0x10000  }
0x155: {  	p0 =	sne.s32 s16, s12;
	[sflag:s14] =	ssyncset.done $0x0  }
.Ltmp3:
0x156: {  	[sflag:s14] =	ssyncadd.s32 $0xFFFF0000;
	(pc) =	sbr.rel @p0 .LBB2_1-.Ltmp3, $4  }
0x157: {  	[hbm4b:s11+s2] =	stream.linear.scatter [tilespmem:s15], [sflag:$0x2], $0x10000, $0x38;
	[tilespmem:$0x10200] =	vst v63  }
0x158: {  	_ =	swait.ge [sflag:s13], $0x10000  }
0x159: {  	[sflag:s13] =	ssyncset.done $0x0  }
0x15a: {  	[sflag:s13] =	ssyncadd.s32 $0xFFFF0000  }
0x15b: {  	_ =	sfence.sel $0x180000  }
0x15c: {  	[bflag:$0x0] =	sbarrier.arrive $0xFFFF  }
0x15d: {  	_ =	strace $0x9000004A  }
0x15e: {  	s0 =	stileid.u32;
	[bflag:$0x2] =	sbarrier.arrive $0xFFFF  }
0x15f: {  	p0 =	sne.s32 s0, $0x0;
	s0 =	rddreg [dreg:$0x4]  }
0x160: {  	s0 =	sadd.s32 @!p0 $0x100000, s0  }
0x161: {  	[sflag:s0] =	ssyncadd.tile.s32 @!p0 $0x1;
	_ =	shalt  }
.Lfunc_end2:
_tile_overlayer_lowered:
.L_overlay_start_2:
0x162: {  	(tag) =	ssettag $0x2  }
0x163: {  	s0 =	rddreg [dreg:$0x0];
	s2 =	stileid.u32  }
0x164: {  	s1 =	rddreg [dreg:$0x1];
	p0 =	sne.s32 s2, $0x0  }
0x165: {  	s3 =	rddreg [dreg:$0x2];
	[bflag:$0x3] =	sbarrier.arrive $0xFFFF;
	s2 =	simm.s32 @!p0 $0x1C02  }
0x166: {  	[timem:s3], [sflag:s2] =	dma.local @!p0 [hbm:s0], s1  }
0x167: {  	s0 =	simm.s32 @!p0 $0x2  }
0x168: {  	_ =	swait.ge @!p0 [sflag:s0], s1  }
0x169: {  	s1 =	ssub.s32 @!p0 $0x0, s1;
	[sflag:s0] =	ssyncset.done @!p0 $0x0  }
0x16a: {  	[sflag:s0] =	ssyncadd.s32 @!p0 s1  }
0x16b: {  	[bflag:$0x3] =	sbarrier.arrive $0xFFFF  }
0x16c: {  	_ =	shalt  }

// kernel: kernel.8.cloned.1.call-start
scs
__scs_entry_jumppad:
0x0: {  	(pc) =	sbr.rel $0x88, $3  }
0x1: {  	(tag) =	ssettag $0x0;
	lr =	simm.s32 $0x1  }
0x2: {  	[smem:$0x3F8D] =	sst lr;
	_ =	strace $0xD0000000  }
0x3: {  	_ = 	snop  }
0x4: {  	_ = 	snop  }
0x5: {  	_ = 	snop  }
0x6: {  	_ = 	snop  }
0x7: {  	_ = 	snop  }
__scs_overlays_trampoline_lowered:
0x8: {  	[smem:$0x3F9C] =	sst s0  }
0x9: {  	[smem:$0x3F9D] =	sst s1  }
0xa: {  	[smem:$0x3F9E] =	sst s2  }
0xb: {  	[smem:$0x3F9F] =	sst s3  }
0xc: {  	[smem:$0x3FA0] =	sst s4  }
0xd: {  	[smem:$0x3FA1] =	sst s5  }
0xe: {  	[smem:$0x3FA2] =	sst s6  }
0xf: {  	[smem:$0x3FA3] =	sst s7  }
0x10: {  	[smem:$0x3FA4] =	sst s8  }
0x11: {  	[smem:$0x3FA5] =	sst s9;
	s0 =	simm.s32 @!p0 $0x0  }
0x12: {  	s1 =	sld [smem:$0x3F8B];
	s0 =	simm.s32 @p0 $0x1  }
0x13: {  	[smem:$0x3FA6] =	sst s0;
	s0 =	simm.s32 @!p1 $0x0  }
0x14: {  	s2 =	sld [smem:$0x3F8A];
	s0 =	simm.s32 @p1 $0x1  }
0x15: {  	[smem:$0x3FA7] =	sst s0;
	s0 =	simm.s32 @!p2 $0x0  }
0x16: {  	s3 =	sld [smem:$0x3FDB];
	s0 =	simm.s32 @p2 $0x1  }
0x17: {  	s4 =	simm.s32 $0x1BF5;
	[smem:$0x3FA9] =	sst s0  }
0x18: {  	s0 =	sld [smem:$0x3F8C];
	_ =	swait.ge [sflag:s4], $0x0  }
0x19: {  	s7 =	sld [smem:$0x3F8D]  }
0x1a: {  	s8 =	sadd.s32 $0xFFFFE003, lr  }
0x1b: {  	s9 =	sadd.s32 $0xFFFFFEF7, lr;
	s5 =	simm.s32 $0xFFFFFFFF;
	p2 =	slt.u32 s8, $0xFFFFF086  }
0x1c: {  	p1 =	slt.u32 s9, $0xF7A;
	s5 =	simm.s32 @!p2 $0x0  }
0x1d: {  	s5 =	simm.s32 @p1 $0x1;
	p0 =	seq.s32 s7, s2  }
0x1e: {  	s7 =	smul.u32 @!p0 $0xF7A, s2;
	p2 =	seq.s32 @!p0 s5, $0x0  }
0x1f: {  	s9 =	smul.u32 $0xF7A, s1;
	s8 =	simm.s32 @!p0 $0x1BF5;
	p2 =	por !p2, p0  }
0x20: {  	[sflag:s8] =	ssyncset.s32 @!p0 $0xFFFFF086;
	s6 =	sadd.s32 @!p0 s3, s7;
	s7 =	simm.s32 @!p0 $0x108  }
0x21: {  	s3 =	sadd.s32 s3, s9;
	s6 =	sadd.s32 @!p0 $0x88, s6;
	s7 =	simm.s32 @p2 $0x1082  }
0x22: {  	[simem:s7], [sflag:s8] =	dma.local @!p0 [hbm:s6], $0xF7A  }
0x23: {  	s9 =	sor.u32 $0xD0000000, s2;
	s6 =	simm.s32 $0x108;
	_ =	swait.ge @!p0 [sflag:s8], $0x0  }
0x24: {  	s3 =	sadd.s32 $0x88, s3;
	s6 =	simm.s32 @!p1 $0x1082;
	[sflag:s4] =	ssyncset.s32 $0xFFFFF086  }
0x25: {  	[simem:s6], [sflag:s4] =	dma.local [hbm:s3], $0xF7A  }
0x26: {  	[smem:$0x3F8D] =	sst s1;
	(tag) =	ssettag s2;
	_ =	strace s9  }
0x27: {  	s1 =	sld [smem:$0x3F9D]  }
0x28: {  	s2 =	sld [smem:$0x3F9E]  }
0x29: {  	s4 =	sld [smem:$0x3FA0]  }
0x2a: {  	p0 =	seq.s32 s5, $0x0;
	s5 =	sld [smem:$0x3FA1]  }
0x2b: {  	s6 =	sld [smem:$0x3FA2]  }
0x2c: {  	s7 =	sld [smem:$0x3FA3]  }
0x2d: {  	s3 =	simm.s32 $0x108;
	s8 =	sld [smem:$0x3FA4]  }
0x2e: {  	s3 =	simm.s32 @!p0 $0x1082;
	s9 =	sld [smem:$0x3FA5]  }
0x2f: {  	lr =	sadd.s32 s0, s3;
	s0 =	sld [smem:$0x3F9C]  }
0x30: {  	s3 =	sld [smem:$0x3F9F]  }
0x31: {  	[smem:$0x3FA8] =	sst s10  }
0x32: {  	s10 =	sld [smem:$0x3FA6];
	_ =	sdelay $0x3  }
0x33: {  	p0 =	seq.s32 s10, $0x1;
	s10 =	sld [smem:$0x3FA8];
	_ =	sdelay $0x3  }
0x34: {  	[smem:$0x3FA8] =	sst s10  }
0x35: {  	s10 =	sld [smem:$0x3FA7];
	_ =	sdelay $0x3  }
0x36: {  	p1 =	seq.s32 s10, $0x1;
	s10 =	sld [smem:$0x3FA8];
	_ =	sdelay $0x3  }
0x37: {  	[smem:$0x3FA8] =	sst s10  }
0x38: {  	s10 =	sld [smem:$0x3FA9]  }
0x39: {  	_ = 	snop;
	(pc) =	sbr.ind lr, $3  }
0x3a: {  	_ = 	snop  }
0x3b: {  	_ = 	snop  }
0x3c: {  	p2 =	seq.s32 s10, $0x1;
	s10 =	sld [smem:$0x3FA8]  }
0x3d: {  	_ =	shalt  }
0x3e: {  	_ =	shalt  }
0x3f: {  	_ =	shalt  }
0x40: {  	_ =	shalt  }
0x41: {  	_ =	shalt  }
0x42: {  	_ =	shalt  }
0x43: {  	_ =	shalt  }
0x44: {  	_ =	shalt  }
0x45: {  	_ =	shalt  }
0x46: {  	_ =	shalt  }
0x47: {  	_ =	shalt  }
0x48: {  	_ =	shalt  }
0x49: {  	_ =	shalt  }
0x4a: {  	_ =	shalt  }
0x4b: {  	_ =	shalt  }
0x4c: {  	_ =	shalt  }
0x4d: {  	_ =	shalt  }
0x4e: {  	_ =	shalt  }
0x4f: {  	_ =	shalt  }
0x50: {  	_ =	shalt  }
0x51: {  	_ =	shalt  }
0x52: {  	_ =	shalt  }
0x53: {  	_ =	shalt  }
0x54: {  	_ =	shalt  }
0x55: {  	_ =	shalt  }
0x56: {  	_ =	shalt  }
0x57: {  	_ =	shalt  }
0x58: {  	_ =	shalt  }
0x59: {  	_ =	shalt  }
0x5a: {  	_ =	shalt  }
0x5b: {  	_ =	shalt  }
0x5c: {  	_ =	shalt  }
0x5d: {  	_ =	shalt  }
0x5e: {  	_ =	shalt  }
0x5f: {  	_ =	shalt  }
0x60: {  	_ =	shalt  }
0x61: {  	_ =	shalt  }
0x62: {  	_ =	shalt  }
0x63: {  	_ =	shalt  }
0x64: {  	_ =	shalt  }
0x65: {  	_ =	shalt  }
0x66: {  	_ =	shalt  }
0x67: {  	_ =	shalt  }
0x68: {  	_ =	shalt  }
0x69: {  	_ =	shalt  }
0x6a: {  	_ =	shalt  }
0x6b: {  	_ =	shalt  }
0x6c: {  	_ =	shalt  }
0x6d: {  	_ =	shalt  }
0x6e: {  	_ =	shalt  }
0x6f: {  	_ =	shalt  }
0x70: {  	_ =	shalt  }
0x71: {  	_ =	shalt  }
0x72: {  	_ =	shalt  }
0x73: {  	_ =	shalt  }
0x74: {  	_ =	shalt  }
0x75: {  	_ =	shalt  }
0x76: {  	_ =	shalt  }
0x77: {  	_ =	shalt  }
0x78: {  	_ =	shalt  }
0x79: {  	_ =	shalt  }
0x7a: {  	_ =	shalt  }
0x7b: {  	_ =	shalt  }
0x7c: {  	_ =	shalt  }
0x7d: {  	_ =	shalt  }
0x7e: {  	_ =	shalt  }
0x7f: {  	_ =	shalt  }
0x80: {  	_ =	shalt  }
0x81: {  	_ =	shalt  }
0x82: {  	_ =	shalt  }
0x83: {  	_ =	shalt  }
0x84: {  	_ =	shalt  }
0x85: {  	_ =	shalt  }
0x86: {  	_ =	shalt  }
0x87: {  	_ =	shalt  }
.Lfunc_end0:
.L_simem_size_0:
called_computation.1_lowered:
.L_overlay_start_0:
0x88: {  	s2 =	sld [smem:$0x3FD9]  }
0x89: {  	s3 =	sld [smem:$0x3FFE];
	_ =	sdelay $0x1  }
0x8a: {  	s1 =	srdreg.scid  }
0x8b: {  	s0 =	sand.u32 $0x1, s1  }
0x8c: {  	s17 =	sshll.u32 s0, $0xA;
	s2 =	sadd.s32 s3, s2  }
0x8d: {  	s2 =	sadd.s32 s2, s17  }
0x8e: {  	[smem:$0x3FB4] =	sst s2  }
0x8f: {  	_ = 	snop  }
0x90: {  	s2 =	sld [smem:$0x3FC9];
	(tm) =	ssettm $0x1  }
0x91: {  	s18 =	sld [smem:$0x3FFB];
	_ =	sdelay $0x3  }
0x92: {  	_ =	strace s18  }
0x93: {  	s3 =	sld [smem:$0x3FFC];
	_ =	sdelay $0x3  }
0x94: {  	_ =	strace s3  }
0x95: {  	s3 =	sld [smem:$0x3FFD];
	_ =	sdelay $0x3  }
0x96: {  	_ =	strace s3  }
0x97: {  	_ =	strace $0x8FFFFFFF  }
0x98: {  	s19 =	sld [smem:$0x3FDB];
	_ =	sdelay $0x1  }
0x99: {  	s4 =	simm.s32 $_scs_section_size  }
0x9a: {  	s5 =	simm.s32 $_size__tile_overlayer_lowered;
	s6 =	simm.s32 $_tile_overlayer_lowered  }
0x9b: {  	s22 =	simm.s32 $0x1BFF;
	s21 =	sshll.u32 s6, $0x1;
	s3 =	sadd.s32 s4, s19  }
0x9c: {  	s7 =	simm.s32 $0x0;
	s20 =	sshll.u32 s5, $0x1;
	s5 =	sadd.s32 s21, s3  }
0x9d: {  	[timem:s7], [sflag:s22] =	dma.local [hbm:s5], s20  }
0x9e: {  	_ =	swait.ge [sflag:s22], s20  }
0x9f: {  	s4 =	ssub.s32 $0x0, s20;
	[sflag:s22] =	ssyncset.done $0x0  }
0xa0: {  	[sflag:s22] =	ssyncadd.s32 s4;
	_ =	sdelay $0x1  }
0xa1: {  	s23 =	simm.s32 $0x1B8B  }
0xa2: {  	_ =	swait.ge [sflag:s23], $0x1  }
0xa3: {  	[sflag:s23] =	ssyncset.done $0x0  }
0xa4: {  	s25 =	simm.s32 $0x1B8E;
	s24 =	sld [smem:$0x3FFE];
	[sflag:s23] =	ssyncadd.s32 $0xFFFFFFFF  }
0xa5: {  	s26 =	simm.s32 $execute0_lowered;
	[smem:$0x3FD2] =	sst s25  }
0xa6: {  	s5 =	sshll.u32 s26, $0x1;
	_ =	strace $0x80000046;
	[dreg:$0x1] =	wrdreg $0xFFFFFFFF  }
0xa7: {  	s28 =	simm.s32 $_size_execute0_lowered;
	s3 =	sadd.s32 s3, s5;
	[dreg:$0x0] =	wrdreg $0x0  }
0xa8: {  	s5 =	sshll.u32 s28, $0x1;
	[dreg:$0x2] =	wrdreg s3  }
0xa9: {  	[dreg:$0x3] =	wrdreg s5  }
0xaa: {  	[dreg:$0x4] =	wrdreg $0xC0  }
0xab: {  	_ =	task [dreg:s7], $0x5FFFF  }
0xac: {  	[dreg:$0x1] =	wrdreg $0xFFFFFFFF  }
0xad: {  	[dreg:$0x0] =	wrdreg $0x60  }
0xae: {  	[dreg:$0x2] =	wrdreg s24  }
0xaf: {  	[dreg:$0x3] =	wrdreg s2  }
0xb0: {  	[dreg:$0x4] =	wrdreg $0xA  }
0xb1: {  	_ =	task.clear_ibuf [dreg:s7], $0x5FFFF;
	_ =	strace $0x90000046  }
0xb2: {  	s29 =	simm.s32 $0xA;
	_ =	strace $0x80000048  }
0xb3: {  	_ =	swait.ge [sflag:s29], $0x1  }
0xb4: {  	[sflag:s29] =	ssyncadd.s32 $0xFFFFFFFF  }
0xb5: {  	_ =	strace $0x90000048  }
0xb6: {  	_ =	sfence  }
0xb7: {  	s30 =	sld [smem:$0x0];
	_ =	sdelay $0x2  }
0xb8: {  	s31 =	sshll.u32 s1, $0xD;
	s1 =	sshrl.u32 s1, $0x2  }
0xb9: {  	s3 =	sand.u32 $0x4000, s31;
	s1 =	sadd.s32 s1, s30  }
0xba: {  	s0 =	sor.u32 s3, s0;
	s1 =	sshll.u32 s1, $0x11  }
0xbb: {  	s0 =	sor.u32 s1, s0  }
0xbc: {  	s0 =	sadd.s32 $0x8F2B, s0  }
0xbd: {  	[sflag:s0] =	ssyncadd.remote.s32 $0x1  }
0xbe: {  	_ =	sfence.sel $0xFFFF  }
0xbf: {  	[dreg:$0x0] =	wrdreg $0xFFFFFFFF;
	(pc) =	sbr.abs _section_cstart, $3  }
0xc0: {  	[dreg:$0x1] =	wrdreg $0xFFFFFFFF  }
0xc1: {  	_ =	task.clear_ibuf [dreg:s7], $0x2FFFF;
	_ =	strace $0x9FFFFFFF  }
0xc2: {  	(tm) =	ssettm $0x7FFFFFFF  }
0xc3: {  	_ =	shalt  }
tec
execute0_lowered:
.L_overlay_start_1:
0x0: {  	(tag) =	ssettag $0x1  }
0x1: {  	s4 =	rddreg [dreg:$0x0]  }
0x2: {  	s5 =	rddreg [dreg:$0x1]  }
0x3: {  	s0 =	rddreg [dreg:$0x2];
	s2 =	simm.s32 $0x0;
	s3 =	srdreg.scid  }
0x4: {  	s1 =	stileid.u32;
	s10 =	simm.s32 $0x0;
	s6 =	sand.u32 $0x1, s3  }
0x5: {  	[smem:$0x7FF] =	sst s2;
	s7 =	sshll.u32 s1, $0xA;
	s8 =	sshll.u32 s6, $0x9  }
0x6: {  	s3 =	sadd.s32 $0x2C00, s4;
	s6 =	ssub.s32 $0x2, s6;
	s7 =	sor.u32 s8, s7  }
0x7: {  	_ =	strace $0x80000047;
	s9 =	sshrl.u32 s6, $0x1;
	s8 =	sshll.u32 s7, $0x4  }
0x8: {  	s7 =	sshrl.u32 s7, $0x3;
	s6 =	ssub.s32 s6, s9;
	s9 =	simm.s32 $0x200  }
0x9: {  	s8 =	sadd.s32 s8, s4;
	s4 =	sadd.s32 s5, s7;
	s6 =	smax.u32 s6, $0x1  }
0xa: {  	s7 =	simm.s32 $0x2;
	s5 =	sadd.s32 $0xF45000, s8;
	s8 =	simm.s32 $0x1  }
.LBB2_1:
0xb: {  	[tilespmem:s2], [sflag:$0x2] =	stream.linear.gather [hbm4b:s4+s2], $0x200, $0x38;
	[tilespmem:$0x10200] =	vst v63  }
0xc: {  	_ =	swait.ge [sflag:s7], $0x200  }
0xd: {  	[sflag:s7] =	ssyncset.done $0x0  }
0xe: {  	[sflag:s7] =	ssyncadd.s32 $0xFFFFFE00  }
0xf: {  	v0 =	vld [tilespmem:s2+$0x0];
	_ =	sdelay $0x4  }
0x10: {  	v0 =	vshll.u32 v0, $0x4  }
0x11: {  	(v2sf) =	vpush v0, $0x0  }
0x12: {  	(v2sf) =	vpush v0, $0x1  }
0x13: {  	(v2sf) =	vpush v0, $0x2;
	_ =	sdelay $0x1  }
0x14: {  	(v2sf) =	vpush v0, $0x4;
	_ =	sdelay $0x1  }
0x15: {  	(v2sf) =	vpush v0, $0x3  }
0x16: {  	(v2sf) =	vpush v0, $0x5  }
0x17: {  	s12 =	simm.s32 $0x2000;
	s11 =	simm.s32 $0x0;
	s13 =	simm.s32 $0x0;
	(v2sf) =	vpush v0, $0x6  }
.LBB2_2:
0x18: {  	p0 =	sne.s32 s12, $0x3E000  }
0x19: {  	s23 =	sadd.s32 $0x280, s11;
	s17 =	sadd.s32 $0x780, s11;
	s14 =	smov.u32 s12  }
0x1a: {  	s12 =	sadd.s32 $0x2000, s12;
	s20 =	sadd.s32 $0x580, s11;
	s15 =	sadd.s32 $0x800, s11;
	(v2sf) =	vpush v0, $0x7  }
0x1b: {  	s22 =	sadd.s32 $0x480, s11;
	s19 =	sadd.s32 $0x600, s11;
	s16 =	sadd.s32 $0x880, s11  }
0x1c: {  	s24 =	sadd.s32 $0x200, s11;
	s25 =	sadd.s32 $0x400, s11;
	(v2sf) =	vpush v0, $0x8  }
0x1d: {  	s26 =	sadd.s32 $0x500, s11;
	s13 =	sadd.s32 $0x10, s13  }
0x1e: {  	s28 =	sadd.s32 $0x300, s11;
	s18 =	sadd.s32 $0x700, s11;
	s21 =	spop (v2sf);
	(v2sf) =	vpush v0, $0x9  }
0x1f: {  	s29 =	sand.u32 $0x1FFFFFF0, s21;
	s21 =	sadd.s32 $0x680, s11;
	s30 =	spop (v2sf)  }
0x20: {  	s29 =	sadd.s32 s3, s29;
	s30 =	sand.u32 $0x1FFFFFF0, s30;
	s31 =	spop (v2sf);
	(v2sf) =	vpush v0, $0xA  }
0x21: {  	[tilespmem:s24], [sflag:$0x1] =	stream.linear.gather [hbm4b:s29+s2], $0x80, $0x38;
	[tilespmem:$0x10200] =	vst v63  }
0x22: {  	s24 =	sadd.s32 s3, s30;
	s29 =	sadd.s32 $0x380, s11;
	s30 =	spop (v2sf);
	(v2sf) =	vpush v0, $0xB  }
0x23: {  	[tilespmem:s23], [sflag:$0x1] =	stream.linear.gather [hbm4b:s24+s2], $0x80, $0x38;
	[tilespmem:$0x10200] =	vst v63  }
0x24: {  	s23 =	sand.u32 $0x1FFFFFF0, s31;
	s24 =	sand.u32 $0x1FFFFFF0, s30;
	s30 =	spop (v2sf);
	(v2sf) =	vpush v0, $0xC  }
0x25: {  	s23 =	sadd.s32 s3, s23;
	s30 =	sand.u32 $0x1FFFFFF0, s30;
	s31 =	spop (v2sf)  }
0x26: {  	[tilespmem:s28], [sflag:$0x1] =	stream.linear.gather [hbm4b:s23+s2], $0x80, $0x38;
	(v2sf) =	vpush v0, $0xD;
	[tilespmem:$0x10200] =	vst v63  }
0x27: {  	s23 =	sadd.s32 s3, s30;
	s28 =	sand.u32 $0x1FFFFFF0, s31;
	s30 =	spop (v2sf)  }
0x28: {  	[tilespmem:s29], [sflag:$0x1] =	stream.linear.gather [hbm4b:s23+s2], $0x80, $0x38;
	(v2sf) =	vpush v0, $0xE;
	[tilespmem:$0x10200] =	vst v63  }
0x29: {  	s23 =	sadd.s32 s3, s24;
	s24 =	sand.u32 $0x1FFFFFF0, s30;
	s29 =	spop (v2sf)  }
0x2a: {  	[tilespmem:s25], [sflag:$0x1] =	stream.linear.gather [hbm4b:s23+s2], $0x80, $0x38;
	(v2sf) =	vpush v0, $0xF;
	[tilespmem:$0x10200] =	vst v63  }
0x2b: {  	s23 =	sadd.s32 s3, s28;
	s25 =	sand.u32 $0x1FFFFFF0, s29;
	s28 =	spop (v2sf)  }
0x2c: {  	[tilespmem:s22], [sflag:$0x1] =	stream.linear.gather [hbm4b:s23+s2], $0x80, $0x38;
	[tilespmem:$0x10200] =	vst v63  }
0x2d: {  	s22 =	sadd.s32 s3, s24;
	s23 =	sand.u32 $0x1FFFFFF0, s28;
	s24 =	spop (v2sf)  }
0x2e: {  	[tilespmem:s26], [sflag:$0x1] =	stream.linear.gather [hbm4b:s22+s2], $0x80, $0x38;
	[tilespmem:$0x10200] =	vst v63  }
0x2f: {  	s22 =	sadd.s32 s3, s25;
	s24 =	sand.u32 $0x1FFFFFF0, s24;
	s25 =	spop (v2sf)  }
0x30: {  	[tilespmem:s20], [sflag:$0x1] =	stream.linear.gather [hbm4b:s22+s2], $0x80, $0x38;
	[tilespmem:$0x10200] =	vst v63  }
0x31: {  	s20 =	sadd.s32 s3, s23;
	s22 =	sand.u32 $0x1FFFFFF0, s25;
	s23 =	spop (v2sf)  }
0x32: {  	[tilespmem:s19], [sflag:$0x1] =	stream.linear.gather [hbm4b:s20+s2], $0x80, $0x38;
	[tilespmem:$0x10200] =	vst v63  }
0x33: {  	s19 =	sadd.s32 s3, s24;
	s20 =	sand.u32 $0x1FFFFFF0, s23;
	s23 =	spop (v2sf)  }
0x34: {  	[tilespmem:s21], [sflag:$0x1] =	stream.linear.gather [hbm4b:s19+s2], $0x80, $0x38;
	[tilespmem:$0x10200] =	vst v63  }
0x35: {  	s19 =	sadd.s32 s3, s22;
	s21 =	sand.u32 $0x1FFFFFF0, s23;
	s22 =	spop (v2sf)  }
0x36: {  	[tilespmem:s18], [sflag:$0x1] =	stream.linear.gather [hbm4b:s19+s2], $0x80, $0x38;
	[tilespmem:$0x10200] =	vst v63  }
0x37: {  	s18 =	sadd.s32 s3, s20;
	s19 =	sand.u32 $0x1FFFFFF0, s22;
	s20 =	spop (v2sf)  }
0x38: {  	[tilespmem:s17], [sflag:$0x1] =	stream.linear.gather [hbm4b:s18+s2], $0x80, $0x38;
	[tilespmem:$0x10200] =	vst v63  }
0x39: {  	s17 =	sadd.s32 s3, s21;
	s18 =	sand.u32 $0x1FFFFFF0, s20;
	s20 =	spop (v2sf)  }
0x3a: {  	[tilespmem:s15], [sflag:$0x1] =	stream.linear.gather [hbm4b:s17+s2], $0x80, $0x38;
	[tilespmem:$0x10200] =	vst v63  }
0x3b: {  	s15 =	sadd.s32 s3, s19;
	s17 =	sand.u32 $0x1FFFFFF0, s20  }
0x3c: {  	[tilespmem:s16], [sflag:$0x1] =	stream.linear.gather [hbm4b:s15+s2], $0x80, $0x38;
	[tilespmem:$0x10200] =	vst v63  }
0x3d: {  	s15 =	sadd.s32 $0x900, s11;
	s16 =	sadd.s32 s3, s18  }
0x3e: {  	[tilespmem:s15], [sflag:$0x1] =	stream.linear.gather [hbm4b:s16+s2], $0x80, $0x38;
	[tilespmem:$0x10200] =	vst v63  }
0x3f: {  	s11 =	sadd.s32 $0x980, s11;
	s15 =	sadd.s32 s3, s17  }
0x40: {  	[tilespmem:s11], [sflag:$0x1] =	stream.linear.gather [hbm4b:s15+s2], $0x80, $0x38;
	[tilespmem:$0x10200] =	vst v63  }
0x41: {  	v0 =	vld [tilespmem:s13+$0x0];
	_ =	sdelay $0x4  }
0x42: {  	v0 =	vshll.u32 v0, $0x4  }
0x43: {  	(v2sf) =	vpush v0, $0x0  }
0x44: {  	(v2sf) =	vpush v0, $0x1  }
0x45: {  	(v2sf) =	vpush v0, $0x2;
	_ =	sdelay $0x1  }
0x46: {  	(v2sf) =	vpush v0, $0x4  }
.Ltmp0:
0x47: {  	(pc) =	sbr.rel @p0 .LBB2_2-.Ltmp0, $3  }
0x48: {  	(v2sf) =	vpush v0, $0x3  }
0x49: {  	(v2sf) =	vpush v0, $0x5;
	_ =	sdelay $0x1  }
0x4a: {  	s11 =	sshra.s32 s14, $0x2;
	(v2sf) =	vpush v0, $0x6  }
0x4b: {  	_ =	sdelay $0x1  }
0x4c: {  	s15 =	sadd.s32 $0x280, s11;
	s14 =	sadd.s32 $0x780, s11  }
0x4d: {  	s16 =	sadd.s32 $0x580, s11;
	s12 =	sadd.s32 $0x800, s11;
	(v2sf) =	vpush v0, $0x7;
	s17 =	sadd.s32 $0x480, s11  }
0x4e: {  	s18 =	sadd.s32 $0x600, s11;
	s13 =	sadd.s32 $0x880, s11;
	s19 =	sadd.s32 $0x200, s11  }
0x4f: {  	s20 =	sadd.s32 $0x400, s11;
	s21 =	sadd.s32 $0x500, s11;
	(v2sf) =	vpush v0, $0x8;
	s22 =	spop (v2sf)  }
0x50: {  	s23 =	sadd.s32 $0x300, s11;
	s22 =	sand.u32 $0x1FFFFFF0, s22;
	s24 =	spop (v2sf)  }
0x51: {  	(v2sf) =	vpush v0, $0x9;
	s22 =	sadd.s32 s3, s22;
	s24 =	sand.u32 $0x1FFFFFF0, s24;
	s25 =	spop (v2sf)  }
0x52: {  	[tilespmem:s19], [sflag:$0x1] =	stream.linear.gather [hbm4b:s22+s2], $0x80, $0x38;
	[tilespmem:$0x10200] =	vst v63  }
0x53: {  	s26 =	sadd.s32 $0x380, s11;
	(v2sf) =	vpush v0, $0xA;
	s30 =	sadd.s32 s3, s24;
	s31 =	spop (v2sf)  }
0x54: {  	[tilespmem:s15], [sflag:$0x1] =	stream.linear.gather [hbm4b:s30+s2], $0x80, $0x38;
	[tilespmem:$0x10200] =	vst v63  }
0x55: {  	s19 =	sadd.s32 $0x700, s11;
	s28 =	sand.u32 $0x1FFFFFF0, s25;
	(v2sf) =	vpush v0, $0xB;
	s29 =	spop (v2sf)  }
0x56: {  	s22 =	sadd.s32 s3, s28;
	s15 =	sadd.s32 $0x680, s11;
	s25 =	sand.u32 $0x1FFFFFF0, s29  }
0x57: {  	(v2sf) =	vpush v0, $0xC;
	[tilespmem:s23], [sflag:$0x1] =	stream.linear.gather [hbm4b:s22+s2], $0x80, $0x38;
	[tilespmem:$0x10200] =	vst v63  }
0x58: {  	s30 =	sand.u32 $0x1FFFFFF0, s31;
	s31 =	spop (v2sf);
	s28 =	sadd.s32 s3, s25  }
0x59: {  	(v2sf) =	vpush v0, $0xD;
	[tilespmem:s26], [sflag:$0x1] =	stream.linear.gather [hbm4b:s28+s2], $0x80, $0x38;
	[tilespmem:$0x10200] =	vst v63  }
0x5a: {  	s22 =	sadd.s32 s3, s30;
	s23 =	sand.u32 $0x1FFFFFF0, s31;
	s29 =	spop (v2sf)  }
0x5b: {  	(v2sf) =	vpush v0, $0xE;
	[tilespmem:s20], [sflag:$0x1] =	stream.linear.gather [hbm4b:s22+s2], $0x80, $0x38;
	[tilespmem:$0x10200] =	vst v63  }
0x5c: {  	s23 =	sadd.s32 s3, s23;
	s30 =	sand.u32 $0x1FFFFFF0, s29;
	s31 =	spop (v2sf)  }
0x5d: {  	(v2sf) =	vpush v0, $0xF;
	[tilespmem:s17], [sflag:$0x1] =	stream.linear.gather [hbm4b:s23+s2], $0x80, $0x38;
	[tilespmem:$0x10200] =	vst v63  }
0x5e: {  	s24 =	sand.u32 $0x1FFFFFF0, s31;
	s25 =	spop (v2sf);
	s20 =	sadd.s32 s3, s30  }
0x5f: {  	[tilespmem:s21], [sflag:$0x1] =	stream.linear.gather [hbm4b:s20+s2], $0x80, $0x38;
	[tilespmem:$0x10200] =	vst v63  }
0x60: {  	s26 =	sand.u32 $0x1FFFFFF0, s25;
	s17 =	sadd.s32 s3, s24;
	s28 =	spop (v2sf)  }
0x61: {  	[tilespmem:s16], [sflag:$0x1] =	stream.linear.gather [hbm4b:s17+s2], $0x80, $0x38;
	[tilespmem:$0x10200] =	vst v63  }
0x62: {  	s20 =	sadd.s32 s3, s26;
	s29 =	sand.u32 $0x1FFFFFF0, s28;
	s30 =	spop (v2sf)  }
0x63: {  	[tilespmem:s18], [sflag:$0x1] =	stream.linear.gather [hbm4b:s20+s2], $0x80, $0x38;
	[tilespmem:$0x10200] =	vst v63  }
0x64: {  	s17 =	sand.u32 $0x1FFFFFF0, s30;
	s16 =	sadd.s32 s3, s29;
	s31 =	spop (v2sf)  }
0x65: {  	[tilespmem:s15], [sflag:$0x1] =	stream.linear.gather [hbm4b:s16+s2], $0x80, $0x38;
	[tilespmem:$0x10200] =	vst v63  }
0x66: {  	s17 =	sadd.s32 s3, s17;
	s20 =	sand.u32 $0x1FFFFFF0, s31;
	s21 =	spop (v2sf)  }
0x67: {  	[tilespmem:s19], [sflag:$0x1] =	stream.linear.gather [hbm4b:s17+s2], $0x80, $0x38;
	[tilespmem:$0x10200] =	vst v63  }
0x68: {  	s15 =	sadd.s32 s3, s20;
	s16 =	sand.u32 $0x1FFFFFF0, s21;
	s22 =	spop (v2sf)  }
0x69: {  	[tilespmem:s14], [sflag:$0x1] =	stream.linear.gather [hbm4b:s15+s2], $0x80, $0x38;
	[tilespmem:$0x10200] =	vst v63  }
0x6a: {  	s23 =	sand.u32 $0x1FFFFFF0, s22;
	s16 =	sadd.s32 s3, s16;
	s24 =	spop (v2sf)  }
0x6b: {  	[tilespmem:s12], [sflag:$0x1] =	stream.linear.gather [hbm4b:s16+s2], $0x80, $0x38;
	[tilespmem:$0x10200] =	vst v63  }
0x6c: {  	s25 =	sand.u32 $0x1FFFFFF0, s24;
	s26 =	spop (v2sf);
	s14 =	sadd.s32 s3, s23  }
0x6d: {  	[tilespmem:s13], [sflag:$0x1] =	stream.linear.gather [hbm4b:s14+s2], $0x80, $0x38;
	[tilespmem:$0x10200] =	vst v63  }
0x6e: {  	s29 =	sadd.s32 $0x900, s11;
	s28 =	sand.u32 $0x1FFFFFF0, s26;
	s12 =	sadd.s32 s3, s25  }
0x6f: {  	[tilespmem:s29], [sflag:$0x1] =	stream.linear.gather [hbm4b:s12+s2], $0x80, $0x38;
	[tilespmem:$0x10200] =	vst v63  }
0x70: {  	s30 =	sadd.s32 $0x980, s11;
	s31 =	sadd.s32 s3, s28  }
0x71: {  	[tilespmem:s30], [sflag:$0x1] =	stream.linear.gather [hbm4b:s31+s2], $0x80, $0x38;
	[tilespmem:$0x10200] =	vst v63  }
0x72: {  	s10 =	sadd.s32 $0x1, s10;
	_ =	swait.ge [sflag:s8], $0x10000  }
0x73: {  	p0 =	sne.s32 s10, s6;
	[sflag:s8] =	ssyncset.done $0x0  }
.Ltmp1:
0x74: {  	[sflag:s8] =	ssyncadd.s32 $0xFFFF0000;
	(pc) =	sbr.rel @p0 .LBB2_1-.Ltmp1, $4  }
0x75: {  	[hbm4b:s5+s2] =	stream.linear.scatter [tilespmem:s9], [sflag:$0x2], $0x10000, $0x38;
	[tilespmem:$0x10200] =	vst v63  }
0x76: {  	_ =	swait.ge [sflag:s7], $0x10000  }
0x77: {  	[sflag:s7] =	ssyncset.done $0x0  }
0x78: {  	[sflag:s7] =	ssyncadd.s32 $0xFFFF0000  }
0x79: {  	_ =	sfence.sel $0x180000  }
0x7a: {  	[bflag:$0x0] =	sbarrier.arrive $0xFFFF  }
0x7b: {  	p0 =	sne.s32 s1, $0x0;
	_ =	strace $0x90000047  }
0x7c: {  	s0 =	sadd.s32 @!p0 $0x100000, s0;
	[bflag:$0x2] =	sbarrier.arrive $0xFFFF  }
0x7d: {  	[sflag:s0] =	ssyncadd.tile.s32 @!p0 $0x1;
	_ =	shalt  }
.Lfunc_end2:
_tile_overlayer_lowered:
.L_overlay_start_2:
0x7e: {  	(tag) =	ssettag $0x2  }
0x7f: {  	s0 =	rddreg [dreg:$0x0];
	s2 =	stileid.u32  }
0x80: {  	s1 =	rddreg [dreg:$0x1];
	p0 =	sne.s32 s2, $0x0  }
0x81: {  	s3 =	rddreg [dreg:$0x2];
	[bflag:$0x3] =	sbarrier.arrive $0xFFFF;
	s2 =	simm.s32 @!p0 $0x1C02  }
0x82: {  	[timem:s3], [sflag:s2] =	dma.local @!p0 [hbm:s0], s1  }
0x83: {  	s0 =	simm.s32 @!p0 $0x2  }
0x84: {  	_ =	swait.ge @!p0 [sflag:s0], s1  }
0x85: {  	s1 =	ssub.s32 @!p0 $0x0, s1;
	[sflag:s0] =	ssyncset.done @!p0 $0x0  }
0x86: {  	[sflag:s0] =	ssyncadd.s32 @!p0 s1  }
0x87: {  	[bflag:$0x3] =	sbarrier.arrive $0xFFFF  }
0x88: {  	_ =	shalt  }

</sc_bundles>
